<compile_context>
chip_gen: v7x
topology: tpu7x:2x2x1
jax: 0.10.2.dev20260603
libtpu: 0.0.44.dev20260713+nightly
codegen_flags: <defaults>
</compile_context>

<pallas_src>
import jax
import jax.numpy as jnp
from jax import lax
from jax.experimental import pallas as pl
from jax.experimental.pallas import tpu as pltpu
from jax.experimental.pallas import tpu_sc as plsc

NN = 10000
EE = 320000
DD = 128
HH = 32
NC = 2
NS = 16
NW = NC * NS
NP = 10240
RPT = NP // NS
CH = 80
NCHUNK = 125
EPT = CH * NCHUNK
NW4 = NP // 4
ND8 = NP // 8

_f32 = jnp.float32
_i32 = jnp.int32


def _sc_mesh():
    return plsc.VectorSubcoreMesh(core_axis_name="c", subcore_axis_name="s")


def _sc_params():
    return pltpu.CompilerParams(use_tc_tiling_on_sc=False)



def _deg_body(dstg, ones32, zeros32, deg_out, dst_v, ones_v, buf_v,
              sem_a, sem_b, sem_c, sem_s, deg_sh):
    c = lax.axis_index("c")
    s = lax.axis_index("s")
    w = s * NC + c
    rs = s * RPT
    a1 = pltpu.async_copy(dstg.at[w], dst_v, sem_a)
    a2 = pltpu.async_copy(ones32, ones_v, sem_b)
    a3 = pltpu.async_copy(zeros32, buf_v, sem_c)
    a3.wait()
    b3 = pltpu.async_copy(buf_v, deg_sh.at[pl.ds(rs, RPT)], sem_c)
    a1.wait()
    a2.wait()
    b3.wait()
    plsc.subcore_barrier()

    def chunk(i, carry):
        pltpu.async_copy(ones_v, deg_sh.at[dst_v.at[i]], sem_s, add=True)

        @pl.when(i >= 8)
        def _():
            pltpu.make_async_copy(ones_v, deg_sh.at[dst_v.at[i - 8]],
                                  sem_s).wait()

        return carry

    lax.fori_loop(0, NCHUNK, chunk, 0)
    for t in range(8):
        pltpu.make_async_copy(ones_v, deg_sh.at[dst_v.at[NCHUNK - 8 + t]],
                              sem_s).wait()
    plsc.subcore_barrier()
    pltpu.sync_copy(deg_sh.at[pl.ds(rs, RPT)], buf_v)
    pltpu.sync_copy(buf_v, deg_out.at[c, pl.ds(rs, RPT)])


def _deg_call(dstg, ones32, zeros32):
    fn = pl.kernel(
        _deg_body,
        out_type=jax.ShapeDtypeStruct((NC, NP, HH), _f32),
        mesh=_sc_mesh(),
        compiler_params=_sc_params(),
        scratch_types=[
            pltpu.VMEM((NCHUNK, CH), _i32),
            pltpu.VMEM((CH, HH), _f32),
            pltpu.VMEM((RPT, HH), _f32),
            pltpu.SemaphoreType.DMA,
            pltpu.SemaphoreType.DMA,
            pltpu.SemaphoreType.DMA,
            pltpu.SemaphoreType.DMA,
            pltpu.VMEM_SHARED((NP, HH), _f32),
        ],
    )
    return fn(dstg, ones32, zeros32)



def _prop_body(hws, srcg, dstg, zeros32, z_out, src_v, dst_v, rows_v, buf_v,
               buf2_v, sem_g, sem_s, sem_a, sem_b, sem_c, sem_d,
               table_sh, z_sh):
    c = lax.axis_index("c")
    s = lax.axis_index("s")
    w = s * NC + c
    rs = s * RPT
    a1 = pltpu.async_copy(srcg.at[w], src_v, sem_a)
    a2 = pltpu.async_copy(dstg.at[w], dst_v, sem_b)
    a3 = pltpu.async_copy(hws.at[pl.ds(rs, RPT)], buf_v, sem_c)
    a4 = pltpu.async_copy(zeros32, buf2_v, sem_d)
    a3.wait()
    b3 = pltpu.async_copy(buf_v, table_sh.at[pl.ds(rs, RPT)], sem_c)
    a4.wait()
    b4 = pltpu.async_copy(buf2_v, z_sh.at[pl.ds(rs, RPT)], sem_d)
    a1.wait()
    a2.wait()
    b3.wait()
    b4.wait()
    plsc.subcore_barrier()

    pltpu.async_copy(table_sh.at[src_v.at[0]], rows_v.at[pl.ds(0, CH)], sem_g)
    pltpu.async_copy(table_sh.at[src_v.at[1]], rows_v.at[pl.ds(CH, CH)], sem_g)
    pltpu.async_copy(table_sh.at[src_v.at[2]],
                     rows_v.at[pl.ds(2 * CH, CH)], sem_g)

    def chunk(i, carry):
        off = (i & 3) * CH
        noff = ((i + 3) & 3) * CH
        pltpu.make_async_copy(table_sh.at[src_v.at[i]],
                              rows_v.at[pl.ds(off, CH)], sem_g).wait()
        pltpu.async_copy(rows_v.at[pl.ds(off, CH)], z_sh.at[dst_v.at[i]],
                         sem_s, add=True)

        @pl.when(i + 3 < NCHUNK)
        def _():
            @pl.when(i >= 1)
            def _():
                pltpu.make_async_copy(rows_v.at[pl.ds(noff, CH)],
                                      z_sh.at[dst_v.at[i - 1]], sem_s).wait()
            pltpu.async_copy(table_sh.at[src_v.at[i + 3]],
                             rows_v.at[pl.ds(noff, CH)], sem_g)

        return carry

    lax.fori_loop(0, NCHUNK, chunk, 0)
    for t in range(4):
        pltpu.make_async_copy(rows_v.at[pl.ds(0, CH)],
                              z_sh.at[dst_v.at[NCHUNK - 4 + t]], sem_s).wait()
    plsc.subcore_barrier()
    pltpu.sync_copy(z_sh.at[pl.ds(rs, RPT)], buf_v)
    pltpu.sync_copy(buf_v, z_out.at[c, pl.ds(rs, RPT)])


def _prop_call(hws, srcg, dstg, zeros32):
    fn = pl.kernel(
        _prop_body,
        out_type=jax.ShapeDtypeStruct((NC, NP, HH), _f32),
        mesh=_sc_mesh(),
        compiler_params=_sc_params(),
        scratch_types=[
            pltpu.VMEM((NCHUNK, CH), _i32),
            pltpu.VMEM((NCHUNK, CH), _i32),
            pltpu.VMEM((4 * CH, HH), _f32),
            pltpu.VMEM((RPT, HH), _f32),
            pltpu.VMEM((RPT, HH), _f32),
            pltpu.SemaphoreType.DMA,
            pltpu.SemaphoreType.DMA,
            pltpu.SemaphoreType.DMA,
            pltpu.SemaphoreType.DMA,
            pltpu.SemaphoreType.DMA,
            pltpu.SemaphoreType.DMA,
            pltpu.VMEM_SHARED((NP, HH), _f32),
            pltpu.VMEM_SHARED((NP, HH), _f32),
        ],
    )
    return fn(hws, srcg, dstg, zeros32)



_TCW = 320


def _tc1a_body(xw_ref, wb_ref, hw_ref):
    hw_ref[...] = jnp.dot(xw_ref[...], wb_ref[...],
                          preferred_element_type=_f32)


def _tc1a_call(xw, W1b):
    return pl.pallas_call(
        _tc1a_body,
        grid=(NW4 // _TCW,),
        in_specs=[
            pl.BlockSpec((_TCW, 4 * DD), lambda i: (i, 0)),
            pl.BlockSpec((4 * DD, 4 * HH), lambda i: (0, 0)),
        ],
        out_specs=pl.BlockSpec((_TCW, 4 * HH), lambda i: (i, 0)),
        out_shape=jax.ShapeDtypeStruct((NW4, 4 * HH), _f32),
    )(xw, W1b)


def _tc1b_body(degp_ref, hw_ref, disw_ref, hws_ref):
    deg = degp_ref[0] + degp_ref[1] + 1.0
    disw = lax.rsqrt(deg)
    disw_ref[...] = disw
    hws_ref[...] = hw_ref[...] * disw


def _tc1b_call(degpw, hw1):
    return pl.pallas_call(
        _tc1b_body,
        grid=(NW4 // _TCW,),
        in_specs=[
            pl.BlockSpec((NC, _TCW, 4 * HH), lambda i: (0, i, 0)),
            pl.BlockSpec((_TCW, 4 * HH), lambda i: (i, 0)),
        ],
        out_specs=(
            pl.BlockSpec((_TCW, 4 * HH), lambda i: (i, 0)),
            pl.BlockSpec((_TCW, 4 * HH), lambda i: (i, 0)),
        ),
        out_shape=(
            jax.ShapeDtypeStruct((NW4, 4 * HH), _f32),
            jax.ShapeDtypeStruct((NW4, 4 * HH), _f32),
        ),
    )(degpw, hw1)


def _tc_mid_body(zp_ref, hws_ref, disw_ref, b_ref, wb_ref, out_ref):
    agg = zp_ref[0] + zp_ref[1] + hws_ref[...]
    disw = disw_ref[...]
    h = jnp.maximum(agg * disw + b_ref[...], 0.0)
    out_ref[...] = jnp.dot(h, wb_ref[...], preferred_element_type=_f32) * disw


def _tc_mid_call(zpw, hws, disw, bw, Wb):
    return pl.pallas_call(
        _tc_mid_body,
        grid=(NW4 // _TCW,),
        in_specs=[
            pl.BlockSpec((NC, _TCW, 4 * HH), lambda i: (0, i, 0)),
            pl.BlockSpec((_TCW, 4 * HH), lambda i: (i, 0)),
            pl.BlockSpec((_TCW, 4 * HH), lambda i: (i, 0)),
            pl.BlockSpec((1, 4 * HH), lambda i: (0, 0)),
            pl.BlockSpec((4 * HH, 4 * HH), lambda i: (0, 0)),
        ],
        out_specs=pl.BlockSpec((_TCW, 4 * HH), lambda i: (i, 0)),
        out_shape=jax.ShapeDtypeStruct((NW4, 4 * HH), _f32),
    )(zpw, hws, disw, bw, Wb)


def _tc4_body(zp_ref, hws_ref, disw_ref, b3_ref, m1w_ref, m1b_ref, m2w_ref,
              m2b_ref, out_ref):
    agg = zp_ref[0] + zp_ref[1] + hws_ref[...]
    h = jnp.maximum(agg * disw_ref[...] + b3_ref[...], 0.0)
    h = jnp.maximum(jnp.dot(h, m1w_ref[...], preferred_element_type=_f32)
                    + m1b_ref[...], 0.0)
    h = jnp.maximum(jnp.dot(h, m2w_ref[...], preferred_element_type=_f32)
                    + m2b_ref[...], 0.0)
    out_ref[...] = h


def _tc4_call(zpw, hws, disw, b3w, M1Wb, M1bw, M2Wb, M2bw):
    return pl.pallas_call(
        _tc4_body,
        grid=(NW4 // _TCW,),
        in_specs=[
            pl.BlockSpec((NC, _TCW, 4 * HH), lambda i: (0, i, 0)),
            pl.BlockSpec((_TCW, 4 * HH), lambda i: (i, 0)),
            pl.BlockSpec((_TCW, 4 * HH), lambda i: (i, 0)),
            pl.BlockSpec((1, 4 * HH), lambda i: (0, 0)),
            pl.BlockSpec((4 * HH, 4 * 64), lambda i: (0, 0)),
            pl.BlockSpec((1, 4 * 64), lambda i: (0, 0)),
            pl.BlockSpec((4 * 64, 4 * HH), lambda i: (0, 0)),
            pl.BlockSpec((1, 4 * HH), lambda i: (0, 0)),
        ],
        out_specs=pl.BlockSpec((_TCW, 4 * HH), lambda i: (i, 0)),
        out_shape=jax.ShapeDtypeStruct((NW4, 4 * HH), _f32),
    )(zpw, hws, disw, b3w, M1Wb, M1bw, M2Wb, M2bw)



def _blockdiag4(W):
    return jnp.kron(jnp.eye(4, dtype=W.dtype), W)


def kernel(x, edge_index, W1, b1, W2, b2, W3, b3, M1W, M1b, M2W, M2b):
    eig = edge_index.reshape(2, NW, NCHUNK, CH)
    srcg = eig[0]
    dstg = eig[1]
    ones32 = jnp.ones((CH, HH), _f32)
    zeros32 = jnp.zeros((RPT, HH), _f32)
    xw = jnp.pad(x, ((0, NP - NN), (0, 0))).reshape(NW4, 4 * DD)

    W1b = _blockdiag4(W1)
    W2b = _blockdiag4(W2)
    W3b = _blockdiag4(W3)
    M1Wb = _blockdiag4(M1W)
    M2Wb = _blockdiag4(M2W)
    b1w = jnp.tile(b1, 4).reshape(1, 4 * HH)
    b2w = jnp.tile(b2, 4).reshape(1, 4 * HH)
    b3w = jnp.tile(b3, 4).reshape(1, 4 * HH)
    M1bw = jnp.tile(M1b, 4).reshape(1, 4 * 64)
    M2bw = jnp.tile(M2b, 4).reshape(1, 4 * HH)

    hw1 = _tc1a_call(xw, W1b)
    degp = _deg_call(dstg, ones32, zeros32)
    degpw = degp.reshape(NC, NW4, 4 * HH)
    disw, hws1 = _tc1b_call(degpw, hw1)

    hws1n = hws1.reshape(NP, HH)
    z1 = _prop_call(hws1n, srcg, dstg, zeros32)
    hws2 = _tc_mid_call(z1.reshape(NC, NW4, 4 * HH), hws1, disw, b1w, W2b)

    hws2n = hws2.reshape(NP, HH)
    z2 = _prop_call(hws2n, srcg, dstg, zeros32)
    hws3 = _tc_mid_call(z2.reshape(NC, NW4, 4 * HH), hws2, disw, b2w, W3b)

    hws3n = hws3.reshape(NP, HH)
    z3 = _prop_call(hws3n, srcg, dstg, zeros32)
    out = _tc4_call(z3.reshape(NC, NW4, 4 * HH), hws3, disw, b3w,
                    M1Wb, M1bw, M2Wb, M2bw)
    return out[:NN // 4].reshape(NN, HH)

# --- scband reference (transcript-rebuilt; emitter-appended) ---
"""Pipeline reference for scband-graph-qnngen462-65481071403176 (READ-ONLY COPY).

The authoritative reference and input builder live on the scoring server;
editing this copy changes nothing except your own understanding.
"""

import jax, jax.numpy as jnp
import numpy as np

N = 10000
E = 320000
D = 128
H = 32


def setup_inputs(seed: int = 0) -> dict:
    key = jax.random.key(seed)
    ks = jax.random.split(key, 13)
    x = jax.random.normal(ks[0], (N, D), dtype=jnp.float32)
    edge_index = jax.random.randint(ks[1], (2, E), 0, N, dtype=jnp.int32)
    # GCN layers: arch=[128,64,32], hidden_dim=32 -> 3 GCN layers (128->32, 32->32, 32->32)
    W1 = jax.random.normal(ks[2], (D, H), dtype=jnp.float32) / np.sqrt(D)
    b1 = jnp.zeros((H,), dtype=jnp.float32)
    W2 = jax.random.normal(ks[3], (H, H), dtype=jnp.float32) / np.sqrt(H)
    b2 = jnp.zeros((H,), dtype=jnp.float32)
    W3 = jax.random.normal(ks[4], (H, H), dtype=jnp.float32) / np.sqrt(H)
    b3 = jnp.zeros((H,), dtype=jnp.float32)
    # MLP head: 32 -> 64 -> 32 (each followed by ReLU; final Dropout popped)
    M1W = jax.random.normal(ks[5], (H, 64), dtype=jnp.float32) / np.sqrt(H)
    M1b = jnp.zeros((64,), dtype=jnp.float32)
    M2W = jax.random.normal(ks[6], (64, 32), dtype=jnp.float32) / np.sqrt(64)
    M2b = jnp.zeros((32,), dtype=jnp.float32)
    return {"x": x, "edge_index": edge_index, "W1": W1, "b1": b1, "W2": W2, "b2": b2,
            "W3": W3, "b3": b3, "M1W": M1W, "M1b": M1b, "M2W": M2W, "M2b": M2b}


def _gcn_layer(h, src, dst, norm, W, b, n):
    hw = h @ W
    msg = hw[src] * norm[:, None]
    out = jax.ops.segment_sum(msg, dst, num_segments=n)
    return out + b


def reference(x, edge_index, W1, b1, W2, b2, W3, b3, M1W, M1b, M2W, M2b):
    n = x.shape[0]
    loop = jnp.arange(n, dtype=edge_index.dtype)
    src = jnp.concatenate([edge_index[0], loop])
    dst = jnp.concatenate([edge_index[1], loop])
    deg = jnp.zeros((n,), dtype=x.dtype).at[dst].add(1.0)
    dis = jnp.where(deg > 0, 1.0 / jnp.sqrt(deg), 0.0)
    norm = dis[src] * dis[dst]
    h = jax.nn.relu(_gcn_layer(x, src, dst, norm, W1, b1, n))
    h = jax.nn.relu(_gcn_layer(h, src, dst, norm, W2, b2, n))
    h = jax.nn.relu(_gcn_layer(h, src, dst, norm, W3, b3, n))
    h = jax.nn.relu(h @ M1W + M1b)
    h = jax.nn.relu(h @ M2W + M2b)
    return h

if __name__ == "__main__":
    import jax
    _d = setup_inputs()
    print(jax.jit(kernel)(*tuple(_d.values())))

</pallas_src>

<mosaic_0001>
#map = affine_map<(d0, d1) -> (0, 0)>
#map1 = affine_map<(d0, d1) -> (0, 0, 0)>
module attributes {stable_mosaic.version = 14 : i64} {
  func.func @_prop_body(%arg0: i32, %arg1: i32, %arg2: memref<10240x32xf32, #tpu.memory_space<hbm>>, %arg3: memref<32x125x80xi32, #tpu.memory_space<hbm>>, %arg4: memref<32x125x80xi32, #tpu.memory_space<hbm>>, %arg5: memref<640x32xf32, #tpu.memory_space<hbm>>, %arg6: memref<2x10240x32xf32, #tpu.memory_space<hbm>>, %arg7: memref<125x80xi32, #tpu.memory_space<vmem>>, %arg8: memref<125x80xi32, #tpu.memory_space<vmem>>, %arg9: memref<320x32xf32, #tpu.memory_space<vmem>>, %arg10: memref<640x32xf32, #tpu.memory_space<vmem>>, %arg11: memref<640x32xf32, #tpu.memory_space<vmem>>, %arg12: memref<!tpu.dma_semaphore, #tpu.memory_space<semaphore_mem>>, %arg13: memref<!tpu.dma_semaphore, #tpu.memory_space<semaphore_mem>>, %arg14: memref<!tpu.dma_semaphore, #tpu.memory_space<semaphore_mem>>, %arg15: memref<!tpu.dma_semaphore, #tpu.memory_space<semaphore_mem>>, %arg16: memref<!tpu.dma_semaphore, #tpu.memory_space<semaphore_mem>>, %arg17: memref<!tpu.dma_semaphore, #tpu.memory_space<semaphore_mem>>, %arg18: memref<10240x32xf32, #tpu.memory_space<vmem_shared>>, %arg19: memref<10240x32xf32, #tpu.memory_space<vmem_shared>>) attributes {dimension_semantics = [#tpu.dimension_semantics<core_parallel>, #tpu.dimension_semantics<subcore_parallel>], iteration_bounds = array<i64: 2, 16>, scalar_prefetch = 0 : i64, scratch_operands = 13 : i64, tpu.core_type = #tpu.core_type<sc_vector_subcore>, window_params = [{transform_indices = #map}, {transform_indices = #map1}, {transform_indices = #map1}, {transform_indices = #map}, {transform_indices = #map1}]} {
    %mul3A = arith.constant 2 : i32
    %mul3A_0 = arith.muli %arg1, %mul3A : i32
    %add3A = arith.addi %mul3A_0, %arg0 : i32
    %mul3A_1 = arith.constant 640 : i32
    %mul3A_2 = arith.muli %arg1, %mul3A_1 : i32
    %dma_start3A = arith.constant 0 : i32
    %dma_start3A_3 = arith.constant 0 : i32
    %dma_start3A_4 = tpu.memref_slice %arg3[%add3A, %dma_start3A, %dma_start3A_3] : memref<32x125x80xi32, #tpu.memory_space<hbm>> -> memref<1x125x80xi32, #tpu.memory_space<hbm>>
    %dma_start3A_5 = tpu.memref_squeeze %dma_start3A_4 : memref<1x125x80xi32, #tpu.memory_space<hbm>> -> memref<125x80xi32, #tpu.memory_space<hbm>>
    %dma_start3A_6 = arith.constant 0 : i32
    %dma_start3A_7 = arith.constant 0 : i32
    %dma_start3A_8 = tpu.memref_slice %arg3[%add3A, %dma_start3A_6, %dma_start3A_7] : memref<32x125x80xi32, #tpu.memory_space<hbm>> -> memref<1x125x80xi32, #tpu.memory_space<hbm>>
    %dma_start3A_9 = tpu.memref_squeeze %dma_start3A_8 : memref<1x125x80xi32, #tpu.memory_space<hbm>> -> memref<125x80xi32, #tpu.memory_space<hbm>>
    tpu.enqueue_dma source(%dma_start3A_9 : memref<125x80xi32, #tpu.memory_space<hbm>>) target(%arg7 : memref<125x80xi32, #tpu.memory_space<vmem>>) target_semaphore(%arg14 : memref<!tpu.dma_semaphore, #tpu.memory_space<semaphore_mem>>)
    %dma_start3A_10 = arith.constant 0 : i32
    %dma_start3A_11 = arith.constant 0 : i32
    %dma_start3A_12 = tpu.memref_slice %arg4[%add3A, %dma_start3A_10, %dma_start3A_11] : memref<32x125x80xi32, #tpu.memory_space<hbm>> -> memref<1x125x80xi32, #tpu.memory_space<hbm>>
    %dma_start3A_13 = tpu.memref_squeeze %dma_start3A_12 : memref<1x125x80xi32, #tpu.memory_space<hbm>> -> memref<125x80xi32, #tpu.memory_space<hbm>>
    %dma_start3A_14 = arith.constant 0 : i32
    %dma_start3A_15 = arith.constant 0 : i32
    %dma_start3A_16 = tpu.memref_slice %arg4[%add3A, %dma_start3A_14, %dma_start3A_15] : memref<32x125x80xi32, #tpu.memory_space<hbm>> -> memref<1x125x80xi32, #tpu.memory_space<hbm>>
    %dma_start3A_17 = tpu.memref_squeeze %dma_start3A_16 : memref<1x125x80xi32, #tpu.memory_space<hbm>> -> memref<125x80xi32, #tpu.memory_space<hbm>>
    tpu.enqueue_dma source(%dma_start3A_17 : memref<125x80xi32, #tpu.memory_space<hbm>>) target(%arg8 : memref<125x80xi32, #tpu.memory_space<vmem>>) target_semaphore(%arg15 : memref<!tpu.dma_semaphore, #tpu.memory_space<semaphore_mem>>)
    %dma_start3A_18 = arith.constant 0 : i32
    %dma_start3A_19 = tpu.memref_slice %arg2[%mul3A_2, %dma_start3A_18] : memref<10240x32xf32, #tpu.memory_space<hbm>> -> memref<640x32xf32, #tpu.memory_space<hbm>>
    %dma_start3A_20 = arith.constant 0 : i32
    %dma_start3A_21 = tpu.memref_slice %arg2[%mul3A_2, %dma_start3A_20] : memref<10240x32xf32, #tpu.memory_space<hbm>> -> memref<640x32xf32, #tpu.memory_space<hbm>>
    tpu.enqueue_dma source(%dma_start3A_21 : memref<640x32xf32, #tpu.memory_space<hbm>>) target(%arg10 : memref<640x32xf32, #tpu.memory_space<vmem>>) target_semaphore(%arg16 : memref<!tpu.dma_semaphore, #tpu.memory_space<semaphore_mem>>)
    tpu.enqueue_dma source(%arg5 : memref<640x32xf32, #tpu.memory_space<hbm>>) target(%arg11 : memref<640x32xf32, #tpu.memory_space<vmem>>) target_semaphore(%arg17 : memref<!tpu.dma_semaphore, #tpu.memory_space<semaphore_mem>>)
    %dma_wait3A = arith.constant 0 : i32
    %dma_wait3A_22 = tpu.memref_slice %arg2[%mul3A_2, %dma_wait3A] : memref<10240x32xf32, #tpu.memory_space<hbm>> -> memref<640x32xf32, #tpu.memory_space<hbm>>
    %dma_wait3A_23 = arith.constant 0 : i32
    %dma_wait3A_24 = tpu.memref_slice %arg2[%mul3A_2, %dma_wait3A_23] : memref<10240x32xf32, #tpu.memory_space<hbm>> -> memref<640x32xf32, #tpu.memory_space<hbm>>
    tpu.wait_dma2 semaphore(%arg16 : memref<!tpu.dma_semaphore, #tpu.memory_space<semaphore_mem>>) src(%dma_wait3A_24 : memref<640x32xf32, #tpu.memory_space<hbm>>) dst(%arg10 : memref<640x32xf32, #tpu.memory_space<vmem>>)
    %dma_start3A_25 = arith.constant 0 : i32
    %dma_start3A_26 = tpu.memref_slice %arg18[%mul3A_2, %dma_start3A_25] : memref<10240x32xf32, #tpu.memory_space<vmem_shared>> -> memref<640x32xf32, #tpu.memory_space<vmem_shared>>
    %dma_start3A_27 = arith.constant 0 : i32
    %dma_start3A_28 = tpu.memref_slice %arg18[%mul3A_2, %dma_start3A_27] : memref<10240x32xf32, #tpu.memory_space<vmem_shared>> -> memref<640x32xf32, #tpu.memory_space<vmem_shared>>
    tpu.enqueue_dma source(%arg10 : memref<640x32xf32, #tpu.memory_space<vmem>>) target(%dma_start3A_28 : memref<640x32xf32, #tpu.memory_space<vmem_shared>>) target_semaphore(%arg16 : memref<!tpu.dma_semaphore, #tpu.memory_space<semaphore_mem>>)
    tpu.wait_dma2 semaphore(%arg17 : memref<!tpu.dma_semaphore, #tpu.memory_space<semaphore_mem>>) src(%arg5 : memref<640x32xf32, #tpu.memory_space<hbm>>) dst(%arg11 : memref<640x32xf32, #tpu.memory_space<vmem>>)
    %dma_start3A_29 = arith.constant 0 : i32
    %dma_start3A_30 = tpu.memref_slice %arg19[%mul3A_2, %dma_start3A_29] : memref<10240x32xf32, #tpu.memory_space<vmem_shared>> -> memref<640x32xf32, #tpu.memory_space<vmem_shared>>
    %dma_start3A_31 = arith.constant 0 : i32
    %dma_start3A_32 = tpu.memref_slice %arg19[%mul3A_2, %dma_start3A_31] : memref<10240x32xf32, #tpu.memory_space<vmem_shared>> -> memref<640x32xf32, #tpu.memory_space<vmem_shared>>
    tpu.enqueue_dma source(%arg11 : memref<640x32xf32, #tpu.memory_space<vmem>>) target(%dma_start3A_32 : memref<640x32xf32, #tpu.memory_space<vmem_shared>>) target_semaphore(%arg17 : memref<!tpu.dma_semaphore, #tpu.memory_space<semaphore_mem>>)
    %dma_wait3A_33 = arith.constant 0 : i32
    %dma_wait3A_34 = arith.constant 0 : i32
    %dma_wait3A_35 = tpu.memref_slice %arg3[%add3A, %dma_wait3A_33, %dma_wait3A_34] : memref<32x125x80xi32, #tpu.memory_space<hbm>> -> memref<1x125x80xi32, #tpu.memory_space<hbm>>
    %dma_wait3A_36 = tpu.memref_squeeze %dma_wait3A_35 : memref<1x125x80xi32, #tpu.memory_space<hbm>> -> memref<125x80xi32, #tpu.memory_space<hbm>>
    %dma_wait3A_37 = arith.constant 0 : i32
    %dma_wait3A_38 = arith.constant 0 : i32
    %dma_wait3A_39 = tpu.memref_slice %arg3[%add3A, %dma_wait3A_37, %dma_wait3A_38] : memref<32x125x80xi32, #tpu.memory_space<hbm>> -> memref<1x125x80xi32, #tpu.memory_space<hbm>>
    %dma_wait3A_40 = tpu.memref_squeeze %dma_wait3A_39 : memref<1x125x80xi32, #tpu.memory_space<hbm>> -> memref<125x80xi32, #tpu.memory_space<hbm>>
    tpu.wait_dma2 semaphore(%arg14 : memref<!tpu.dma_semaphore, #tpu.memory_space<semaphore_mem>>) src(%dma_wait3A_40 : memref<125x80xi32, #tpu.memory_space<hbm>>) dst(%arg7 : memref<125x80xi32, #tpu.memory_space<vmem>>)
    %dma_wait3A_41 = arith.constant 0 : i32
    %dma_wait3A_42 = arith.constant 0 : i32
    %dma_wait3A_43 = tpu.memref_slice %arg4[%add3A, %dma_wait3A_41, %dma_wait3A_42] : memref<32x125x80xi32, #tpu.memory_space<hbm>> -> memref<1x125x80xi32, #tpu.memory_space<hbm>>
    %dma_wait3A_44 = tpu.memref_squeeze %dma_wait3A_43 : memref<1x125x80xi32, #tpu.memory_space<hbm>> -> memref<125x80xi32, #tpu.memory_space<hbm>>
    %dma_wait3A_45 = arith.constant 0 : i32
    %dma_wait3A_46 = arith.constant 0 : i32
    %dma_wait3A_47 = tpu.memref_slice %arg4[%add3A, %dma_wait3A_45, %dma_wait3A_46] : memref<32x125x80xi32, #tpu.memory_space<hbm>> -> memref<1x125x80xi32, #tpu.memory_space<hbm>>
    %dma_wait3A_48 = tpu.memref_squeeze %dma_wait3A_47 : memref<1x125x80xi32, #tpu.memory_space<hbm>> -> memref<125x80xi32, #tpu.memory_space<hbm>>
    tpu.wait_dma2 semaphore(%arg15 : memref<!tpu.dma_semaphore, #tpu.memory_space<semaphore_mem>>) src(%dma_wait3A_48 : memref<125x80xi32, #tpu.memory_space<hbm>>) dst(%arg8 : memref<125x80xi32, #tpu.memory_space<vmem>>)
    %dma_wait3A_49 = arith.constant 0 : i32
    %dma_wait3A_50 = tpu.memref_slice %arg18[%mul3A_2, %dma_wait3A_49] : memref<10240x32xf32, #tpu.memory_space<vmem_shared>> -> memref<640x32xf32, #tpu.memory_space<vmem_shared>>
    %dma_wait3A_51 = arith.constant 0 : i32
    %dma_wait3A_52 = tpu.memref_slice %arg18[%mul3A_2, %dma_wait3A_51] : memref<10240x32xf32, #tpu.memory_space<vmem_shared>> -> memref<640x32xf32, #tpu.memory_space<vmem_shared>>
    tpu.wait_dma2 semaphore(%arg16 : memref<!tpu.dma_semaphore, #tpu.memory_space<semaphore_mem>>) src(%arg10 : memref<640x32xf32, #tpu.memory_space<vmem>>) dst(%dma_wait3A_52 : memref<640x32xf32, #tpu.memory_space<vmem_shared>>)
    %dma_wait3A_53 = arith.constant 0 : i32
    %dma_wait3A_54 = tpu.memref_slice %arg19[%mul3A_2, %dma_wait3A_53] : memref<10240x32xf32, #tpu.memory_space<vmem_shared>> -> memref<640x32xf32, #tpu.memory_space<vmem_shared>>
    %dma_wait3A_55 = arith.constant 0 : i32
    %dma_wait3A_56 = tpu.memref_slice %arg19[%mul3A_2, %dma_wait3A_55] : memref<10240x32xf32, #tpu.memory_space<vmem_shared>> -> memref<640x32xf32, #tpu.memory_space<vmem_shared>>
    tpu.wait_dma2 semaphore(%arg17 : memref<!tpu.dma_semaphore, #tpu.memory_space<semaphore_mem>>) src(%arg11 : memref<640x32xf32, #tpu.memory_space<vmem>>) dst(%dma_wait3A_56 : memref<640x32xf32, #tpu.memory_space<vmem_shared>>)
    %barrier3A = arith.constant 0 : index
    tpu.barrier barrier_id(%barrier3A)
    %dma_start3A_57 = arith.constant 0 : i32
    %dma_start3A_58 = arith.constant 0 : i32
    %dma_start3A_59 = arith.constant 0 : i32
    %dma_start3A_60 = tpu.memref_slice %arg9[%dma_start3A_58, %dma_start3A_59] : memref<320x32xf32, #tpu.memory_space<vmem>> -> memref<80x32xf32, #tpu.memory_space<vmem>>
    %dma_start3A_61 = arith.constant 0 : i32
    %dma_start3A_62 = tpu.memref_slice %arg7[%dma_start3A_57, %dma_start3A_61] : memref<125x80xi32, #tpu.memory_space<vmem>> -> memref<1x80xi32, #tpu.memory_space<vmem>>
    %dma_start3A_63 = tpu.memref_squeeze %dma_start3A_62 : memref<1x80xi32, #tpu.memory_space<vmem>> -> memref<80xi32, #tpu.memory_space<vmem>>
    %dma_start3A_64 = arith.constant 0 : i32
    %dma_start3A_65 = arith.constant 0 : i32
    %dma_start3A_66 = tpu.memref_slice %arg18[%dma_start3A_64, %dma_start3A_65] : memref<10240x32xf32, #tpu.memory_space<vmem_shared>> -> memref<10240x32xf32, #tpu.memory_space<vmem_shared>>
    tpu.enqueue_indirect_dma source(%dma_start3A_66 : memref<10240x32xf32, #tpu.memory_space<vmem_shared>>) target(%dma_start3A_60 : memref<80x32xf32, #tpu.memory_space<vmem>>) offsets(%dma_start3A_63 : memref<80xi32, #tpu.memory_space<vmem>>) semaphore(%arg12 : memref<!tpu.dma_semaphore, #tpu.memory_space<semaphore_mem>>)
    %dma_start3A_67 = arith.constant 1 : i32
    %dma_start3A_68 = arith.constant 80 : i32
    %dma_start3A_69 = arith.constant 0 : i32
    %dma_start3A_70 = tpu.memref_slice %arg9[%dma_start3A_68, %dma_start3A_69] : memref<320x32xf32, #tpu.memory_space<vmem>> -> memref<80x32xf32, #tpu.memory_space<vmem>>
    %dma_start3A_71 = arith.constant 0 : i32
    %dma_start3A_72 = tpu.memref_slice %arg7[%dma_start3A_67, %dma_start3A_71] : memref<125x80xi32, #tpu.memory_space<vmem>> -> memref<1x80xi32, #tpu.memory_space<vmem>>
    %dma_start3A_73 = tpu.memref_squeeze %dma_start3A_72 : memref<1x80xi32, #tpu.memory_space<vmem>> -> memref<80xi32, #tpu.memory_space<vmem>>
    %dma_start3A_74 = arith.constant 0 : i32
    %dma_start3A_75 = arith.constant 0 : i32
    %dma_start3A_76 = tpu.memref_slice %arg18[%dma_start3A_74, %dma_start3A_75] : memref<10240x32xf32, #tpu.memory_space<vmem_shared>> -> memref<10240x32xf32, #tpu.memory_space<vmem_shared>>
    tpu.enqueue_indirect_dma source(%dma_start3A_76 : memref<10240x32xf32, #tpu.memory_space<vmem_shared>>) target(%dma_start3A_70 : memref<80x32xf32, #tpu.memory_space<vmem>>) offsets(%dma_start3A_73 : memref<80xi32, #tpu.memory_space<vmem>>) semaphore(%arg12 : memref<!tpu.dma_semaphore, #tpu.memory_space<semaphore_mem>>)
    %dma_start3A_77 = arith.constant 2 : i32
    %dma_start3A_78 = arith.constant 160 : i32
    %dma_start3A_79 = arith.constant 0 : i32
    %dma_start3A_80 = tpu.memref_slice %arg9[%dma_start3A_78, %dma_start3A_79] : memref<320x32xf32, #tpu.memory_space<vmem>> -> memref<80x32xf32, #tpu.memory_space<vmem>>
    %dma_start3A_81 = arith.constant 0 : i32
    %dma_start3A_82 = tpu.memref_slice %arg7[%dma_start3A_77, %dma_start3A_81] : memref<125x80xi32, #tpu.memory_space<vmem>> -> memref<1x80xi32, #tpu.memory_space<vmem>>
    %dma_start3A_83 = tpu.memref_squeeze %dma_start3A_82 : memref<1x80xi32, #tpu.memory_space<vmem>> -> memref<80xi32, #tpu.memory_space<vmem>>
    %dma_start3A_84 = arith.constant 0 : i32
    %dma_start3A_85 = arith.constant 0 : i32
    %dma_start3A_86 = tpu.memref_slice %arg18[%dma_start3A_84, %dma_start3A_85] : memref<10240x32xf32, #tpu.memory_space<vmem_shared>> -> memref<10240x32xf32, #tpu.memory_space<vmem_shared>>
    tpu.enqueue_indirect_dma source(%dma_start3A_86 : memref<10240x32xf32, #tpu.memory_space<vmem_shared>>) target(%dma_start3A_80 : memref<80x32xf32, #tpu.memory_space<vmem>>) offsets(%dma_start3A_83 : memref<80xi32, #tpu.memory_space<vmem>>) semaphore(%arg12 : memref<!tpu.dma_semaphore, #tpu.memory_space<semaphore_mem>>)
    %scan3A = arith.constant 0 : i32
    %scan3A_87 = arith.constant 0 : i32
    %scan3A_88 = arith.constant 125 : i32
    %scan3A_89 = arith.addi %scan3A_87, %scan3A_88 : i32
    %scan3A_90 = arith.constant 1 : i32
    scf.for %scan3A_133 = %scan3A_87 to %scan3A_89 step %scan3A_90  : i32 {
      %and3A = arith.constant 3 : i32
      %and3A_134 = arith.andi %scan3A_133, %and3A : i32
      %mul3A_135 = arith.constant 80 : i32
      %mul3A_136 = arith.muli %and3A_134, %mul3A_135 : i32
      %add3A_137 = arith.constant 3 : i32
      %add3A_138 = arith.addi %scan3A_133, %add3A_137 : i32
      %and3A_139 = arith.constant 3 : i32
      %and3A_140 = arith.andi %add3A_138, %and3A_139 : i32
      %mul3A_141 = arith.constant 80 : i32
      %mul3A_142 = arith.muli %and3A_140, %mul3A_141 : i32
      %dma_wait3A_143 = arith.constant 0 : i32
      %dma_wait3A_144 = tpu.memref_slice %arg9[%mul3A_136, %dma_wait3A_143] : memref<320x32xf32, #tpu.memory_space<vmem>> -> memref<80x32xf32, #tpu.memory_space<vmem>>
      %dma_wait3A_145 = arith.constant 0 : i32
      %dma_wait3A_146 = tpu.memref_slice %arg7[%scan3A_133, %dma_wait3A_145] : memref<125x80xi32, #tpu.memory_space<vmem>> -> memref<1x80xi32, #tpu.memory_space<vmem>>
      %dma_wait3A_147 = tpu.memref_squeeze %dma_wait3A_146 : memref<1x80xi32, #tpu.memory_space<vmem>> -> memref<80xi32, #tpu.memory_space<vmem>>
      %dma_wait3A_148 = arith.constant 0 : i32
      %dma_wait3A_149 = arith.constant 0 : i32
      %dma_wait3A_150 = tpu.memref_slice %arg18[%dma_wait3A_148, %dma_wait3A_149] : memref<10240x32xf32, #tpu.memory_space<vmem_shared>> -> memref<10240x32xf32, #tpu.memory_space<vmem_shared>>
      tpu.wait_indirect_dma semaphore(%arg12 : memref<!tpu.dma_semaphore, #tpu.memory_space<semaphore_mem>>) src(%dma_wait3A_150 : memref<10240x32xf32, #tpu.memory_space<vmem_shared>>) dst(%dma_wait3A_144 : memref<80x32xf32, #tpu.memory_space<vmem>>)
      %dma_start3A_151 = arith.constant 0 : i32
      %dma_start3A_152 = tpu.memref_slice %arg9[%mul3A_136, %dma_start3A_151] : memref<320x32xf32, #tpu.memory_space<vmem>> -> memref<80x32xf32, #tpu.memory_space<vmem>>
      %dma_start3A_153 = arith.constant 0 : i32
      %dma_start3A_154 = tpu.memref_slice %arg8[%scan3A_133, %dma_start3A_153] : memref<125x80xi32, #tpu.memory_space<vmem>> -> memref<1x80xi32, #tpu.memory_space<vmem>>
      %dma_start3A_155 = tpu.memref_squeeze %dma_start3A_154 : memref<1x80xi32, #tpu.memory_space<vmem>> -> memref<80xi32, #tpu.memory_space<vmem>>
      %dma_start3A_156 = arith.constant 0 : i32
      %dma_start3A_157 = arith.constant 0 : i32
      %dma_start3A_158 = tpu.memref_slice %arg19[%dma_start3A_156, %dma_start3A_157] : memref<10240x32xf32, #tpu.memory_space<vmem_shared>> -> memref<10240x32xf32, #tpu.memory_space<vmem_shared>>
      tpu.enqueue_indirect_dma source(%dma_start3A_152 : memref<80x32xf32, #tpu.memory_space<vmem>>) target(%dma_start3A_158 : memref<10240x32xf32, #tpu.memory_space<vmem_shared>>) offsets(%dma_start3A_155 : memref<80xi32, #tpu.memory_space<vmem>>) semaphore(%arg13 : memref<!tpu.dma_semaphore, #tpu.memory_space<semaphore_mem>>) {add = true}
      %add3A_159 = arith.constant 3 : i32
      %add3A_160 = arith.addi %scan3A_133, %add3A_159 : i32
      %lt3A = arith.constant 125 : i32
      %lt3A_161 = arith.cmpi slt, %add3A_160, %lt3A : i32
      %convert_element_type3A = arith.extui %lt3A_161 : i1 to i32
      %cond3A = arith.constant 0 : i32
      %cond3A_162 = arith.cmpi ne, %convert_element_type3A, %cond3A : i32
      scf.if %cond3A_162 {
        %ge3A = arith.constant 1 : i32
        %ge3A_163 = arith.cmpi sge, %scan3A_133, %ge3A : i32
        %convert_element_type3A_164 = arith.extui %ge3A_163 : i1 to i32
        %cond3A_165 = arith.constant 0 : i32
        %cond3A_166 = arith.cmpi ne, %convert_element_type3A_164, %cond3A_165 : i32
        scf.if %cond3A_166 {
          %sub3A = arith.constant 1 : i32
          %sub3A_177 = arith.subi %scan3A_133, %sub3A : i32
          %dma_wait3A_178 = arith.constant 0 : i32
          %dma_wait3A_179 = tpu.memref_slice %arg9[%mul3A_142, %dma_wait3A_178] : memref<320x32xf32, #tpu.memory_space<vmem>> -> memref<80x32xf32, #tpu.memory_space<vmem>>
          %dma_wait3A_180 = arith.constant 0 : i32
          %dma_wait3A_181 = tpu.memref_slice %arg8[%sub3A_177, %dma_wait3A_180] : memref<125x80xi32, #tpu.memory_space<vmem>> -> memref<1x80xi32, #tpu.memory_space<vmem>>
          %dma_wait3A_182 = tpu.memref_squeeze %dma_wait3A_181 : memref<1x80xi32, #tpu.memory_space<vmem>> -> memref<80xi32, #tpu.memory_space<vmem>>
          %dma_wait3A_183 = arith.constant 0 : i32
          %dma_wait3A_184 = arith.constant 0 : i32
          %dma_wait3A_185 = tpu.memref_slice %arg19[%dma_wait3A_183, %dma_wait3A_184] : memref<10240x32xf32, #tpu.memory_space<vmem_shared>> -> memref<10240x32xf32, #tpu.memory_space<vmem_shared>>
          tpu.wait_indirect_dma semaphore(%arg13 : memref<!tpu.dma_semaphore, #tpu.memory_space<semaphore_mem>>) src(%dma_wait3A_179 : memref<80x32xf32, #tpu.memory_space<vmem>>) dst(%dma_wait3A_185 : memref<10240x32xf32, #tpu.memory_space<vmem_shared>>)
        } else {
        }
        %add3A_167 = arith.constant 3 : i32
        %add3A_168 = arith.addi %scan3A_133, %add3A_167 : i32
        %dma_start3A_169 = arith.constant 0 : i32
        %dma_start3A_170 = tpu.memref_slice %arg9[%mul3A_142, %dma_start3A_169] : memref<320x32xf32, #tpu.memory_space<vmem>> -> memref<80x32xf32, #tpu.memory_space<vmem>>
        %dma_start3A_171 = arith.constant 0 : i32
        %dma_start3A_172 = tpu.memref_slice %arg7[%add3A_168, %dma_start3A_171] : memref<125x80xi32, #tpu.memory_space<vmem>> -> memref<1x80xi32, #tpu.memory_space<vmem>>
        %dma_start3A_173 = tpu.memref_squeeze %dma_start3A_172 : memref<1x80xi32, #tpu.memory_space<vmem>> -> memref<80xi32, #tpu.memory_space<vmem>>
        %dma_start3A_174 = arith.constant 0 : i32
        %dma_start3A_175 = arith.constant 0 : i32
        %dma_start3A_176 = tpu.memref_slice %arg18[%dma_start3A_174, %dma_start3A_175] : memref<10240x32xf32, #tpu.memory_space<vmem_shared>> -> memref<10240x32xf32, #tpu.memory_space<vmem_shared>>
        tpu.enqueue_indirect_dma source(%dma_start3A_176 : memref<10240x32xf32, #tpu.memory_space<vmem_shared>>) target(%dma_start3A_170 : memref<80x32xf32, #tpu.memory_space<vmem>>) offsets(%dma_start3A_173 : memref<80xi32, #tpu.memory_space<vmem>>) semaphore(%arg12 : memref<!tpu.dma_semaphore, #tpu.memory_space<semaphore_mem>>)
      } else {
      }
    }
    %scan3A_91 = arith.constant 125 : i32
    %dma_wait3A_92 = arith.constant 121 : i32
    %dma_wait3A_93 = arith.constant 0 : i32
    %dma_wait3A_94 = arith.constant 0 : i32
    %dma_wait3A_95 = tpu.memref_slice %arg9[%dma_wait3A_93, %dma_wait3A_94] : memref<320x32xf32, #tpu.memory_space<vmem>> -> memref<80x32xf32, #tpu.memory_space<vmem>>
    %dma_wait3A_96 = arith.constant 0 : i32
    %dma_wait3A_97 = tpu.memref_slice %arg8[%dma_wait3A_92, %dma_wait3A_96] : memref<125x80xi32, #tpu.memory_space<vmem>> -> memref<1x80xi32, #tpu.memory_space<vmem>>
    %dma_wait3A_98 = tpu.memref_squeeze %dma_wait3A_97 : memref<1x80xi32, #tpu.memory_space<vmem>> -> memref<80xi32, #tpu.memory_space<vmem>>
    %dma_wait3A_99 = arith.constant 0 : i32
    %dma_wait3A_100 = arith.constant 0 : i32
    %dma_wait3A_101 = tpu.memref_slice %arg19[%dma_wait3A_99, %dma_wait3A_100] : memref<10240x32xf32, #tpu.memory_space<vmem_shared>> -> memref<10240x32xf32, #tpu.memory_space<vmem_shared>>
    tpu.wait_indirect_dma semaphore(%arg13 : memref<!tpu.dma_semaphore, #tpu.memory_space<semaphore_mem>>) src(%dma_wait3A_95 : memref<80x32xf32, #tpu.memory_space<vmem>>) dst(%dma_wait3A_101 : memref<10240x32xf32, #tpu.memory_space<vmem_shared>>)
    %dma_wait3A_102 = arith.constant 122 : i32
    %dma_wait3A_103 = arith.constant 0 : i32
    %dma_wait3A_104 = arith.constant 0 : i32
    %dma_wait3A_105 = tpu.memref_slice %arg9[%dma_wait3A_103, %dma_wait3A_104] : memref<320x32xf32, #tpu.memory_space<vmem>> -> memref<80x32xf32, #tpu.memory_space<vmem>>
    %dma_wait3A_106 = arith.constant 0 : i32
    %dma_wait3A_107 = tpu.memref_slice %arg8[%dma_wait3A_102, %dma_wait3A_106] : memref<125x80xi32, #tpu.memory_space<vmem>> -> memref<1x80xi32, #tpu.memory_space<vmem>>
    %dma_wait3A_108 = tpu.memref_squeeze %dma_wait3A_107 : memref<1x80xi32, #tpu.memory_space<vmem>> -> memref<80xi32, #tpu.memory_space<vmem>>
    %dma_wait3A_109 = arith.constant 0 : i32
    %dma_wait3A_110 = arith.constant 0 : i32
    %dma_wait3A_111 = tpu.memref_slice %arg19[%dma_wait3A_109, %dma_wait3A_110] : memref<10240x32xf32, #tpu.memory_space<vmem_shared>> -> memref<10240x32xf32, #tpu.memory_space<vmem_shared>>
    tpu.wait_indirect_dma semaphore(%arg13 : memref<!tpu.dma_semaphore, #tpu.memory_space<semaphore_mem>>) src(%dma_wait3A_105 : memref<80x32xf32, #tpu.memory_space<vmem>>) dst(%dma_wait3A_111 : memref<10240x32xf32, #tpu.memory_space<vmem_shared>>)
    %dma_wait3A_112 = arith.constant 123 : i32
    %dma_wait3A_113 = arith.constant 0 : i32
    %dma_wait3A_114 = arith.constant 0 : i32
    %dma_wait3A_115 = tpu.memref_slice %arg9[%dma_wait3A_113, %dma_wait3A_114] : memref<320x32xf32, #tpu.memory_space<vmem>> -> memref<80x32xf32, #tpu.memory_space<vmem>>
    %dma_wait3A_116 = arith.constant 0 : i32
    %dma_wait3A_117 = tpu.memref_slice %arg8[%dma_wait3A_112, %dma_wait3A_116] : memref<125x80xi32, #tpu.memory_space<vmem>> -> memref<1x80xi32, #tpu.memory_space<vmem>>
    %dma_wait3A_118 = tpu.memref_squeeze %dma_wait3A_117 : memref<1x80xi32, #tpu.memory_space<vmem>> -> memref<80xi32, #tpu.memory_space<vmem>>
    %dma_wait3A_119 = arith.constant 0 : i32
    %dma_wait3A_120 = arith.constant 0 : i32
    %dma_wait3A_121 = tpu.memref_slice %arg19[%dma_wait3A_119, %dma_wait3A_120] : memref<10240x32xf32, #tpu.memory_space<vmem_shared>> -> memref<10240x32xf32, #tpu.memory_space<vmem_shared>>
    tpu.wait_indirect_dma semaphore(%arg13 : memref<!tpu.dma_semaphore, #tpu.memory_space<semaphore_mem>>) src(%dma_wait3A_115 : memref<80x32xf32, #tpu.memory_space<vmem>>) dst(%dma_wait3A_121 : memref<10240x32xf32, #tpu.memory_space<vmem_shared>>)
    %dma_wait3A_122 = arith.constant 124 : i32
    %dma_wait3A_123 = arith.constant 0 : i32
    %dma_wait3A_124 = arith.constant 0 : i32
    %dma_wait3A_125 = tpu.memref_slice %arg9[%dma_wait3A_123, %dma_wait3A_124] : memref<320x32xf32, #tpu.memory_space<vmem>> -> memref<80x32xf32, #tpu.memory_space<vmem>>
    %dma_wait3A_126 = arith.constant 0 : i32
    %dma_wait3A_127 = tpu.memref_slice %arg8[%dma_wait3A_122, %dma_wait3A_126] : memref<125x80xi32, #tpu.memory_space<vmem>> -> memref<1x80xi32, #tpu.memory_space<vmem>>
    %dma_wait3A_128 = tpu.memref_squeeze %dma_wait3A_127 : memref<1x80xi32, #tpu.memory_space<vmem>> -> memref<80xi32, #tpu.memory_space<vmem>>
    %dma_wait3A_129 = arith.constant 0 : i32
    %dma_wait3A_130 = arith.constant 0 : i32
    %dma_wait3A_131 = tpu.memref_slice %arg19[%dma_wait3A_129, %dma_wait3A_130] : memref<10240x32xf32, #tpu.memory_space<vmem_shared>> -> memref<10240x32xf32, #tpu.memory_space<vmem_shared>>
    tpu.wait_indirect_dma semaphore(%arg13 : memref<!tpu.dma_semaphore, #tpu.memory_space<semaphore_mem>>) src(%dma_wait3A_125 : memref<80x32xf32, #tpu.memory_space<vmem>>) dst(%dma_wait3A_131 : memref<10240x32xf32, #tpu.memory_space<vmem_shared>>)
    %barrier3A_132 = arith.constant 0 : index
    tpu.barrier barrier_id(%barrier3A_132)
    "tpu.region"() ({
      %run_scoped3A = tpu.sem_alloc : memref<!tpu.dma_semaphore, #tpu.memory_space<semaphore_mem>>
      %dma_start3A_133 = arith.constant 0 : i32
      %dma_start3A_134 = tpu.memref_slice %arg19[%mul3A_2, %dma_start3A_133] : memref<10240x32xf32, #tpu.memory_space<vmem_shared>> -> memref<640x32xf32, #tpu.memory_space<vmem_shared>>
      %dma_start3A_135 = arith.constant 0 : i32
      %dma_start3A_136 = tpu.memref_slice %arg19[%mul3A_2, %dma_start3A_135] : memref<10240x32xf32, #tpu.memory_space<vmem_shared>> -> memref<640x32xf32, #tpu.memory_space<vmem_shared>>
      tpu.enqueue_dma source(%dma_start3A_136 : memref<640x32xf32, #tpu.memory_space<vmem_shared>>) target(%arg10 : memref<640x32xf32, #tpu.memory_space<vmem>>) target_semaphore(%run_scoped3A : memref<!tpu.dma_semaphore, #tpu.memory_space<semaphore_mem>>)
      %dma_wait3A_137 = arith.constant 0 : i32
      %dma_wait3A_138 = tpu.memref_slice %arg19[%mul3A_2, %dma_wait3A_137] : memref<10240x32xf32, #tpu.memory_space<vmem_shared>> -> memref<640x32xf32, #tpu.memory_space<vmem_shared>>
      %dma_wait3A_139 = arith.constant 0 : i32
      %dma_wait3A_140 = tpu.memref_slice %arg19[%mul3A_2, %dma_wait3A_139] : memref<10240x32xf32, #tpu.memory_space<vmem_shared>> -> memref<640x32xf32, #tpu.memory_space<vmem_shared>>
      tpu.wait_dma2 semaphore(%run_scoped3A : memref<!tpu.dma_semaphore, #tpu.memory_space<semaphore_mem>>) src(%dma_wait3A_140 : memref<640x32xf32, #tpu.memory_space<vmem_shared>>) dst(%arg10 : memref<640x32xf32, #tpu.memory_space<vmem>>)
      tpu.yield
    }) : () -> ()
    "tpu.region"() ({
      %run_scoped3A = tpu.sem_alloc : memref<!tpu.dma_semaphore, #tpu.memory_space<semaphore_mem>>
      %dma_start3A_133 = arith.constant 0 : i32
      %dma_start3A_134 = tpu.memref_slice %arg6[%arg0, %mul3A_2, %dma_start3A_133] : memref<2x10240x32xf32, #tpu.memory_space<hbm>> -> memref<1x640x32xf32, #tpu.memory_space<hbm>>
      %dma_start3A_135 = tpu.memref_squeeze %dma_start3A_134 : memref<1x640x32xf32, #tpu.memory_space<hbm>> -> memref<640x32xf32, #tpu.memory_space<hbm>>
      %dma_start3A_136 = arith.constant 0 : i32
      %dma_start3A_137 = tpu.memref_slice %arg6[%arg0, %mul3A_2, %dma_start3A_136] : memref<2x10240x32xf32, #tpu.memory_space<hbm>> -> memref<1x640x32xf32, #tpu.memory_space<hbm>>
      %dma_start3A_138 = tpu.memref_squeeze %dma_start3A_137 : memref<1x640x32xf32, #tpu.memory_space<hbm>> -> memref<640x32xf32, #tpu.memory_space<hbm>>
      tpu.enqueue_dma source(%arg10 : memref<640x32xf32, #tpu.memory_space<vmem>>) target(%dma_start3A_138 : memref<640x32xf32, #tpu.memory_space<hbm>>) target_semaphore(%run_scoped3A : memref<!tpu.dma_semaphore, #tpu.memory_space<semaphore_mem>>)
      %dma_wait3A_139 = arith.constant 0 : i32
      %dma_wait3A_140 = tpu.memref_slice %arg6[%arg0, %mul3A_2, %dma_wait3A_139] : memref<2x10240x32xf32, #tpu.memory_space<hbm>> -> memref<1x640x32xf32, #tpu.memory_space<hbm>>
      %dma_wait3A_141 = tpu.memref_squeeze %dma_wait3A_140 : memref<1x640x32xf32, #tpu.memory_space<hbm>> -> memref<640x32xf32, #tpu.memory_space<hbm>>
      %dma_wait3A_142 = arith.constant 0 : i32
      %dma_wait3A_143 = tpu.memref_slice %arg6[%arg0, %mul3A_2, %dma_wait3A_142] : memref<2x10240x32xf32, #tpu.memory_space<hbm>> -> memref<1x640x32xf32, #tpu.memory_space<hbm>>
      %dma_wait3A_144 = tpu.memref_squeeze %dma_wait3A_143 : memref<1x640x32xf32, #tpu.memory_space<hbm>> -> memref<640x32xf32, #tpu.memory_space<hbm>>
      tpu.wait_dma2 semaphore(%run_scoped3A : memref<!tpu.dma_semaphore, #tpu.memory_space<semaphore_mem>>) src(%arg10 : memref<640x32xf32, #tpu.memory_space<vmem>>) dst(%dma_wait3A_144 : memref<640x32xf32, #tpu.memory_space<hbm>>)
      tpu.yield
    }) : () -> ()
    return
  }
}

#map = affine_map<(d0, d1) -> (0, 0)>
#map1 = affine_map<(d0, d1) -> (0, 0, 0)>
module attributes {stable_mosaic.version = 14 : i64} {
  func.func @_prop_body(%arg0: i32, %arg1: i32, %arg2: memref<10240x32xf32, #tpu.memory_space<hbm>>, %arg3: memref<32x125x80xi32, #tpu.memory_space<hbm>>, %arg4: memref<32x125x80xi32, #tpu.memory_space<hbm>>, %arg5: memref<640x32xf32, #tpu.memory_space<hbm>>, %arg6: memref<2x10240x32xf32, #tpu.memory_space<hbm>>, %arg7: memref<125x80xi32, #tpu.memory_space<vmem>>, %arg8: memref<125x80xi32, #tpu.memory_space<vmem>>, %arg9: memref<320x32xf32, #tpu.memory_space<vmem>>, %arg10: memref<640x32xf32, #tpu.memory_space<vmem>>, %arg11: memref<640x32xf32, #tpu.memory_space<vmem>>, %arg12: memref<!tpu.dma_semaphore, #tpu.memory_space<semaphore_mem>>, %arg13: memref<!tpu.dma_semaphore, #tpu.memory_space<semaphore_mem>>, %arg14: memref<!tpu.dma_semaphore, #tpu.memory_space<semaphore_mem>>, %arg15: memref<!tpu.dma_semaphore, #tpu.memory_space<semaphore_mem>>, %arg16: memref<!tpu.dma_semaphore, #tpu.memory_space<semaphore_mem>>, %arg17: memref<!tpu.dma_semaphore, #tpu.memory_space<semaphore_mem>>, %arg18: memref<10240x32xf32, #tpu.memory_space<vmem_shared>>, %arg19: memref<10240x32xf32, #tpu.memory_space<vmem_shared>>) attributes {dimension_semantics = [#tpu.dimension_semantics<core_parallel>, #tpu.dimension_semantics<subcore_parallel>], iteration_bounds = array<i64: 2, 16>, scalar_prefetch = 0 : i64, scratch_operands = 13 : i64, tpu.core_type = #tpu.core_type<sc_vector_subcore>, window_params = [{transform_indices = #map}, {transform_indices = #map1}, {transform_indices = #map1}, {transform_indices = #map}, {transform_indices = #map1}]} {
    %mul3A = arith.constant 2 : i32
    %mul3A_0 = arith.muli %arg1, %mul3A : i32
    %add3A = arith.addi %mul3A_0, %arg0 : i32
    %mul3A_1 = arith.constant 640 : i32
    %mul3A_2 = arith.muli %arg1, %mul3A_1 : i32
    %dma_start3A = arith.constant 0 : i32
    %dma_start3A_3 = arith.constant 0 : i32
    %dma_start3A_4 = tpu.memref_slice %arg3[%add3A, %dma_start3A, %dma_start3A_3] : memref<32x125x80xi32, #tpu.memory_space<hbm>> -> memref<1x125x80xi32, #tpu.memory_space<hbm>>
    %dma_start3A_5 = tpu.memref_squeeze %dma_start3A_4 : memref<1x125x80xi32, #tpu.memory_space<hbm>> -> memref<125x80xi32, #tpu.memory_space<hbm>>
    %dma_start3A_6 = arith.constant 0 : i32
    %dma_start3A_7 = arith.constant 0 : i32
    %dma_start3A_8 = tpu.memref_slice %arg3[%add3A, %dma_start3A_6, %dma_start3A_7] : memref<32x125x80xi32, #tpu.memory_space<hbm>> -> memref<1x125x80xi32, #tpu.memory_space<hbm>>
    %dma_start3A_9 = tpu.memref_squeeze %dma_start3A_8 : memref<1x125x80xi32, #tpu.memory_space<hbm>> -> memref<125x80xi32, #tpu.memory_space<hbm>>
    tpu.enqueue_dma source(%dma_start3A_9 : memref<125x80xi32, #tpu.memory_space<hbm>>) target(%arg7 : memref<125x80xi32, #tpu.memory_space<vmem>>) target_semaphore(%arg14 : memref<!tpu.dma_semaphore, #tpu.memory_space<semaphore_mem>>)
    %dma_start3A_10 = arith.constant 0 : i32
    %dma_start3A_11 = arith.constant 0 : i32
    %dma_start3A_12 = tpu.memref_slice %arg4[%add3A, %dma_start3A_10, %dma_start3A_11] : memref<32x125x80xi32, #tpu.memory_space<hbm>> -> memref<1x125x80xi32, #tpu.memory_space<hbm>>
    %dma_start3A_13 = tpu.memref_squeeze %dma_start3A_12 : memref<1x125x80xi32, #tpu.memory_space<hbm>> -> memref<125x80xi32, #tpu.memory_space<hbm>>
    %dma_start3A_14 = arith.constant 0 : i32
    %dma_start3A_15 = arith.constant 0 : i32
    %dma_start3A_16 = tpu.memref_slice %arg4[%add3A, %dma_start3A_14, %dma_start3A_15] : memref<32x125x80xi32, #tpu.memory_space<hbm>> -> memref<1x125x80xi32, #tpu.memory_space<hbm>>
    %dma_start3A_17 = tpu.memref_squeeze %dma_start3A_16 : memref<1x125x80xi32, #tpu.memory_space<hbm>> -> memref<125x80xi32, #tpu.memory_space<hbm>>
    tpu.enqueue_dma source(%dma_start3A_17 : memref<125x80xi32, #tpu.memory_space<hbm>>) target(%arg8 : memref<125x80xi32, #tpu.memory_space<vmem>>) target_semaphore(%arg15 : memref<!tpu.dma_semaphore, #tpu.memory_space<semaphore_mem>>)
    %dma_start3A_18 = arith.constant 0 : i32
    %dma_start3A_19 = tpu.memref_slice %arg2[%mul3A_2, %dma_start3A_18] : memref<10240x32xf32, #tpu.memory_space<hbm>> -> memref<640x32xf32, #tpu.memory_space<hbm>>
    %dma_start3A_20 = arith.constant 0 : i32
    %dma_start3A_21 = tpu.memref_slice %arg2[%mul3A_2, %dma_start3A_20] : memref<10240x32xf32, #tpu.memory_space<hbm>> -> memref<640x32xf32, #tpu.memory_space<hbm>>
    tpu.enqueue_dma source(%dma_start3A_21 : memref<640x32xf32, #tpu.memory_space<hbm>>) target(%arg10 : memref<640x32xf32, #tpu.memory_space<vmem>>) target_semaphore(%arg16 : memref<!tpu.dma_semaphore, #tpu.memory_space<semaphore_mem>>)
    tpu.enqueue_dma source(%arg5 : memref<640x32xf32, #tpu.memory_space<hbm>>) target(%arg11 : memref<640x32xf32, #tpu.memory_space<vmem>>) target_semaphore(%arg17 : memref<!tpu.dma_semaphore, #tpu.memory_space<semaphore_mem>>)
    %dma_wait3A = arith.constant 0 : i32
    %dma_wait3A_22 = tpu.memref_slice %arg2[%mul3A_2, %dma_wait3A] : memref<10240x32xf32, #tpu.memory_space<hbm>> -> memref<640x32xf32, #tpu.memory_space<hbm>>
    %dma_wait3A_23 = arith.constant 0 : i32
    %dma_wait3A_24 = tpu.memref_slice %arg2[%mul3A_2, %dma_wait3A_23] : memref<10240x32xf32, #tpu.memory_space<hbm>> -> memref<640x32xf32, #tpu.memory_space<hbm>>
    tpu.wait_dma2 semaphore(%arg16 : memref<!tpu.dma_semaphore, #tpu.memory_space<semaphore_mem>>) src(%dma_wait3A_24 : memref<640x32xf32, #tpu.memory_space<hbm>>) dst(%arg10 : memref<640x32xf32, #tpu.memory_space<vmem>>)
    %dma_start3A_25 = arith.constant 0 : i32
    %dma_start3A_26 = tpu.memref_slice %arg18[%mul3A_2, %dma_start3A_25] : memref<10240x32xf32, #tpu.memory_space<vmem_shared>> -> memref<640x32xf32, #tpu.memory_space<vmem_shared>>
    %dma_start3A_27 = arith.constant 0 : i32
    %dma_start3A_28 = tpu.memref_slice %arg18[%mul3A_2, %dma_start3A_27] : memref<10240x32xf32, #tpu.memory_space<vmem_shared>> -> memref<640x32xf32, #tpu.memory_space<vmem_shared>>
    tpu.enqueue_dma source(%arg10 : memref<640x32xf32, #tpu.memory_space<vmem>>) target(%dma_start3A_28 : memref<640x32xf32, #tpu.memory_space<vmem_shared>>) target_semaphore(%arg16 : memref<!tpu.dma_semaphore, #tpu.memory_space<semaphore_mem>>)
    tpu.wait_dma2 semaphore(%arg17 : memref<!tpu.dma_semaphore, #tpu.memory_space<semaphore_mem>>) src(%arg5 : memref<640x32xf32, #tpu.memory_space<hbm>>) dst(%arg11 : memref<640x32xf32, #tpu.memory_space<vmem>>)
    %dma_start3A_29 = arith.constant 0 : i32
    %dma_start3A_30 = tpu.memref_slice %arg19[%mul3A_2, %dma_start3A_29] : memref<10240x32xf32, #tpu.memory_space<vmem_shared>> -> memref<640x32xf32, #tpu.memory_space<vmem_shared>>
    %dma_start3A_31 = arith.constant 0 : i32
    %dma_start3A_32 = tpu.memref_slice %arg19[%mul3A_2, %dma_start3A_31] : memref<10240x32xf32, #tpu.memory_space<vmem_shared>> -> memref<640x32xf32, #tpu.memory_space<vmem_shared>>
    tpu.enqueue_dma source(%arg11 : memref<640x32xf32, #tpu.memory_space<vmem>>) target(%dma_start3A_32 : memref<640x32xf32, #tpu.memory_space<vmem_shared>>) target_semaphore(%arg17 : memref<!tpu.dma_semaphore, #tpu.memory_space<semaphore_mem>>)
    %dma_wait3A_33 = arith.constant 0 : i32
    %dma_wait3A_34 = arith.constant 0 : i32
    %dma_wait3A_35 = tpu.memref_slice %arg3[%add3A, %dma_wait3A_33, %dma_wait3A_34] : memref<32x125x80xi32, #tpu.memory_space<hbm>> -> memref<1x125x80xi32, #tpu.memory_space<hbm>>
    %dma_wait3A_36 = tpu.memref_squeeze %dma_wait3A_35 : memref<1x125x80xi32, #tpu.memory_space<hbm>> -> memref<125x80xi32, #tpu.memory_space<hbm>>
    %dma_wait3A_37 = arith.constant 0 : i32
    %dma_wait3A_38 = arith.constant 0 : i32
    %dma_wait3A_39 = tpu.memref_slice %arg3[%add3A, %dma_wait3A_37, %dma_wait3A_38] : memref<32x125x80xi32, #tpu.memory_space<hbm>> -> memref<1x125x80xi32, #tpu.memory_space<hbm>>
    %dma_wait3A_40 = tpu.memref_squeeze %dma_wait3A_39 : memref<1x125x80xi32, #tpu.memory_space<hbm>> -> memref<125x80xi32, #tpu.memory_space<hbm>>
    tpu.wait_dma2 semaphore(%arg14 : memref<!tpu.dma_semaphore, #tpu.memory_space<semaphore_mem>>) src(%dma_wait3A_40 : memref<125x80xi32, #tpu.memory_space<hbm>>) dst(%arg7 : memref<125x80xi32, #tpu.memory_space<vmem>>)
    %dma_wait3A_41 = arith.constant 0 : i32
    %dma_wait3A_42 = arith.constant 0 : i32
    %dma_wait3A_43 = tpu.memref_slice %arg4[%add3A, %dma_wait3A_41, %dma_wait3A_42] : memref<32x125x80xi32, #tpu.memory_space<hbm>> -> memref<1x125x80xi32, #tpu.memory_space<hbm>>
    %dma_wait3A_44 = tpu.memref_squeeze %dma_wait3A_43 : memref<1x125x80xi32, #tpu.memory_space<hbm>> -> memref<125x80xi32, #tpu.memory_space<hbm>>
    %dma_wait3A_45 = arith.constant 0 : i32
    %dma_wait3A_46 = arith.constant 0 : i32
    %dma_wait3A_47 = tpu.memref_slice %arg4[%add3A, %dma_wait3A_45, %dma_wait3A_46] : memref<32x125x80xi32, #tpu.memory_space<hbm>> -> memref<1x125x80xi32, #tpu.memory_space<hbm>>
    %dma_wait3A_48 = tpu.memref_squeeze %dma_wait3A_47 : memref<1x125x80xi32, #tpu.memory_space<hbm>> -> memref<125x80xi32, #tpu.memory_space<hbm>>
    tpu.wait_dma2 semaphore(%arg15 : memref<!tpu.dma_semaphore, #tpu.memory_space<semaphore_mem>>) src(%dma_wait3A_48 : memref<125x80xi32, #tpu.memory_space<hbm>>) dst(%arg8 : memref<125x80xi32, #tpu.memory_space<vmem>>)
    %dma_wait3A_49 = arith.constant 0 : i32
    %dma_wait3A_50 = tpu.memref_slice %arg18[%mul3A_2, %dma_wait3A_49] : memref<10240x32xf32, #tpu.memory_space<vmem_shared>> -> memref<640x32xf32, #tpu.memory_space<vmem_shared>>
    %dma_wait3A_51 = arith.constant 0 : i32
    %dma_wait3A_52 = tpu.memref_slice %arg18[%mul3A_2, %dma_wait3A_51] : memref<10240x32xf32, #tpu.memory_space<vmem_shared>> -> memref<640x32xf32, #tpu.memory_space<vmem_shared>>
    tpu.wait_dma2 semaphore(%arg16 : memref<!tpu.dma_semaphore, #tpu.memory_space<semaphore_mem>>) src(%arg10 : memref<640x32xf32, #tpu.memory_space<vmem>>) dst(%dma_wait3A_52 : memref<640x32xf32, #tpu.memory_space<vmem_shared>>)
    %dma_wait3A_53 = arith.constant 0 : i32
    %dma_wait3A_54 = tpu.memref_slice %arg19[%mul3A_2, %dma_wait3A_53] : memref<10240x32xf32, #tpu.memory_space<vmem_shared>> -> memref<640x32xf32, #tpu.memory_space<vmem_shared>>
    %dma_wait3A_55 = arith.constant 0 : i32
    %dma_wait3A_56 = tpu.memref_slice %arg19[%mul3A_2, %dma_wait3A_55] : memref<10240x32xf32, #tpu.memory_space<vmem_shared>> -> memref<640x32xf32, #tpu.memory_space<vmem_shared>>
    tpu.wait_dma2 semaphore(%arg17 : memref<!tpu.dma_semaphore, #tpu.memory_space<semaphore_mem>>) src(%arg11 : memref<640x32xf32, #tpu.memory_space<vmem>>) dst(%dma_wait3A_56 : memref<640x32xf32, #tpu.memory_space<vmem_shared>>)
    %barrier3A = arith.constant 0 : index
    tpu.barrier barrier_id(%barrier3A)
    %dma_start3A_57 = arith.constant 0 : i32
    %dma_start3A_58 = arith.constant 0 : i32
    %dma_start3A_59 = arith.constant 0 : i32
    %dma_start3A_60 = tpu.memref_slice %arg9[%dma_start3A_58, %dma_start3A_59] : memref<320x32xf32, #tpu.memory_space<vmem>> -> memref<80x32xf32, #tpu.memory_space<vmem>>
    %dma_start3A_61 = arith.constant 0 : i32
    %dma_start3A_62 = tpu.memref_slice %arg7[%dma_start3A_57, %dma_start3A_61] : memref<125x80xi32, #tpu.memory_space<vmem>> -> memref<1x80xi32, #tpu.memory_space<vmem>>
    %dma_start3A_63 = tpu.memref_squeeze %dma_start3A_62 : memref<1x80xi32, #tpu.memory_space<vmem>> -> memref<80xi32, #tpu.memory_space<vmem>>
    %dma_start3A_64 = arith.constant 0 : i32
    %dma_start3A_65 = arith.constant 0 : i32
    %dma_start3A_66 = tpu.memref_slice %arg18[%dma_start3A_64, %dma_start3A_65] : memref<10240x32xf32, #tpu.memory_space<vmem_shared>> -> memref<10240x32xf32, #tpu.memory_space<vmem_shared>>
    tpu.enqueue_indirect_dma source(%dma_start3A_66 : memref<10240x32xf32, #tpu.memory_space<vmem_shared>>) target(%dma_start3A_60 : memref<80x32xf32, #tpu.memory_space<vmem>>) offsets(%dma_start3A_63 : memref<80xi32, #tpu.memory_space<vmem>>) semaphore(%arg12 : memref<!tpu.dma_semaphore, #tpu.memory_space<semaphore_mem>>)
    %dma_start3A_67 = arith.constant 1 : i32
    %dma_start3A_68 = arith.constant 80 : i32
    %dma_start3A_69 = arith.constant 0 : i32
    %dma_start3A_70 = tpu.memref_slice %arg9[%dma_start3A_68, %dma_start3A_69] : memref<320x32xf32, #tpu.memory_space<vmem>> -> memref<80x32xf32, #tpu.memory_space<vmem>>
    %dma_start3A_71 = arith.constant 0 : i32
    %dma_start3A_72 = tpu.memref_slice %arg7[%dma_start3A_67, %dma_start3A_71] : memref<125x80xi32, #tpu.memory_space<vmem>> -> memref<1x80xi32, #tpu.memory_space<vmem>>
    %dma_start3A_73 = tpu.memref_squeeze %dma_start3A_72 : memref<1x80xi32, #tpu.memory_space<vmem>> -> memref<80xi32, #tpu.memory_space<vmem>>
    %dma_start3A_74 = arith.constant 0 : i32
    %dma_start3A_75 = arith.constant 0 : i32
    %dma_start3A_76 = tpu.memref_slice %arg18[%dma_start3A_74, %dma_start3A_75] : memref<10240x32xf32, #tpu.memory_space<vmem_shared>> -> memref<10240x32xf32, #tpu.memory_space<vmem_shared>>
    tpu.enqueue_indirect_dma source(%dma_start3A_76 : memref<10240x32xf32, #tpu.memory_space<vmem_shared>>) target(%dma_start3A_70 : memref<80x32xf32, #tpu.memory_space<vmem>>) offsets(%dma_start3A_73 : memref<80xi32, #tpu.memory_space<vmem>>) semaphore(%arg12 : memref<!tpu.dma_semaphore, #tpu.memory_space<semaphore_mem>>)
    %dma_start3A_77 = arith.constant 2 : i32
    %dma_start3A_78 = arith.constant 160 : i32
    %dma_start3A_79 = arith.constant 0 : i32
    %dma_start3A_80 = tpu.memref_slice %arg9[%dma_start3A_78, %dma_start3A_79] : memref<320x32xf32, #tpu.memory_space<vmem>> -> memref<80x32xf32, #tpu.memory_space<vmem>>
    %dma_start3A_81 = arith.constant 0 : i32
    %dma_start3A_82 = tpu.memref_slice %arg7[%dma_start3A_77, %dma_start3A_81] : memref<125x80xi32, #tpu.memory_space<vmem>> -> memref<1x80xi32, #tpu.memory_space<vmem>>
    %dma_start3A_83 = tpu.memref_squeeze %dma_start3A_82 : memref<1x80xi32, #tpu.memory_space<vmem>> -> memref<80xi32, #tpu.memory_space<vmem>>
    %dma_start3A_84 = arith.constant 0 : i32
    %dma_start3A_85 = arith.constant 0 : i32
    %dma_start3A_86 = tpu.memref_slice %arg18[%dma_start3A_84, %dma_start3A_85] : memref<10240x32xf32, #tpu.memory_space<vmem_shared>> -> memref<10240x32xf32, #tpu.memory_space<vmem_shared>>
    tpu.enqueue_indirect_dma source(%dma_start3A_86 : memref<10240x32xf32, #tpu.memory_space<vmem_shared>>) target(%dma_start3A_80 : memref<80x32xf32, #tpu.memory_space<vmem>>) offsets(%dma_start3A_83 : memref<80xi32, #tpu.memory_space<vmem>>) semaphore(%arg12 : memref<!tpu.dma_semaphore, #tpu.memory_space<semaphore_mem>>)
    %scan3A = arith.constant 0 : i32
    %scan3A_87 = arith.constant 0 : i32
    %scan3A_88 = arith.constant 125 : i32
    %scan3A_89 = arith.addi %scan3A_87, %scan3A_88 : i32
    %scan3A_90 = arith.constant 1 : i32
    scf.for %scan3A_133 = %scan3A_87 to %scan3A_89 step %scan3A_90  : i32 {
      %and3A = arith.constant 3 : i32
      %and3A_134 = arith.andi %scan3A_133, %and3A : i32
      %mul3A_135 = arith.constant 80 : i32
      %mul3A_136 = arith.muli %and3A_134, %mul3A_135 : i32
      %add3A_137 = arith.constant 3 : i32
      %add3A_138 = arith.addi %scan3A_133, %add3A_137 : i32
      %and3A_139 = arith.constant 3 : i32
      %and3A_140 = arith.andi %add3A_138, %and3A_139 : i32
      %mul3A_141 = arith.constant 80 : i32
      %mul3A_142 = arith.muli %and3A_140, %mul3A_141 : i32
      %dma_wait3A_143 = arith.constant 0 : i32
      %dma_wait3A_144 = tpu.memref_slice %arg9[%mul3A_136, %dma_wait3A_143] : memref<320x32xf32, #tpu.memory_space<vmem>> -> memref<80x32xf32, #tpu.memory_space<vmem>>
      %dma_wait3A_145 = arith.constant 0 : i32
      %dma_wait3A_146 = tpu.memref_slice %arg7[%scan3A_133, %dma_wait3A_145] : memref<125x80xi32, #tpu.memory_space<vmem>> -> memref<1x80xi32, #tpu.memory_space<vmem>>
      %dma_wait3A_147 = tpu.memref_squeeze %dma_wait3A_146 : memref<1x80xi32, #tpu.memory_space<vmem>> -> memref<80xi32, #tpu.memory_space<vmem>>
      %dma_wait3A_148 = arith.constant 0 : i32
      %dma_wait3A_149 = arith.constant 0 : i32
      %dma_wait3A_150 = tpu.memref_slice %arg18[%dma_wait3A_148, %dma_wait3A_149] : memref<10240x32xf32, #tpu.memory_space<vmem_shared>> -> memref<10240x32xf32, #tpu.memory_space<vmem_shared>>
      tpu.wait_indirect_dma semaphore(%arg12 : memref<!tpu.dma_semaphore, #tpu.memory_space<semaphore_mem>>) src(%dma_wait3A_150 : memref<10240x32xf32, #tpu.memory_space<vmem_shared>>) dst(%dma_wait3A_144 : memref<80x32xf32, #tpu.memory_space<vmem>>)
      %dma_start3A_151 = arith.constant 0 : i32
      %dma_start3A_152 = tpu.memref_slice %arg9[%mul3A_136, %dma_start3A_151] : memref<320x32xf32, #tpu.memory_space<vmem>> -> memref<80x32xf32, #tpu.memory_space<vmem>>
      %dma_start3A_153 = arith.constant 0 : i32
      %dma_start3A_154 = tpu.memref_slice %arg8[%scan3A_133, %dma_start3A_153] : memref<125x80xi32, #tpu.memory_space<vmem>> -> memref<1x80xi32, #tpu.memory_space<vmem>>
      %dma_start3A_155 = tpu.memref_squeeze %dma_start3A_154 : memref<1x80xi32, #tpu.memory_space<vmem>> -> memref<80xi32, #tpu.memory_space<vmem>>
      %dma_start3A_156 = arith.constant 0 : i32
      %dma_start3A_157 = arith.constant 0 : i32
      %dma_start3A_158 = tpu.memref_slice %arg19[%dma_start3A_156, %dma_start3A_157] : memref<10240x32xf32, #tpu.memory_space<vmem_shared>> -> memref<10240x32xf32, #tpu.memory_space<vmem_shared>>
      tpu.enqueue_indirect_dma source(%dma_start3A_152 : memref<80x32xf32, #tpu.memory_space<vmem>>) target(%dma_start3A_158 : memref<10240x32xf32, #tpu.memory_space<vmem_shared>>) offsets(%dma_start3A_155 : memref<80xi32, #tpu.memory_space<vmem>>) semaphore(%arg13 : memref<!tpu.dma_semaphore, #tpu.memory_space<semaphore_mem>>) {add = true}
      %add3A_159 = arith.constant 3 : i32
      %add3A_160 = arith.addi %scan3A_133, %add3A_159 : i32
      %lt3A = arith.constant 125 : i32
      %lt3A_161 = arith.cmpi slt, %add3A_160, %lt3A : i32
      %convert_element_type3A = arith.extui %lt3A_161 : i1 to i32
      %cond3A = arith.constant 0 : i32
      %cond3A_162 = arith.cmpi ne, %convert_element_type3A, %cond3A : i32
      scf.if %cond3A_162 {
        %ge3A = arith.constant 1 : i32
        %ge3A_163 = arith.cmpi sge, %scan3A_133, %ge3A : i32
        %convert_element_type3A_164 = arith.extui %ge3A_163 : i1 to i32
        %cond3A_165 = arith.constant 0 : i32
        %cond3A_166 = arith.cmpi ne, %convert_element_type3A_164, %cond3A_165 : i32
        scf.if %cond3A_166 {
          %sub3A = arith.constant 1 : i32
          %sub3A_177 = arith.subi %scan3A_133, %sub3A : i32
          %dma_wait3A_178 = arith.constant 0 : i32
          %dma_wait3A_179 = tpu.memref_slice %arg9[%mul3A_142, %dma_wait3A_178] : memref<320x32xf32, #tpu.memory_space<vmem>> -> memref<80x32xf32, #tpu.memory_space<vmem>>
          %dma_wait3A_180 = arith.constant 0 : i32
          %dma_wait3A_181 = tpu.memref_slice %arg8[%sub3A_177, %dma_wait3A_180] : memref<125x80xi32, #tpu.memory_space<vmem>> -> memref<1x80xi32, #tpu.memory_space<vmem>>
          %dma_wait3A_182 = tpu.memref_squeeze %dma_wait3A_181 : memref<1x80xi32, #tpu.memory_space<vmem>> -> memref<80xi32, #tpu.memory_space<vmem>>
          %dma_wait3A_183 = arith.constant 0 : i32
          %dma_wait3A_184 = arith.constant 0 : i32
          %dma_wait3A_185 = tpu.memref_slice %arg19[%dma_wait3A_183, %dma_wait3A_184] : memref<10240x32xf32, #tpu.memory_space<vmem_shared>> -> memref<10240x32xf32, #tpu.memory_space<vmem_shared>>
          tpu.wait_indirect_dma semaphore(%arg13 : memref<!tpu.dma_semaphore, #tpu.memory_space<semaphore_mem>>) src(%dma_wait3A_179 : memref<80x32xf32, #tpu.memory_space<vmem>>) dst(%dma_wait3A_185 : memref<10240x32xf32, #tpu.memory_space<vmem_shared>>)
        } else {
        }
        %add3A_167 = arith.constant 3 : i32
        %add3A_168 = arith.addi %scan3A_133, %add3A_167 : i32
        %dma_start3A_169 = arith.constant 0 : i32
        %dma_start3A_170 = tpu.memref_slice %arg9[%mul3A_142, %dma_start3A_169] : memref<320x32xf32, #tpu.memory_space<vmem>> -> memref<80x32xf32, #tpu.memory_space<vmem>>
        %dma_start3A_171 = arith.constant 0 : i32
        %dma_start3A_172 = tpu.memref_slice %arg7[%add3A_168, %dma_start3A_171] : memref<125x80xi32, #tpu.memory_space<vmem>> -> memref<1x80xi32, #tpu.memory_space<vmem>>
        %dma_start3A_173 = tpu.memref_squeeze %dma_start3A_172 : memref<1x80xi32, #tpu.memory_space<vmem>> -> memref<80xi32, #tpu.memory_space<vmem>>
        %dma_start3A_174 = arith.constant 0 : i32
        %dma_start3A_175 = arith.constant 0 : i32
        %dma_start3A_176 = tpu.memref_slice %arg18[%dma_start3A_174, %dma_start3A_175] : memref<10240x32xf32, #tpu.memory_space<vmem_shared>> -> memref<10240x32xf32, #tpu.memory_space<vmem_shared>>
        tpu.enqueue_indirect_dma source(%dma_start3A_176 : memref<10240x32xf32, #tpu.memory_space<vmem_shared>>) target(%dma_start3A_170 : memref<80x32xf32, #tpu.memory_space<vmem>>) offsets(%dma_start3A_173 : memref<80xi32, #tpu.memory_space<vmem>>) semaphore(%arg12 : memref<!tpu.dma_semaphore, #tpu.memory_space<semaphore_mem>>)
      } else {
      }
    }
    %scan3A_91 = arith.constant 125 : i32
    %dma_wait3A_92 = arith.constant 121 : i32
    %dma_wait3A_93 = arith.constant 0 : i32
    %dma_wait3A_94 = arith.constant 0 : i32
    %dma_wait3A_95 = tpu.memref_slice %arg9[%dma_wait3A_93, %dma_wait3A_94] : memref<320x32xf32, #tpu.memory_space<vmem>> -> memref<80x32xf32, #tpu.memory_space<vmem>>
    %dma_wait3A_96 = arith.constant 0 : i32
    %dma_wait3A_97 = tpu.memref_slice %arg8[%dma_wait3A_92, %dma_wait3A_96] : memref<125x80xi32, #tpu.memory_space<vmem>> -> memref<1x80xi32, #tpu.memory_space<vmem>>
    %dma_wait3A_98 = tpu.memref_squeeze %dma_wait3A_97 : memref<1x80xi32, #tpu.memory_space<vmem>> -> memref<80xi32, #tpu.memory_space<vmem>>
    %dma_wait3A_99 = arith.constant 0 : i32
    %dma_wait3A_100 = arith.constant 0 : i32
    %dma_wait3A_101 = tpu.memref_slice %arg19[%dma_wait3A_99, %dma_wait3A_100] : memref<10240x32xf32, #tpu.memory_space<vmem_shared>> -> memref<10240x32xf32, #tpu.memory_space<vmem_shared>>
    tpu.wait_indirect_dma semaphore(%arg13 : memref<!tpu.dma_semaphore, #tpu.memory_space<semaphore_mem>>) src(%dma_wait3A_95 : memref<80x32xf32, #tpu.memory_space<vmem>>) dst(%dma_wait3A_101 : memref<10240x32xf32, #tpu.memory_space<vmem_shared>>)
    %dma_wait3A_102 = arith.constant 122 : i32
    %dma_wait3A_103 = arith.constant 0 : i32
    %dma_wait3A_104 = arith.constant 0 : i32
    %dma_wait3A_105 = tpu.memref_slice %arg9[%dma_wait3A_103, %dma_wait3A_104] : memref<320x32xf32, #tpu.memory_space<vmem>> -> memref<80x32xf32, #tpu.memory_space<vmem>>
    %dma_wait3A_106 = arith.constant 0 : i32
    %dma_wait3A_107 = tpu.memref_slice %arg8[%dma_wait3A_102, %dma_wait3A_106] : memref<125x80xi32, #tpu.memory_space<vmem>> -> memref<1x80xi32, #tpu.memory_space<vmem>>
    %dma_wait3A_108 = tpu.memref_squeeze %dma_wait3A_107 : memref<1x80xi32, #tpu.memory_space<vmem>> -> memref<80xi32, #tpu.memory_space<vmem>>
    %dma_wait3A_109 = arith.constant 0 : i32
    %dma_wait3A_110 = arith.constant 0 : i32
    %dma_wait3A_111 = tpu.memref_slice %arg19[%dma_wait3A_109, %dma_wait3A_110] : memref<10240x32xf32, #tpu.memory_space<vmem_shared>> -> memref<10240x32xf32, #tpu.memory_space<vmem_shared>>
    tpu.wait_indirect_dma semaphore(%arg13 : memref<!tpu.dma_semaphore, #tpu.memory_space<semaphore_mem>>) src(%dma_wait3A_105 : memref<80x32xf32, #tpu.memory_space<vmem>>) dst(%dma_wait3A_111 : memref<10240x32xf32, #tpu.memory_space<vmem_shared>>)
    %dma_wait3A_112 = arith.constant 123 : i32
    %dma_wait3A_113 = arith.constant 0 : i32
    %dma_wait3A_114 = arith.constant 0 : i32
    %dma_wait3A_115 = tpu.memref_slice %arg9[%dma_wait3A_113, %dma_wait3A_114] : memref<320x32xf32, #tpu.memory_space<vmem>> -> memref<80x32xf32, #tpu.memory_space<vmem>>
    %dma_wait3A_116 = arith.constant 0 : i32
    %dma_wait3A_117 = tpu.memref_slice %arg8[%dma_wait3A_112, %dma_wait3A_116] : memref<125x80xi32, #tpu.memory_space<vmem>> -> memref<1x80xi32, #tpu.memory_space<vmem>>
    %dma_wait3A_118 = tpu.memref_squeeze %dma_wait3A_117 : memref<1x80xi32, #tpu.memory_space<vmem>> -> memref<80xi32, #tpu.memory_space<vmem>>
    %dma_wait3A_119 = arith.constant 0 : i32
    %dma_wait3A_120 = arith.constant 0 : i32
    %dma_wait3A_121 = tpu.memref_slice %arg19[%dma_wait3A_119, %dma_wait3A_120] : memref<10240x32xf32, #tpu.memory_space<vmem_shared>> -> memref<10240x32xf32, #tpu.memory_space<vmem_shared>>
    tpu.wait_indirect_dma semaphore(%arg13 : memref<!tpu.dma_semaphore, #tpu.memory_space<semaphore_mem>>) src(%dma_wait3A_115 : memref<80x32xf32, #tpu.memory_space<vmem>>) dst(%dma_wait3A_121 : memref<10240x32xf32, #tpu.memory_space<vmem_shared>>)
    %dma_wait3A_122 = arith.constant 124 : i32
    %dma_wait3A_123 = arith.constant 0 : i32
    %dma_wait3A_124 = arith.constant 0 : i32
    %dma_wait3A_125 = tpu.memref_slice %arg9[%dma_wait3A_123, %dma_wait3A_124] : memref<320x32xf32, #tpu.memory_space<vmem>> -> memref<80x32xf32, #tpu.memory_space<vmem>>
    %dma_wait3A_126 = arith.constant 0 : i32
    %dma_wait3A_127 = tpu.memref_slice %arg8[%dma_wait3A_122, %dma_wait3A_126] : memref<125x80xi32, #tpu.memory_space<vmem>> -> memref<1x80xi32, #tpu.memory_space<vmem>>
    %dma_wait3A_128 = tpu.memref_squeeze %dma_wait3A_127 : memref<1x80xi32, #tpu.memory_space<vmem>> -> memref<80xi32, #tpu.memory_space<vmem>>
    %dma_wait3A_129 = arith.constant 0 : i32
    %dma_wait3A_130 = arith.constant 0 : i32
    %dma_wait3A_131 = tpu.memref_slice %arg19[%dma_wait3A_129, %dma_wait3A_130] : memref<10240x32xf32, #tpu.memory_space<vmem_shared>> -> memref<10240x32xf32, #tpu.memory_space<vmem_shared>>
    tpu.wait_indirect_dma semaphore(%arg13 : memref<!tpu.dma_semaphore, #tpu.memory_space<semaphore_mem>>) src(%dma_wait3A_125 : memref<80x32xf32, #tpu.memory_space<vmem>>) dst(%dma_wait3A_131 : memref<10240x32xf32, #tpu.memory_space<vmem_shared>>)
    %barrier3A_132 = arith.constant 0 : index
    tpu.barrier barrier_id(%barrier3A_132)
    "tpu.region"() ({
      %run_scoped3A = tpu.sem_alloc : memref<!tpu.dma_semaphore, #tpu.memory_space<semaphore_mem>>
      %dma_start3A_133 = arith.constant 0 : i32
      %dma_start3A_134 = tpu.memref_slice %arg19[%mul3A_2, %dma_start3A_133] : memref<10240x32xf32, #tpu.memory_space<vmem_shared>> -> memref<640x32xf32, #tpu.memory_space<vmem_shared>>
      %dma_start3A_135 = arith.constant 0 : i32
      %dma_start3A_136 = tpu.memref_slice %arg19[%mul3A_2, %dma_start3A_135] : memref<10240x32xf32, #tpu.memory_space<vmem_shared>> -> memref<640x32xf32, #tpu.memory_space<vmem_shared>>
      tpu.enqueue_dma source(%dma_start3A_136 : memref<640x32xf32, #tpu.memory_space<vmem_shared>>) target(%arg10 : memref<640x32xf32, #tpu.memory_space<vmem>>) target_semaphore(%run_scoped3A : memref<!tpu.dma_semaphore, #tpu.memory_space<semaphore_mem>>)
      %dma_wait3A_137 = arith.constant 0 : i32
      %dma_wait3A_138 = tpu.memref_slice %arg19[%mul3A_2, %dma_wait3A_137] : memref<10240x32xf32, #tpu.memory_space<vmem_shared>> -> memref<640x32xf32, #tpu.memory_space<vmem_shared>>
      %dma_wait3A_139 = arith.constant 0 : i32
      %dma_wait3A_140 = tpu.memref_slice %arg19[%mul3A_2, %dma_wait3A_139] : memref<10240x32xf32, #tpu.memory_space<vmem_shared>> -> memref<640x32xf32, #tpu.memory_space<vmem_shared>>
      tpu.wait_dma2 semaphore(%run_scoped3A : memref<!tpu.dma_semaphore, #tpu.memory_space<semaphore_mem>>) src(%dma_wait3A_140 : memref<640x32xf32, #tpu.memory_space<vmem_shared>>) dst(%arg10 : memref<640x32xf32, #tpu.memory_space<vmem>>)
      tpu.yield
    }) : () -> ()
    "tpu.region"() ({
      %run_scoped3A = tpu.sem_alloc : memref<!tpu.dma_semaphore, #tpu.memory_space<semaphore_mem>>
      %dma_start3A_133 = arith.constant 0 : i32
      %dma_start3A_134 = tpu.memref_slice %arg6[%arg0, %mul3A_2, %dma_start3A_133] : memref<2x10240x32xf32, #tpu.memory_space<hbm>> -> memref<1x640x32xf32, #tpu.memory_space<hbm>>
      %dma_start3A_135 = tpu.memref_squeeze %dma_start3A_134 : memref<1x640x32xf32, #tpu.memory_space<hbm>> -> memref<640x32xf32, #tpu.memory_space<hbm>>
      %dma_start3A_136 = arith.constant 0 : i32
      %dma_start3A_137 = tpu.memref_slice %arg6[%arg0, %mul3A_2, %dma_start3A_136] : memref<2x10240x32xf32, #tpu.memory_space<hbm>> -> memref<1x640x32xf32, #tpu.memory_space<hbm>>
      %dma_start3A_138 = tpu.memref_squeeze %dma_start3A_137 : memref<1x640x32xf32, #tpu.memory_space<hbm>> -> memref<640x32xf32, #tpu.memory_space<hbm>>
      tpu.enqueue_dma source(%arg10 : memref<640x32xf32, #tpu.memory_space<vmem>>) target(%dma_start3A_138 : memref<640x32xf32, #tpu.memory_space<hbm>>) target_semaphore(%run_scoped3A : memref<!tpu.dma_semaphore, #tpu.memory_space<semaphore_mem>>)
      %dma_wait3A_139 = arith.constant 0 : i32
      %dma_wait3A_140 = tpu.memref_slice %arg6[%arg0, %mul3A_2, %dma_wait3A_139] : memref<2x10240x32xf32, #tpu.memory_space<hbm>> -> memref<1x640x32xf32, #tpu.memory_space<hbm>>
      %dma_wait3A_141 = tpu.memref_squeeze %dma_wait3A_140 : memref<1x640x32xf32, #tpu.memory_space<hbm>> -> memref<640x32xf32, #tpu.memory_space<hbm>>
      %dma_wait3A_142 = arith.constant 0 : i32
      %dma_wait3A_143 = tpu.memref_slice %arg6[%arg0, %mul3A_2, %dma_wait3A_142] : memref<2x10240x32xf32, #tpu.memory_space<hbm>> -> memref<1x640x32xf32, #tpu.memory_space<hbm>>
      %dma_wait3A_144 = tpu.memref_squeeze %dma_wait3A_143 : memref<1x640x32xf32, #tpu.memory_space<hbm>> -> memref<640x32xf32, #tpu.memory_space<hbm>>
      tpu.wait_dma2 semaphore(%run_scoped3A : memref<!tpu.dma_semaphore, #tpu.memory_space<semaphore_mem>>) src(%arg10 : memref<640x32xf32, #tpu.memory_space<vmem>>) dst(%dma_wait3A_144 : memref<640x32xf32, #tpu.memory_space<hbm>>)
      tpu.yield
    }) : () -> ()
    return
  }
}

#map = affine_map<(d0, d1) -> (0, 0, 0)>
#map1 = affine_map<(d0, d1) -> (0, 0)>
module attributes {stable_mosaic.version = 14 : i64} {
  func.func @_deg_body(%arg0: i32, %arg1: i32, %arg2: memref<32x125x80xi32, #tpu.memory_space<hbm>>, %arg3: memref<80x32xf32, #tpu.memory_space<hbm>>, %arg4: memref<640x32xf32, #tpu.memory_space<hbm>>, %arg5: memref<2x10240x32xf32, #tpu.memory_space<hbm>>, %arg6: memref<125x80xi32, #tpu.memory_space<vmem>>, %arg7: memref<80x32xf32, #tpu.memory_space<vmem>>, %arg8: memref<640x32xf32, #tpu.memory_space<vmem>>, %arg9: memref<!tpu.dma_semaphore, #tpu.memory_space<semaphore_mem>>, %arg10: memref<!tpu.dma_semaphore, #tpu.memory_space<semaphore_mem>>, %arg11: memref<!tpu.dma_semaphore, #tpu.memory_space<semaphore_mem>>, %arg12: memref<!tpu.dma_semaphore, #tpu.memory_space<semaphore_mem>>, %arg13: memref<10240x32xf32, #tpu.memory_space<vmem_shared>>) attributes {dimension_semantics = [#tpu.dimension_semantics<core_parallel>, #tpu.dimension_semantics<subcore_parallel>], iteration_bounds = array<i64: 2, 16>, scalar_prefetch = 0 : i64, scratch_operands = 8 : i64, tpu.core_type = #tpu.core_type<sc_vector_subcore>, window_params = [{transform_indices = #map}, {transform_indices = #map1}, {transform_indices = #map1}, {transform_indices = #map}]} {
    %mul3A = arith.constant 2 : i32
    %mul3A_0 = arith.muli %arg1, %mul3A : i32
    %add3A = arith.addi %mul3A_0, %arg0 : i32
    %mul3A_1 = arith.constant 640 : i32
    %mul3A_2 = arith.muli %arg1, %mul3A_1 : i32
    %dma_start3A = arith.constant 0 : i32
    %dma_start3A_3 = arith.constant 0 : i32
    %dma_start3A_4 = tpu.memref_slice %arg2[%add3A, %dma_start3A, %dma_start3A_3] : memref<32x125x80xi32, #tpu.memory_space<hbm>> -> memref<1x125x80xi32, #tpu.memory_space<hbm>>
    %dma_start3A_5 = tpu.memref_squeeze %dma_start3A_4 : memref<1x125x80xi32, #tpu.memory_space<hbm>> -> memref<125x80xi32, #tpu.memory_space<hbm>>
    %dma_start3A_6 = arith.constant 0 : i32
    %dma_start3A_7 = arith.constant 0 : i32
    %dma_start3A_8 = tpu.memref_slice %arg2[%add3A, %dma_start3A_6, %dma_start3A_7] : memref<32x125x80xi32, #tpu.memory_space<hbm>> -> memref<1x125x80xi32, #tpu.memory_space<hbm>>
    %dma_start3A_9 = tpu.memref_squeeze %dma_start3A_8 : memref<1x125x80xi32, #tpu.memory_space<hbm>> -> memref<125x80xi32, #tpu.memory_space<hbm>>
    tpu.enqueue_dma source(%dma_start3A_9 : memref<125x80xi32, #tpu.memory_space<hbm>>) target(%arg6 : memref<125x80xi32, #tpu.memory_space<vmem>>) target_semaphore(%arg9 : memref<!tpu.dma_semaphore, #tpu.memory_space<semaphore_mem>>)
    tpu.enqueue_dma source(%arg3 : memref<80x32xf32, #tpu.memory_space<hbm>>) target(%arg7 : memref<80x32xf32, #tpu.memory_space<vmem>>) target_semaphore(%arg10 : memref<!tpu.dma_semaphore, #tpu.memory_space<semaphore_mem>>)
    tpu.enqueue_dma source(%arg4 : memref<640x32xf32, #tpu.memory_space<hbm>>) target(%arg8 : memref<640x32xf32, #tpu.memory_space<vmem>>) target_semaphore(%arg11 : memref<!tpu.dma_semaphore, #tpu.memory_space<semaphore_mem>>)
    tpu.wait_dma2 semaphore(%arg11 : memref<!tpu.dma_semaphore, #tpu.memory_space<semaphore_mem>>) src(%arg4 : memref<640x32xf32, #tpu.memory_space<hbm>>) dst(%arg8 : memref<640x32xf32, #tpu.memory_space<vmem>>)
    %dma_start3A_10 = arith.constant 0 : i32
    %dma_start3A_11 = tpu.memref_slice %arg13[%mul3A_2, %dma_start3A_10] : memref<10240x32xf32, #tpu.memory_space<vmem_shared>> -> memref<640x32xf32, #tpu.memory_space<vmem_shared>>
    %dma_start3A_12 = arith.constant 0 : i32
    %dma_start3A_13 = tpu.memref_slice %arg13[%mul3A_2, %dma_start3A_12] : memref<10240x32xf32, #tpu.memory_space<vmem_shared>> -> memref<640x32xf32, #tpu.memory_space<vmem_shared>>
    tpu.enqueue_dma source(%arg8 : memref<640x32xf32, #tpu.memory_space<vmem>>) target(%dma_start3A_13 : memref<640x32xf32, #tpu.memory_space<vmem_shared>>) target_semaphore(%arg11 : memref<!tpu.dma_semaphore, #tpu.memory_space<semaphore_mem>>)
    %dma_wait3A = arith.constant 0 : i32
    %dma_wait3A_14 = arith.constant 0 : i32
    %dma_wait3A_15 = tpu.memref_slice %arg2[%add3A, %dma_wait3A, %dma_wait3A_14] : memref<32x125x80xi32, #tpu.memory_space<hbm>> -> memref<1x125x80xi32, #tpu.memory_space<hbm>>
    %dma_wait3A_16 = tpu.memref_squeeze %dma_wait3A_15 : memref<1x125x80xi32, #tpu.memory_space<hbm>> -> memref<125x80xi32, #tpu.memory_space<hbm>>
    %dma_wait3A_17 = arith.constant 0 : i32
    %dma_wait3A_18 = arith.constant 0 : i32
    %dma_wait3A_19 = tpu.memref_slice %arg2[%add3A, %dma_wait3A_17, %dma_wait3A_18] : memref<32x125x80xi32, #tpu.memory_space<hbm>> -> memref<1x125x80xi32, #tpu.memory_space<hbm>>
    %dma_wait3A_20 = tpu.memref_squeeze %dma_wait3A_19 : memref<1x125x80xi32, #tpu.memory_space<hbm>> -> memref<125x80xi32, #tpu.memory_space<hbm>>
    tpu.wait_dma2 semaphore(%arg9 : memref<!tpu.dma_semaphore, #tpu.memory_space<semaphore_mem>>) src(%dma_wait3A_20 : memref<125x80xi32, #tpu.memory_space<hbm>>) dst(%arg6 : memref<125x80xi32, #tpu.memory_space<vmem>>)
    tpu.wait_dma2 semaphore(%arg10 : memref<!tpu.dma_semaphore, #tpu.memory_space<semaphore_mem>>) src(%arg3 : memref<80x32xf32, #tpu.memory_space<hbm>>) dst(%arg7 : memref<80x32xf32, #tpu.memory_space<vmem>>)
    %dma_wait3A_21 = arith.constant 0 : i32
    %dma_wait3A_22 = tpu.memref_slice %arg13[%mul3A_2, %dma_wait3A_21] : memref<10240x32xf32, #tpu.memory_space<vmem_shared>> -> memref<640x32xf32, #tpu.memory_space<vmem_shared>>
    %dma_wait3A_23 = arith.constant 0 : i32
    %dma_wait3A_24 = tpu.memref_slice %arg13[%mul3A_2, %dma_wait3A_23] : memref<10240x32xf32, #tpu.memory_space<vmem_shared>> -> memref<640x32xf32, #tpu.memory_space<vmem_shared>>
    tpu.wait_dma2 semaphore(%arg11 : memref<!tpu.dma_semaphore, #tpu.memory_space<semaphore_mem>>) src(%arg8 : memref<640x32xf32, #tpu.memory_space<vmem>>) dst(%dma_wait3A_24 : memref<640x32xf32, #tpu.memory_space<vmem_shared>>)
    %barrier3A = arith.constant 0 : index
    tpu.barrier barrier_id(%barrier3A)
    %scan3A = arith.constant 0 : i32
    %scan3A_25 = arith.constant 0 : i32
    %scan3A_26 = arith.constant 125 : i32
    %scan3A_27 = arith.addi %scan3A_25, %scan3A_26 : i32
    %scan3A_28 = arith.constant 1 : i32
    scf.for %scan3A_87 = %scan3A_25 to %scan3A_27 step %scan3A_28  : i32 {
      %dma_start3A_88 = arith.constant 0 : i32
      %dma_start3A_89 = tpu.memref_slice %arg6[%scan3A_87, %dma_start3A_88] : memref<125x80xi32, #tpu.memory_space<vmem>> -> memref<1x80xi32, #tpu.memory_space<vmem>>
      %dma_start3A_90 = tpu.memref_squeeze %dma_start3A_89 : memref<1x80xi32, #tpu.memory_space<vmem>> -> memref<80xi32, #tpu.memory_space<vmem>>
      %dma_start3A_91 = arith.constant 0 : i32
      %dma_start3A_92 = arith.constant 0 : i32
      %dma_start3A_93 = tpu.memref_slice %arg13[%dma_start3A_91, %dma_start3A_92] : memref<10240x32xf32, #tpu.memory_space<vmem_shared>> -> memref<10240x32xf32, #tpu.memory_space<vmem_shared>>
      tpu.enqueue_indirect_dma source(%arg7 : memref<80x32xf32, #tpu.memory_space<vmem>>) target(%dma_start3A_93 : memref<10240x32xf32, #tpu.memory_space<vmem_shared>>) offsets(%dma_start3A_90 : memref<80xi32, #tpu.memory_space<vmem>>) semaphore(%arg12 : memref<!tpu.dma_semaphore, #tpu.memory_space<semaphore_mem>>) {add = true}
      %ge3A = arith.constant 8 : i32
      %ge3A_94 = arith.cmpi sge, %scan3A_87, %ge3A : i32
      %convert_element_type3A = arith.extui %ge3A_94 : i1 to i32
      %cond3A = arith.constant 0 : i32
      %cond3A_95 = arith.cmpi ne, %convert_element_type3A, %cond3A : i32
      scf.if %cond3A_95 {
        %sub3A = arith.constant 8 : i32
        %sub3A_96 = arith.subi %scan3A_87, %sub3A : i32
        %dma_wait3A_97 = arith.constant 0 : i32
        %dma_wait3A_98 = tpu.memref_slice %arg6[%sub3A_96, %dma_wait3A_97] : memref<125x80xi32, #tpu.memory_space<vmem>> -> memref<1x80xi32, #tpu.memory_space<vmem>>
        %dma_wait3A_99 = tpu.memref_squeeze %dma_wait3A_98 : memref<1x80xi32, #tpu.memory_space<vmem>> -> memref<80xi32, #tpu.memory_space<vmem>>
        %dma_wait3A_100 = arith.constant 0 : i32
        %dma_wait3A_101 = arith.constant 0 : i32
        %dma_wait3A_102 = tpu.memref_slice %arg13[%dma_wait3A_100, %dma_wait3A_101] : memref<10240x32xf32, #tpu.memory_space<vmem_shared>> -> memref<10240x32xf32, #tpu.memory_space<vmem_shared>>
        tpu.wait_indirect_dma semaphore(%arg12 : memref<!tpu.dma_semaphore, #tpu.memory_space<semaphore_mem>>) src(%arg7 : memref<80x32xf32, #tpu.memory_space<vmem>>) dst(%dma_wait3A_102 : memref<10240x32xf32, #tpu.memory_space<vmem_shared>>)
      } else {
      }
    }
    %scan3A_29 = arith.constant 125 : i32
    %dma_wait3A_30 = arith.constant 117 : i32
    %dma_wait3A_31 = arith.constant 0 : i32
    %dma_wait3A_32 = tpu.memref_slice %arg6[%dma_wait3A_30, %dma_wait3A_31] : memref<125x80xi32, #tpu.memory_space<vmem>> -> memref<1x80xi32, #tpu.memory_space<vmem>>
    %dma_wait3A_33 = tpu.memref_squeeze %dma_wait3A_32 : memref<1x80xi32, #tpu.memory_space<vmem>> -> memref<80xi32, #tpu.memory_space<vmem>>
    %dma_wait3A_34 = arith.constant 0 : i32
    %dma_wait3A_35 = arith.constant 0 : i32
    %dma_wait3A_36 = tpu.memref_slice %arg13[%dma_wait3A_34, %dma_wait3A_35] : memref<10240x32xf32, #tpu.memory_space<vmem_shared>> -> memref<10240x32xf32, #tpu.memory_space<vmem_shared>>
    tpu.wait_indirect_dma semaphore(%arg12 : memref<!tpu.dma_semaphore, #tpu.memory_space<semaphore_mem>>) src(%arg7 : memref<80x32xf32, #tpu.memory_space<vmem>>) dst(%dma_wait3A_36 : memref<10240x32xf32, #tpu.memory_space<vmem_shared>>)
    %dma_wait3A_37 = arith.constant 118 : i32
    %dma_wait3A_38 = arith.constant 0 : i32
    %dma_wait3A_39 = tpu.memref_slice %arg6[%dma_wait3A_37, %dma_wait3A_38] : memref<125x80xi32, #tpu.memory_space<vmem>> -> memref<1x80xi32, #tpu.memory_space<vmem>>
    %dma_wait3A_40 = tpu.memref_squeeze %dma_wait3A_39 : memref<1x80xi32, #tpu.memory_space<vmem>> -> memref<80xi32, #tpu.memory_space<vmem>>
    %dma_wait3A_41 = arith.constant 0 : i32
    %dma_wait3A_42 = arith.constant 0 : i32
    %dma_wait3A_43 = tpu.memref_slice %arg13[%dma_wait3A_41, %dma_wait3A_42] : memref<10240x32xf32, #tpu.memory_space<vmem_shared>> -> memref<10240x32xf32, #tpu.memory_space<vmem_shared>>
    tpu.wait_indirect_dma semaphore(%arg12 : memref<!tpu.dma_semaphore, #tpu.memory_space<semaphore_mem>>) src(%arg7 : memref<80x32xf32, #tpu.memory_space<vmem>>) dst(%dma_wait3A_43 : memref<10240x32xf32, #tpu.memory_space<vmem_shared>>)
    %dma_wait3A_44 = arith.constant 119 : i32
    %dma_wait3A_45 = arith.constant 0 : i32
    %dma_wait3A_46 = tpu.memref_slice %arg6[%dma_wait3A_44, %dma_wait3A_45] : memref<125x80xi32, #tpu.memory_space<vmem>> -> memref<1x80xi32, #tpu.memory_space<vmem>>
    %dma_wait3A_47 = tpu.memref_squeeze %dma_wait3A_46 : memref<1x80xi32, #tpu.memory_space<vmem>> -> memref<80xi32, #tpu.memory_space<vmem>>
    %dma_wait3A_48 = arith.constant 0 : i32
    %dma_wait3A_49 = arith.constant 0 : i32
    %dma_wait3A_50 = tpu.memref_slice %arg13[%dma_wait3A_48, %dma_wait3A_49] : memref<10240x32xf32, #tpu.memory_space<vmem_shared>> -> memref<10240x32xf32, #tpu.memory_space<vmem_shared>>
    tpu.wait_indirect_dma semaphore(%arg12 : memref<!tpu.dma_semaphore, #tpu.memory_space<semaphore_mem>>) src(%arg7 : memref<80x32xf32, #tpu.memory_space<vmem>>) dst(%dma_wait3A_50 : memref<10240x32xf32, #tpu.memory_space<vmem_shared>>)
    %dma_wait3A_51 = arith.constant 120 : i32
    %dma_wait3A_52 = arith.constant 0 : i32
    %dma_wait3A_53 = tpu.memref_slice %arg6[%dma_wait3A_51, %dma_wait3A_52] : memref<125x80xi32, #tpu.memory_space<vmem>> -> memref<1x80xi32, #tpu.memory_space<vmem>>
    %dma_wait3A_54 = tpu.memref_squeeze %dma_wait3A_53 : memref<1x80xi32, #tpu.memory_space<vmem>> -> memref<80xi32, #tpu.memory_space<vmem>>
    %dma_wait3A_55 = arith.constant 0 : i32
    %dma_wait3A_56 = arith.constant 0 : i32
    %dma_wait3A_57 = tpu.memref_slice %arg13[%dma_wait3A_55, %dma_wait3A_56] : memref<10240x32xf32, #tpu.memory_space<vmem_shared>> -> memref<10240x32xf32, #tpu.memory_space<vmem_shared>>
    tpu.wait_indirect_dma semaphore(%arg12 : memref<!tpu.dma_semaphore, #tpu.memory_space<semaphore_mem>>) src(%arg7 : memref<80x32xf32, #tpu.memory_space<vmem>>) dst(%dma_wait3A_57 : memref<10240x32xf32, #tpu.memory_space<vmem_shared>>)
    %dma_wait3A_58 = arith.constant 121 : i32
    %dma_wait3A_59 = arith.constant 0 : i32
    %dma_wait3A_60 = tpu.memref_slice %arg6[%dma_wait3A_58, %dma_wait3A_59] : memref<125x80xi32, #tpu.memory_space<vmem>> -> memref<1x80xi32, #tpu.memory_space<vmem>>
    %dma_wait3A_61 = tpu.memref_squeeze %dma_wait3A_60 : memref<1x80xi32, #tpu.memory_space<vmem>> -> memref<80xi32, #tpu.memory_space<vmem>>
    %dma_wait3A_62 = arith.constant 0 : i32
    %dma_wait3A_63 = arith.constant 0 : i32
    %dma_wait3A_64 = tpu.memref_slice %arg13[%dma_wait3A_62, %dma_wait3A_63] : memref<10240x32xf32, #tpu.memory_space<vmem_shared>> -> memref<10240x32xf32, #tpu.memory_space<vmem_shared>>
    tpu.wait_indirect_dma semaphore(%arg12 : memref<!tpu.dma_semaphore, #tpu.memory_space<semaphore_mem>>) src(%arg7 : memref<80x32xf32, #tpu.memory_space<vmem>>) dst(%dma_wait3A_64 : memref<10240x32xf32, #tpu.memory_space<vmem_shared>>)
    %dma_wait3A_65 = arith.constant 122 : i32
    %dma_wait3A_66 = arith.constant 0 : i32
    %dma_wait3A_67 = tpu.memref_slice %arg6[%dma_wait3A_65, %dma_wait3A_66] : memref<125x80xi32, #tpu.memory_space<vmem>> -> memref<1x80xi32, #tpu.memory_space<vmem>>
    %dma_wait3A_68 = tpu.memref_squeeze %dma_wait3A_67 : memref<1x80xi32, #tpu.memory_space<vmem>> -> memref<80xi32, #tpu.memory_space<vmem>>
    %dma_wait3A_69 = arith.constant 0 : i32
    %dma_wait3A_70 = arith.constant 0 : i32
    %dma_wait3A_71 = tpu.memref_slice %arg13[%dma_wait3A_69, %dma_wait3A_70] : memref<10240x32xf32, #tpu.memory_space<vmem_shared>> -> memref<10240x32xf32, #tpu.memory_space<vmem_shared>>
    tpu.wait_indirect_dma semaphore(%arg12 : memref<!tpu.dma_semaphore, #tpu.memory_space<semaphore_mem>>) src(%arg7 : memref<80x32xf32, #tpu.memory_space<vmem>>) dst(%dma_wait3A_71 : memref<10240x32xf32, #tpu.memory_space<vmem_shared>>)
    %dma_wait3A_72 = arith.constant 123 : i32
    %dma_wait3A_73 = arith.constant 0 : i32
    %dma_wait3A_74 = tpu.memref_slice %arg6[%dma_wait3A_72, %dma_wait3A_73] : memref<125x80xi32, #tpu.memory_space<vmem>> -> memref<1x80xi32, #tpu.memory_space<vmem>>
    %dma_wait3A_75 = tpu.memref_squeeze %dma_wait3A_74 : memref<1x80xi32, #tpu.memory_space<vmem>> -> memref<80xi32, #tpu.memory_space<vmem>>
    %dma_wait3A_76 = arith.constant 0 : i32
    %dma_wait3A_77 = arith.constant 0 : i32
    %dma_wait3A_78 = tpu.memref_slice %arg13[%dma_wait3A_76, %dma_wait3A_77] : memref<10240x32xf32, #tpu.memory_space<vmem_shared>> -> memref<10240x32xf32, #tpu.memory_space<vmem_shared>>
    tpu.wait_indirect_dma semaphore(%arg12 : memref<!tpu.dma_semaphore, #tpu.memory_space<semaphore_mem>>) src(%arg7 : memref<80x32xf32, #tpu.memory_space<vmem>>) dst(%dma_wait3A_78 : memref<10240x32xf32, #tpu.memory_space<vmem_shared>>)
    %dma_wait3A_79 = arith.constant 124 : i32
    %dma_wait3A_80 = arith.constant 0 : i32
    %dma_wait3A_81 = tpu.memref_slice %arg6[%dma_wait3A_79, %dma_wait3A_80] : memref<125x80xi32, #tpu.memory_space<vmem>> -> memref<1x80xi32, #tpu.memory_space<vmem>>
    %dma_wait3A_82 = tpu.memref_squeeze %dma_wait3A_81 : memref<1x80xi32, #tpu.memory_space<vmem>> -> memref<80xi32, #tpu.memory_space<vmem>>
    %dma_wait3A_83 = arith.constant 0 : i32
    %dma_wait3A_84 = arith.constant 0 : i32
    %dma_wait3A_85 = tpu.memref_slice %arg13[%dma_wait3A_83, %dma_wait3A_84] : memref<10240x32xf32, #tpu.memory_space<vmem_shared>> -> memref<10240x32xf32, #tpu.memory_space<vmem_shared>>
    tpu.wait_indirect_dma semaphore(%arg12 : memref<!tpu.dma_semaphore, #tpu.memory_space<semaphore_mem>>) src(%arg7 : memref<80x32xf32, #tpu.memory_space<vmem>>) dst(%dma_wait3A_85 : memref<10240x32xf32, #tpu.memory_space<vmem_shared>>)
    %barrier3A_86 = arith.constant 0 : index
    tpu.barrier barrier_id(%barrier3A_86)
    "tpu.region"() ({
      %run_scoped3A = tpu.sem_alloc : memref<!tpu.dma_semaphore, #tpu.memory_space<semaphore_mem>>
      %dma_start3A_87 = arith.constant 0 : i32
      %dma_start3A_88 = tpu.memref_slice %arg13[%mul3A_2, %dma_start3A_87] : memref<10240x32xf32, #tpu.memory_space<vmem_shared>> -> memref<640x32xf32, #tpu.memory_space<vmem_shared>>
      %dma_start3A_89 = arith.constant 0 : i32
      %dma_start3A_90 = tpu.memref_slice %arg13[%mul3A_2, %dma_start3A_89] : memref<10240x32xf32, #tpu.memory_space<vmem_shared>> -> memref<640x32xf32, #tpu.memory_space<vmem_shared>>
      tpu.enqueue_dma source(%dma_start3A_90 : memref<640x32xf32, #tpu.memory_space<vmem_shared>>) target(%arg8 : memref<640x32xf32, #tpu.memory_space<vmem>>) target_semaphore(%run_scoped3A : memref<!tpu.dma_semaphore, #tpu.memory_space<semaphore_mem>>)
      %dma_wait3A_91 = arith.constant 0 : i32
      %dma_wait3A_92 = tpu.memref_slice %arg13[%mul3A_2, %dma_wait3A_91] : memref<10240x32xf32, #tpu.memory_space<vmem_shared>> -> memref<640x32xf32, #tpu.memory_space<vmem_shared>>
      %dma_wait3A_93 = arith.constant 0 : i32
      %dma_wait3A_94 = tpu.memref_slice %arg13[%mul3A_2, %dma_wait3A_93] : memref<10240x32xf32, #tpu.memory_space<vmem_shared>> -> memref<640x32xf32, #tpu.memory_space<vmem_shared>>
      tpu.wait_dma2 semaphore(%run_scoped3A : memref<!tpu.dma_semaphore, #tpu.memory_space<semaphore_mem>>) src(%dma_wait3A_94 : memref<640x32xf32, #tpu.memory_space<vmem_shared>>) dst(%arg8 : memref<640x32xf32, #tpu.memory_space<vmem>>)
      tpu.yield
    }) : () -> ()
    "tpu.region"() ({
      %run_scoped3A = tpu.sem_alloc : memref<!tpu.dma_semaphore, #tpu.memory_space<semaphore_mem>>
      %dma_start3A_87 = arith.constant 0 : i32
      %dma_start3A_88 = tpu.memref_slice %arg5[%arg0, %mul3A_2, %dma_start3A_87] : memref<2x10240x32xf32, #tpu.memory_space<hbm>> -> memref<1x640x32xf32, #tpu.memory_space<hbm>>
      %dma_start3A_89 = tpu.memref_squeeze %dma_start3A_88 : memref<1x640x32xf32, #tpu.memory_space<hbm>> -> memref<640x32xf32, #tpu.memory_space<hbm>>
      %dma_start3A_90 = arith.constant 0 : i32
      %dma_start3A_91 = tpu.memref_slice %arg5[%arg0, %mul3A_2, %dma_start3A_90] : memref<2x10240x32xf32, #tpu.memory_space<hbm>> -> memref<1x640x32xf32, #tpu.memory_space<hbm>>
      %dma_start3A_92 = tpu.memref_squeeze %dma_start3A_91 : memref<1x640x32xf32, #tpu.memory_space<hbm>> -> memref<640x32xf32, #tpu.memory_space<hbm>>
      tpu.enqueue_dma source(%arg8 : memref<640x32xf32, #tpu.memory_space<vmem>>) target(%dma_start3A_92 : memref<640x32xf32, #tpu.memory_space<hbm>>) target_semaphore(%run_scoped3A : memref<!tpu.dma_semaphore, #tpu.memory_space<semaphore_mem>>)
      %dma_wait3A_93 = arith.constant 0 : i32
      %dma_wait3A_94 = tpu.memref_slice %arg5[%arg0, %mul3A_2, %dma_wait3A_93] : memref<2x10240x32xf32, #tpu.memory_space<hbm>> -> memref<1x640x32xf32, #tpu.memory_space<hbm>>
      %dma_wait3A_95 = tpu.memref_squeeze %dma_wait3A_94 : memref<1x640x32xf32, #tpu.memory_space<hbm>> -> memref<640x32xf32, #tpu.memory_space<hbm>>
      %dma_wait3A_96 = arith.constant 0 : i32
      %dma_wait3A_97 = tpu.memref_slice %arg5[%arg0, %mul3A_2, %dma_wait3A_96] : memref<2x10240x32xf32, #tpu.memory_space<hbm>> -> memref<1x640x32xf32, #tpu.memory_space<hbm>>
      %dma_wait3A_98 = tpu.memref_squeeze %dma_wait3A_97 : memref<1x640x32xf32, #tpu.memory_space<hbm>> -> memref<640x32xf32, #tpu.memory_space<hbm>>
      tpu.wait_dma2 semaphore(%run_scoped3A : memref<!tpu.dma_semaphore, #tpu.memory_space<semaphore_mem>>) src(%arg8 : memref<640x32xf32, #tpu.memory_space<vmem>>) dst(%dma_wait3A_98 : memref<640x32xf32, #tpu.memory_space<hbm>>)
      tpu.yield
    }) : () -> ()
    return
  }
}

#map = affine_map<(d0, d1) -> (0, 0)>
#map1 = affine_map<(d0, d1) -> (0, 0, 0)>
module attributes {stable_mosaic.version = 14 : i64} {
  func.func @_prop_body(%arg0: i32, %arg1: i32, %arg2: memref<10240x32xf32, #tpu.memory_space<hbm>>, %arg3: memref<32x125x80xi32, #tpu.memory_space<hbm>>, %arg4: memref<32x125x80xi32, #tpu.memory_space<hbm>>, %arg5: memref<640x32xf32, #tpu.memory_space<hbm>>, %arg6: memref<2x10240x32xf32, #tpu.memory_space<hbm>>, %arg7: memref<125x80xi32, #tpu.memory_space<vmem>>, %arg8: memref<125x80xi32, #tpu.memory_space<vmem>>, %arg9: memref<320x32xf32, #tpu.memory_space<vmem>>, %arg10: memref<640x32xf32, #tpu.memory_space<vmem>>, %arg11: memref<640x32xf32, #tpu.memory_space<vmem>>, %arg12: memref<!tpu.dma_semaphore, #tpu.memory_space<semaphore_mem>>, %arg13: memref<!tpu.dma_semaphore, #tpu.memory_space<semaphore_mem>>, %arg14: memref<!tpu.dma_semaphore, #tpu.memory_space<semaphore_mem>>, %arg15: memref<!tpu.dma_semaphore, #tpu.memory_space<semaphore_mem>>, %arg16: memref<!tpu.dma_semaphore, #tpu.memory_space<semaphore_mem>>, %arg17: memref<!tpu.dma_semaphore, #tpu.memory_space<semaphore_mem>>, %arg18: memref<10240x32xf32, #tpu.memory_space<vmem_shared>>, %arg19: memref<10240x32xf32, #tpu.memory_space<vmem_shared>>) attributes {dimension_semantics = [#tpu.dimension_semantics<core_parallel>, #tpu.dimension_semantics<subcore_parallel>], iteration_bounds = array<i64: 2, 16>, scalar_prefetch = 0 : i64, scratch_operands = 13 : i64, tpu.core_type = #tpu.core_type<sc_vector_subcore>, window_params = [{transform_indices = #map}, {transform_indices = #map1}, {transform_indices = #map1}, {transform_indices = #map}, {transform_indices = #map1}]} {
    %mul3A = arith.constant 2 : i32
    %mul3A_0 = arith.muli %arg1, %mul3A : i32
    %add3A = arith.addi %mul3A_0, %arg0 : i32
    %mul3A_1 = arith.constant 640 : i32
    %mul3A_2 = arith.muli %arg1, %mul3A_1 : i32
    %dma_start3A = arith.constant 0 : i32
    %dma_start3A_3 = arith.constant 0 : i32
    %dma_start3A_4 = tpu.memref_slice %arg3[%add3A, %dma_start3A, %dma_start3A_3] : memref<32x125x80xi32, #tpu.memory_space<hbm>> -> memref<1x125x80xi32, #tpu.memory_space<hbm>>
    %dma_start3A_5 = tpu.memref_squeeze %dma_start3A_4 : memref<1x125x80xi32, #tpu.memory_space<hbm>> -> memref<125x80xi32, #tpu.memory_space<hbm>>
    %dma_start3A_6 = arith.constant 0 : i32
    %dma_start3A_7 = arith.constant 0 : i32
    %dma_start3A_8 = tpu.memref_slice %arg3[%add3A, %dma_start3A_6, %dma_start3A_7] : memref<32x125x80xi32, #tpu.memory_space<hbm>> -> memref<1x125x80xi32, #tpu.memory_space<hbm>>
    %dma_start3A_9 = tpu.memref_squeeze %dma_start3A_8 : memref<1x125x80xi32, #tpu.memory_space<hbm>> -> memref<125x80xi32, #tpu.memory_space<hbm>>
    tpu.enqueue_dma source(%dma_start3A_9 : memref<125x80xi32, #tpu.memory_space<hbm>>) target(%arg7 : memref<125x80xi32, #tpu.memory_space<vmem>>) target_semaphore(%arg14 : memref<!tpu.dma_semaphore, #tpu.memory_space<semaphore_mem>>)
    %dma_start3A_10 = arith.constant 0 : i32
    %dma_start3A_11 = arith.constant 0 : i32
    %dma_start3A_12 = tpu.memref_slice %arg4[%add3A, %dma_start3A_10, %dma_start3A_11] : memref<32x125x80xi32, #tpu.memory_space<hbm>> -> memref<1x125x80xi32, #tpu.memory_space<hbm>>
    %dma_start3A_13 = tpu.memref_squeeze %dma_start3A_12 : memref<1x125x80xi32, #tpu.memory_space<hbm>> -> memref<125x80xi32, #tpu.memory_space<hbm>>
    %dma_start3A_14 = arith.constant 0 : i32
    %dma_start3A_15 = arith.constant 0 : i32
    %dma_start3A_16 = tpu.memref_slice %arg4[%add3A, %dma_start3A_14, %dma_start3A_15] : memref<32x125x80xi32, #tpu.memory_space<hbm>> -> memref<1x125x80xi32, #tpu.memory_space<hbm>>
    %dma_start3A_17 = tpu.memref_squeeze %dma_start3A_16 : memref<1x125x80xi32, #tpu.memory_space<hbm>> -> memref<125x80xi32, #tpu.memory_space<hbm>>
    tpu.enqueue_dma source(%dma_start3A_17 : memref<125x80xi32, #tpu.memory_space<hbm>>) target(%arg8 : memref<125x80xi32, #tpu.memory_space<vmem>>) target_semaphore(%arg15 : memref<!tpu.dma_semaphore, #tpu.memory_space<semaphore_mem>>)
    %dma_start3A_18 = arith.constant 0 : i32
    %dma_start3A_19 = tpu.memref_slice %arg2[%mul3A_2, %dma_start3A_18] : memref<10240x32xf32, #tpu.memory_space<hbm>> -> memref<640x32xf32, #tpu.memory_space<hbm>>
    %dma_start3A_20 = arith.constant 0 : i32
    %dma_start3A_21 = tpu.memref_slice %arg2[%mul3A_2, %dma_start3A_20] : memref<10240x32xf32, #tpu.memory_space<hbm>> -> memref<640x32xf32, #tpu.memory_space<hbm>>
    tpu.enqueue_dma source(%dma_start3A_21 : memref<640x32xf32, #tpu.memory_space<hbm>>) target(%arg10 : memref<640x32xf32, #tpu.memory_space<vmem>>) target_semaphore(%arg16 : memref<!tpu.dma_semaphore, #tpu.memory_space<semaphore_mem>>)
    tpu.enqueue_dma source(%arg5 : memref<640x32xf32, #tpu.memory_space<hbm>>) target(%arg11 : memref<640x32xf32, #tpu.memory_space<vmem>>) target_semaphore(%arg17 : memref<!tpu.dma_semaphore, #tpu.memory_space<semaphore_mem>>)
    %dma_wait3A = arith.constant 0 : i32
    %dma_wait3A_22 = tpu.memref_slice %arg2[%mul3A_2, %dma_wait3A] : memref<10240x32xf32, #tpu.memory_space<hbm>> -> memref<640x32xf32, #tpu.memory_space<hbm>>
    %dma_wait3A_23 = arith.constant 0 : i32
    %dma_wait3A_24 = tpu.memref_slice %arg2[%mul3A_2, %dma_wait3A_23] : memref<10240x32xf32, #tpu.memory_space<hbm>> -> memref<640x32xf32, #tpu.memory_space<hbm>>
    tpu.wait_dma2 semaphore(%arg16 : memref<!tpu.dma_semaphore, #tpu.memory_space<semaphore_mem>>) src(%dma_wait3A_24 : memref<640x32xf32, #tpu.memory_space<hbm>>) dst(%arg10 : memref<640x32xf32, #tpu.memory_space<vmem>>)
    %dma_start3A_25 = arith.constant 0 : i32
    %dma_start3A_26 = tpu.memref_slice %arg18[%mul3A_2, %dma_start3A_25] : memref<10240x32xf32, #tpu.memory_space<vmem_shared>> -> memref<640x32xf32, #tpu.memory_space<vmem_shared>>
    %dma_start3A_27 = arith.constant 0 : i32
    %dma_start3A_28 = tpu.memref_slice %arg18[%mul3A_2, %dma_start3A_27] : memref<10240x32xf32, #tpu.memory_space<vmem_shared>> -> memref<640x32xf32, #tpu.memory_space<vmem_shared>>
    tpu.enqueue_dma source(%arg10 : memref<640x32xf32, #tpu.memory_space<vmem>>) target(%dma_start3A_28 : memref<640x32xf32, #tpu.memory_space<vmem_shared>>) target_semaphore(%arg16 : memref<!tpu.dma_semaphore, #tpu.memory_space<semaphore_mem>>)
    tpu.wait_dma2 semaphore(%arg17 : memref<!tpu.dma_semaphore, #tpu.memory_space<semaphore_mem>>) src(%arg5 : memref<640x32xf32, #tpu.memory_space<hbm>>) dst(%arg11 : memref<640x32xf32, #tpu.memory_space<vmem>>)
    %dma_start3A_29 = arith.constant 0 : i32
    %dma_start3A_30 = tpu.memref_slice %arg19[%mul3A_2, %dma_start3A_29] : memref<10240x32xf32, #tpu.memory_space<vmem_shared>> -> memref<640x32xf32, #tpu.memory_space<vmem_shared>>
    %dma_start3A_31 = arith.constant 0 : i32
    %dma_start3A_32 = tpu.memref_slice %arg19[%mul3A_2, %dma_start3A_31] : memref<10240x32xf32, #tpu.memory_space<vmem_shared>> -> memref<640x32xf32, #tpu.memory_space<vmem_shared>>
    tpu.enqueue_dma source(%arg11 : memref<640x32xf32, #tpu.memory_space<vmem>>) target(%dma_start3A_32 : memref<640x32xf32, #tpu.memory_space<vmem_shared>>) target_semaphore(%arg17 : memref<!tpu.dma_semaphore, #tpu.memory_space<semaphore_mem>>)
    %dma_wait3A_33 = arith.constant 0 : i32
    %dma_wait3A_34 = arith.constant 0 : i32
    %dma_wait3A_35 = tpu.memref_slice %arg3[%add3A, %dma_wait3A_33, %dma_wait3A_34] : memref<32x125x80xi32, #tpu.memory_space<hbm>> -> memref<1x125x80xi32, #tpu.memory_space<hbm>>
    %dma_wait3A_36 = tpu.memref_squeeze %dma_wait3A_35 : memref<1x125x80xi32, #tpu.memory_space<hbm>> -> memref<125x80xi32, #tpu.memory_space<hbm>>
    %dma_wait3A_37 = arith.constant 0 : i32
    %dma_wait3A_38 = arith.constant 0 : i32
    %dma_wait3A_39 = tpu.memref_slice %arg3[%add3A, %dma_wait3A_37, %dma_wait3A_38] : memref<32x125x80xi32, #tpu.memory_space<hbm>> -> memref<1x125x80xi32, #tpu.memory_space<hbm>>
    %dma_wait3A_40 = tpu.memref_squeeze %dma_wait3A_39 : memref<1x125x80xi32, #tpu.memory_space<hbm>> -> memref<125x80xi32, #tpu.memory_space<hbm>>
    tpu.wait_dma2 semaphore(%arg14 : memref<!tpu.dma_semaphore, #tpu.memory_space<semaphore_mem>>) src(%dma_wait3A_40 : memref<125x80xi32, #tpu.memory_space<hbm>>) dst(%arg7 : memref<125x80xi32, #tpu.memory_space<vmem>>)
    %dma_wait3A_41 = arith.constant 0 : i32
    %dma_wait3A_42 = arith.constant 0 : i32
    %dma_wait3A_43 = tpu.memref_slice %arg4[%add3A, %dma_wait3A_41, %dma_wait3A_42] : memref<32x125x80xi32, #tpu.memory_space<hbm>> -> memref<1x125x80xi32, #tpu.memory_space<hbm>>
    %dma_wait3A_44 = tpu.memref_squeeze %dma_wait3A_43 : memref<1x125x80xi32, #tpu.memory_space<hbm>> -> memref<125x80xi32, #tpu.memory_space<hbm>>
    %dma_wait3A_45 = arith.constant 0 : i32
    %dma_wait3A_46 = arith.constant 0 : i32
    %dma_wait3A_47 = tpu.memref_slice %arg4[%add3A, %dma_wait3A_45, %dma_wait3A_46] : memref<32x125x80xi32, #tpu.memory_space<hbm>> -> memref<1x125x80xi32, #tpu.memory_space<hbm>>
    %dma_wait3A_48 = tpu.memref_squeeze %dma_wait3A_47 : memref<1x125x80xi32, #tpu.memory_space<hbm>> -> memref<125x80xi32, #tpu.memory_space<hbm>>
    tpu.wait_dma2 semaphore(%arg15 : memref<!tpu.dma_semaphore, #tpu.memory_space<semaphore_mem>>) src(%dma_wait3A_48 : memref<125x80xi32, #tpu.memory_space<hbm>>) dst(%arg8 : memref<125x80xi32, #tpu.memory_space<vmem>>)
    %dma_wait3A_49 = arith.constant 0 : i32
    %dma_wait3A_50 = tpu.memref_slice %arg18[%mul3A_2, %dma_wait3A_49] : memref<10240x32xf32, #tpu.memory_space<vmem_shared>> -> memref<640x32xf32, #tpu.memory_space<vmem_shared>>
    %dma_wait3A_51 = arith.constant 0 : i32
    %dma_wait3A_52 = tpu.memref_slice %arg18[%mul3A_2, %dma_wait3A_51] : memref<10240x32xf32, #tpu.memory_space<vmem_shared>> -> memref<640x32xf32, #tpu.memory_space<vmem_shared>>
    tpu.wait_dma2 semaphore(%arg16 : memref<!tpu.dma_semaphore, #tpu.memory_space<semaphore_mem>>) src(%arg10 : memref<640x32xf32, #tpu.memory_space<vmem>>) dst(%dma_wait3A_52 : memref<640x32xf32, #tpu.memory_space<vmem_shared>>)
    %dma_wait3A_53 = arith.constant 0 : i32
    %dma_wait3A_54 = tpu.memref_slice %arg19[%mul3A_2, %dma_wait3A_53] : memref<10240x32xf32, #tpu.memory_space<vmem_shared>> -> memref<640x32xf32, #tpu.memory_space<vmem_shared>>
    %dma_wait3A_55 = arith.constant 0 : i32
    %dma_wait3A_56 = tpu.memref_slice %arg19[%mul3A_2, %dma_wait3A_55] : memref<10240x32xf32, #tpu.memory_space<vmem_shared>> -> memref<640x32xf32, #tpu.memory_space<vmem_shared>>
    tpu.wait_dma2 semaphore(%arg17 : memref<!tpu.dma_semaphore, #tpu.memory_space<semaphore_mem>>) src(%arg11 : memref<640x32xf32, #tpu.memory_space<vmem>>) dst(%dma_wait3A_56 : memref<640x32xf32, #tpu.memory_space<vmem_shared>>)
    %barrier3A = arith.constant 0 : index
    tpu.barrier barrier_id(%barrier3A)
    %dma_start3A_57 = arith.constant 0 : i32
    %dma_start3A_58 = arith.constant 0 : i32
    %dma_start3A_59 = arith.constant 0 : i32
    %dma_start3A_60 = tpu.memref_slice %arg9[%dma_start3A_58, %dma_start3A_59] : memref<320x32xf32, #tpu.memory_space<vmem>> -> memref<80x32xf32, #tpu.memory_space<vmem>>
    %dma_start3A_61 = arith.constant 0 : i32
    %dma_start3A_62 = tpu.memref_slice %arg7[%dma_start3A_57, %dma_start3A_61] : memref<125x80xi32, #tpu.memory_space<vmem>> -> memref<1x80xi32, #tpu.memory_space<vmem>>
    %dma_start3A_63 = tpu.memref_squeeze %dma_start3A_62 : memref<1x80xi32, #tpu.memory_space<vmem>> -> memref<80xi32, #tpu.memory_space<vmem>>
    %dma_start3A_64 = arith.constant 0 : i32
    %dma_start3A_65 = arith.constant 0 : i32
    %dma_start3A_66 = tpu.memref_slice %arg18[%dma_start3A_64, %dma_start3A_65] : memref<10240x32xf32, #tpu.memory_space<vmem_shared>> -> memref<10240x32xf32, #tpu.memory_space<vmem_shared>>
    tpu.enqueue_indirect_dma source(%dma_start3A_66 : memref<10240x32xf32, #tpu.memory_space<vmem_shared>>) target(%dma_start3A_60 : memref<80x32xf32, #tpu.memory_space<vmem>>) offsets(%dma_start3A_63 : memref<80xi32, #tpu.memory_space<vmem>>) semaphore(%arg12 : memref<!tpu.dma_semaphore, #tpu.memory_space<semaphore_mem>>)
    %dma_start3A_67 = arith.constant 1 : i32
    %dma_start3A_68 = arith.constant 80 : i32
    %dma_start3A_69 = arith.constant 0 : i32
    %dma_start3A_70 = tpu.memref_slice %arg9[%dma_start3A_68, %dma_start3A_69] : memref<320x32xf32, #tpu.memory_space<vmem>> -> memref<80x32xf32, #tpu.memory_space<vmem>>
    %dma_start3A_71 = arith.constant 0 : i32
    %dma_start3A_72 = tpu.memref_slice %arg7[%dma_start3A_67, %dma_start3A_71] : memref<125x80xi32, #tpu.memory_space<vmem>> -> memref<1x80xi32, #tpu.memory_space<vmem>>
    %dma_start3A_73 = tpu.memref_squeeze %dma_start3A_72 : memref<1x80xi32, #tpu.memory_space<vmem>> -> memref<80xi32, #tpu.memory_space<vmem>>
    %dma_start3A_74 = arith.constant 0 : i32
    %dma_start3A_75 = arith.constant 0 : i32
    %dma_start3A_76 = tpu.memref_slice %arg18[%dma_start3A_74, %dma_start3A_75] : memref<10240x32xf32, #tpu.memory_space<vmem_shared>> -> memref<10240x32xf32, #tpu.memory_space<vmem_shared>>
    tpu.enqueue_indirect_dma source(%dma_start3A_76 : memref<10240x32xf32, #tpu.memory_space<vmem_shared>>) target(%dma_start3A_70 : memref<80x32xf32, #tpu.memory_space<vmem>>) offsets(%dma_start3A_73 : memref<80xi32, #tpu.memory_space<vmem>>) semaphore(%arg12 : memref<!tpu.dma_semaphore, #tpu.memory_space<semaphore_mem>>)
    %dma_start3A_77 = arith.constant 2 : i32
    %dma_start3A_78 = arith.constant 160 : i32
    %dma_start3A_79 = arith.constant 0 : i32
    %dma_start3A_80 = tpu.memref_slice %arg9[%dma_start3A_78, %dma_start3A_79] : memref<320x32xf32, #tpu.memory_space<vmem>> -> memref<80x32xf32, #tpu.memory_space<vmem>>
    %dma_start3A_81 = arith.constant 0 : i32
    %dma_start3A_82 = tpu.memref_slice %arg7[%dma_start3A_77, %dma_start3A_81] : memref<125x80xi32, #tpu.memory_space<vmem>> -> memref<1x80xi32, #tpu.memory_space<vmem>>
    %dma_start3A_83 = tpu.memref_squeeze %dma_start3A_82 : memref<1x80xi32, #tpu.memory_space<vmem>> -> memref<80xi32, #tpu.memory_space<vmem>>
    %dma_start3A_84 = arith.constant 0 : i32
    %dma_start3A_85 = arith.constant 0 : i32
    %dma_start3A_86 = tpu.memref_slice %arg18[%dma_start3A_84, %dma_start3A_85] : memref<10240x32xf32, #tpu.memory_space<vmem_shared>> -> memref<10240x32xf32, #tpu.memory_space<vmem_shared>>
    tpu.enqueue_indirect_dma source(%dma_start3A_86 : memref<10240x32xf32, #tpu.memory_space<vmem_shared>>) target(%dma_start3A_80 : memref<80x32xf32, #tpu.memory_space<vmem>>) offsets(%dma_start3A_83 : memref<80xi32, #tpu.memory_space<vmem>>) semaphore(%arg12 : memref<!tpu.dma_semaphore, #tpu.memory_space<semaphore_mem>>)
    %scan3A = arith.constant 0 : i32
    %scan3A_87 = arith.constant 0 : i32
    %scan3A_88 = arith.constant 125 : i32
    %scan3A_89 = arith.addi %scan3A_87, %scan3A_88 : i32
    %scan3A_90 = arith.constant 1 : i32
    scf.for %scan3A_133 = %scan3A_87 to %scan3A_89 step %scan3A_90  : i32 {
      %and3A = arith.constant 3 : i32
      %and3A_134 = arith.andi %scan3A_133, %and3A : i32
      %mul3A_135 = arith.constant 80 : i32
      %mul3A_136 = arith.muli %and3A_134, %mul3A_135 : i32
      %add3A_137 = arith.constant 3 : i32
      %add3A_138 = arith.addi %scan3A_133, %add3A_137 : i32
      %and3A_139 = arith.constant 3 : i32
      %and3A_140 = arith.andi %add3A_138, %and3A_139 : i32
      %mul3A_141 = arith.constant 80 : i32
      %mul3A_142 = arith.muli %and3A_140, %mul3A_141 : i32
      %dma_wait3A_143 = arith.constant 0 : i32
      %dma_wait3A_144 = tpu.memref_slice %arg9[%mul3A_136, %dma_wait3A_143] : memref<320x32xf32, #tpu.memory_space<vmem>> -> memref<80x32xf32, #tpu.memory_space<vmem>>
      %dma_wait3A_145 = arith.constant 0 : i32
      %dma_wait3A_146 = tpu.memref_slice %arg7[%scan3A_133, %dma_wait3A_145] : memref<125x80xi32, #tpu.memory_space<vmem>> -> memref<1x80xi32, #tpu.memory_space<vmem>>
      %dma_wait3A_147 = tpu.memref_squeeze %dma_wait3A_146 : memref<1x80xi32, #tpu.memory_space<vmem>> -> memref<80xi32, #tpu.memory_space<vmem>>
      %dma_wait3A_148 = arith.constant 0 : i32
      %dma_wait3A_149 = arith.constant 0 : i32
      %dma_wait3A_150 = tpu.memref_slice %arg18[%dma_wait3A_148, %dma_wait3A_149] : memref<10240x32xf32, #tpu.memory_space<vmem_shared>> -> memref<10240x32xf32, #tpu.memory_space<vmem_shared>>
      tpu.wait_indirect_dma semaphore(%arg12 : memref<!tpu.dma_semaphore, #tpu.memory_space<semaphore_mem>>) src(%dma_wait3A_150 : memref<10240x32xf32, #tpu.memory_space<vmem_shared>>) dst(%dma_wait3A_144 : memref<80x32xf32, #tpu.memory_space<vmem>>)
      %dma_start3A_151 = arith.constant 0 : i32
      %dma_start3A_152 = tpu.memref_slice %arg9[%mul3A_136, %dma_start3A_151] : memref<320x32xf32, #tpu.memory_space<vmem>> -> memref<80x32xf32, #tpu.memory_space<vmem>>
      %dma_start3A_153 = arith.constant 0 : i32
      %dma_start3A_154 = tpu.memref_slice %arg8[%scan3A_133, %dma_start3A_153] : memref<125x80xi32, #tpu.memory_space<vmem>> -> memref<1x80xi32, #tpu.memory_space<vmem>>
      %dma_start3A_155 = tpu.memref_squeeze %dma_start3A_154 : memref<1x80xi32, #tpu.memory_space<vmem>> -> memref<80xi32, #tpu.memory_space<vmem>>
      %dma_start3A_156 = arith.constant 0 : i32
      %dma_start3A_157 = arith.constant 0 : i32
      %dma_start3A_158 = tpu.memref_slice %arg19[%dma_start3A_156, %dma_start3A_157] : memref<10240x32xf32, #tpu.memory_space<vmem_shared>> -> memref<10240x32xf32, #tpu.memory_space<vmem_shared>>
      tpu.enqueue_indirect_dma source(%dma_start3A_152 : memref<80x32xf32, #tpu.memory_space<vmem>>) target(%dma_start3A_158 : memref<10240x32xf32, #tpu.memory_space<vmem_shared>>) offsets(%dma_start3A_155 : memref<80xi32, #tpu.memory_space<vmem>>) semaphore(%arg13 : memref<!tpu.dma_semaphore, #tpu.memory_space<semaphore_mem>>) {add = true}
      %add3A_159 = arith.constant 3 : i32
      %add3A_160 = arith.addi %scan3A_133, %add3A_159 : i32
      %lt3A = arith.constant 125 : i32
      %lt3A_161 = arith.cmpi slt, %add3A_160, %lt3A : i32
      %convert_element_type3A = arith.extui %lt3A_161 : i1 to i32
      %cond3A = arith.constant 0 : i32
      %cond3A_162 = arith.cmpi ne, %convert_element_type3A, %cond3A : i32
      scf.if %cond3A_162 {
        %ge3A = arith.constant 1 : i32
        %ge3A_163 = arith.cmpi sge, %scan3A_133, %ge3A : i32
        %convert_element_type3A_164 = arith.extui %ge3A_163 : i1 to i32
        %cond3A_165 = arith.constant 0 : i32
        %cond3A_166 = arith.cmpi ne, %convert_element_type3A_164, %cond3A_165 : i32
        scf.if %cond3A_166 {
          %sub3A = arith.constant 1 : i32
          %sub3A_177 = arith.subi %scan3A_133, %sub3A : i32
          %dma_wait3A_178 = arith.constant 0 : i32
          %dma_wait3A_179 = tpu.memref_slice %arg9[%mul3A_142, %dma_wait3A_178] : memref<320x32xf32, #tpu.memory_space<vmem>> -> memref<80x32xf32, #tpu.memory_space<vmem>>
          %dma_wait3A_180 = arith.constant 0 : i32
          %dma_wait3A_181 = tpu.memref_slice %arg8[%sub3A_177, %dma_wait3A_180] : memref<125x80xi32, #tpu.memory_space<vmem>> -> memref<1x80xi32, #tpu.memory_space<vmem>>
          %dma_wait3A_182 = tpu.memref_squeeze %dma_wait3A_181 : memref<1x80xi32, #tpu.memory_space<vmem>> -> memref<80xi32, #tpu.memory_space<vmem>>
          %dma_wait3A_183 = arith.constant 0 : i32
          %dma_wait3A_184 = arith.constant 0 : i32
          %dma_wait3A_185 = tpu.memref_slice %arg19[%dma_wait3A_183, %dma_wait3A_184] : memref<10240x32xf32, #tpu.memory_space<vmem_shared>> -> memref<10240x32xf32, #tpu.memory_space<vmem_shared>>
          tpu.wait_indirect_dma semaphore(%arg13 : memref<!tpu.dma_semaphore, #tpu.memory_space<semaphore_mem>>) src(%dma_wait3A_179 : memref<80x32xf32, #tpu.memory_space<vmem>>) dst(%dma_wait3A_185 : memref<10240x32xf32, #tpu.memory_space<vmem_shared>>)
        } else {
        }
        %add3A_167 = arith.constant 3 : i32
        %add3A_168 = arith.addi %scan3A_133, %add3A_167 : i32
        %dma_start3A_169 = arith.constant 0 : i32
        %dma_start3A_170 = tpu.memref_slice %arg9[%mul3A_142, %dma_start3A_169] : memref<320x32xf32, #tpu.memory_space<vmem>> -> memref<80x32xf32, #tpu.memory_space<vmem>>
        %dma_start3A_171 = arith.constant 0 : i32
        %dma_start3A_172 = tpu.memref_slice %arg7[%add3A_168, %dma_start3A_171] : memref<125x80xi32, #tpu.memory_space<vmem>> -> memref<1x80xi32, #tpu.memory_space<vmem>>
        %dma_start3A_173 = tpu.memref_squeeze %dma_start3A_172 : memref<1x80xi32, #tpu.memory_space<vmem>> -> memref<80xi32, #tpu.memory_space<vmem>>
        %dma_start3A_174 = arith.constant 0 : i32
        %dma_start3A_175 = arith.constant 0 : i32
        %dma_start3A_176 = tpu.memref_slice %arg18[%dma_start3A_174, %dma_start3A_175] : memref<10240x32xf32, #tpu.memory_space<vmem_shared>> -> memref<10240x32xf32, #tpu.memory_space<vmem_shared>>
        tpu.enqueue_indirect_dma source(%dma_start3A_176 : memref<10240x32xf32, #tpu.memory_space<vmem_shared>>) target(%dma_start3A_170 : memref<80x32xf32, #tpu.memory_space<vmem>>) offsets(%dma_start3A_173 : memref<80xi32, #tpu.memory_space<vmem>>) semaphore(%arg12 : memref<!tpu.dma_semaphore, #tpu.memory_space<semaphore_mem>>)
      } else {
      }
    }
    %scan3A_91 = arith.constant 125 : i32
    %dma_wait3A_92 = arith.constant 121 : i32
    %dma_wait3A_93 = arith.constant 0 : i32
    %dma_wait3A_94 = arith.constant 0 : i32
    %dma_wait3A_95 = tpu.memref_slice %arg9[%dma_wait3A_93, %dma_wait3A_94] : memref<320x32xf32, #tpu.memory_space<vmem>> -> memref<80x32xf32, #tpu.memory_space<vmem>>
    %dma_wait3A_96 = arith.constant 0 : i32
    %dma_wait3A_97 = tpu.memref_slice %arg8[%dma_wait3A_92, %dma_wait3A_96] : memref<125x80xi32, #tpu.memory_space<vmem>> -> memref<1x80xi32, #tpu.memory_space<vmem>>
    %dma_wait3A_98 = tpu.memref_squeeze %dma_wait3A_97 : memref<1x80xi32, #tpu.memory_space<vmem>> -> memref<80xi32, #tpu.memory_space<vmem>>
    %dma_wait3A_99 = arith.constant 0 : i32
    %dma_wait3A_100 = arith.constant 0 : i32
    %dma_wait3A_101 = tpu.memref_slice %arg19[%dma_wait3A_99, %dma_wait3A_100] : memref<10240x32xf32, #tpu.memory_space<vmem_shared>> -> memref<10240x32xf32, #tpu.memory_space<vmem_shared>>
    tpu.wait_indirect_dma semaphore(%arg13 : memref<!tpu.dma_semaphore, #tpu.memory_space<semaphore_mem>>) src(%dma_wait3A_95 : memref<80x32xf32, #tpu.memory_space<vmem>>) dst(%dma_wait3A_101 : memref<10240x32xf32, #tpu.memory_space<vmem_shared>>)
    %dma_wait3A_102 = arith.constant 122 : i32
    %dma_wait3A_103 = arith.constant 0 : i32
    %dma_wait3A_104 = arith.constant 0 : i32
    %dma_wait3A_105 = tpu.memref_slice %arg9[%dma_wait3A_103, %dma_wait3A_104] : memref<320x32xf32, #tpu.memory_space<vmem>> -> memref<80x32xf32, #tpu.memory_space<vmem>>
    %dma_wait3A_106 = arith.constant 0 : i32
    %dma_wait3A_107 = tpu.memref_slice %arg8[%dma_wait3A_102, %dma_wait3A_106] : memref<125x80xi32, #tpu.memory_space<vmem>> -> memref<1x80xi32, #tpu.memory_space<vmem>>
    %dma_wait3A_108 = tpu.memref_squeeze %dma_wait3A_107 : memref<1x80xi32, #tpu.memory_space<vmem>> -> memref<80xi32, #tpu.memory_space<vmem>>
    %dma_wait3A_109 = arith.constant 0 : i32
    %dma_wait3A_110 = arith.constant 0 : i32
    %dma_wait3A_111 = tpu.memref_slice %arg19[%dma_wait3A_109, %dma_wait3A_110] : memref<10240x32xf32, #tpu.memory_space<vmem_shared>> -> memref<10240x32xf32, #tpu.memory_space<vmem_shared>>
    tpu.wait_indirect_dma semaphore(%arg13 : memref<!tpu.dma_semaphore, #tpu.memory_space<semaphore_mem>>) src(%dma_wait3A_105 : memref<80x32xf32, #tpu.memory_space<vmem>>) dst(%dma_wait3A_111 : memref<10240x32xf32, #tpu.memory_space<vmem_shared>>)
    %dma_wait3A_112 = arith.constant 123 : i32
    %dma_wait3A_113 = arith.constant 0 : i32
    %dma_wait3A_114 = arith.constant 0 : i32
    %dma_wait3A_115 = tpu.memref_slice %arg9[%dma_wait3A_113, %dma_wait3A_114] : memref<320x32xf32, #tpu.memory_space<vmem>> -> memref<80x32xf32, #tpu.memory_space<vmem>>
    %dma_wait3A_116 = arith.constant 0 : i32
    %dma_wait3A_117 = tpu.memref_slice %arg8[%dma_wait3A_112, %dma_wait3A_116] : memref<125x80xi32, #tpu.memory_space<vmem>> -> memref<1x80xi32, #tpu.memory_space<vmem>>
    %dma_wait3A_118 = tpu.memref_squeeze %dma_wait3A_117 : memref<1x80xi32, #tpu.memory_space<vmem>> -> memref<80xi32, #tpu.memory_space<vmem>>
    %dma_wait3A_119 = arith.constant 0 : i32
    %dma_wait3A_120 = arith.constant 0 : i32
    %dma_wait3A_121 = tpu.memref_slice %arg19[%dma_wait3A_119, %dma_wait3A_120] : memref<10240x32xf32, #tpu.memory_space<vmem_shared>> -> memref<10240x32xf32, #tpu.memory_space<vmem_shared>>
    tpu.wait_indirect_dma semaphore(%arg13 : memref<!tpu.dma_semaphore, #tpu.memory_space<semaphore_mem>>) src(%dma_wait3A_115 : memref<80x32xf32, #tpu.memory_space<vmem>>) dst(%dma_wait3A_121 : memref<10240x32xf32, #tpu.memory_space<vmem_shared>>)
    %dma_wait3A_122 = arith.constant 124 : i32
    %dma_wait3A_123 = arith.constant 0 : i32
    %dma_wait3A_124 = arith.constant 0 : i32
    %dma_wait3A_125 = tpu.memref_slice %arg9[%dma_wait3A_123, %dma_wait3A_124] : memref<320x32xf32, #tpu.memory_space<vmem>> -> memref<80x32xf32, #tpu.memory_space<vmem>>
    %dma_wait3A_126 = arith.constant 0 : i32
    %dma_wait3A_127 = tpu.memref_slice %arg8[%dma_wait3A_122, %dma_wait3A_126] : memref<125x80xi32, #tpu.memory_space<vmem>> -> memref<1x80xi32, #tpu.memory_space<vmem>>
    %dma_wait3A_128 = tpu.memref_squeeze %dma_wait3A_127 : memref<1x80xi32, #tpu.memory_space<vmem>> -> memref<80xi32, #tpu.memory_space<vmem>>
    %dma_wait3A_129 = arith.constant 0 : i32
    %dma_wait3A_130 = arith.constant 0 : i32
    %dma_wait3A_131 = tpu.memref_slice %arg19[%dma_wait3A_129, %dma_wait3A_130] : memref<10240x32xf32, #tpu.memory_space<vmem_shared>> -> memref<10240x32xf32, #tpu.memory_space<vmem_shared>>
    tpu.wait_indirect_dma semaphore(%arg13 : memref<!tpu.dma_semaphore, #tpu.memory_space<semaphore_mem>>) src(%dma_wait3A_125 : memref<80x32xf32, #tpu.memory_space<vmem>>) dst(%dma_wait3A_131 : memref<10240x32xf32, #tpu.memory_space<vmem_shared>>)
    %barrier3A_132 = arith.constant 0 : index
    tpu.barrier barrier_id(%barrier3A_132)
    "tpu.region"() ({
      %run_scoped3A = tpu.sem_alloc : memref<!tpu.dma_semaphore, #tpu.memory_space<semaphore_mem>>
      %dma_start3A_133 = arith.constant 0 : i32
      %dma_start3A_134 = tpu.memref_slice %arg19[%mul3A_2, %dma_start3A_133] : memref<10240x32xf32, #tpu.memory_space<vmem_shared>> -> memref<640x32xf32, #tpu.memory_space<vmem_shared>>
      %dma_start3A_135 = arith.constant 0 : i32
      %dma_start3A_136 = tpu.memref_slice %arg19[%mul3A_2, %dma_start3A_135] : memref<10240x32xf32, #tpu.memory_space<vmem_shared>> -> memref<640x32xf32, #tpu.memory_space<vmem_shared>>
      tpu.enqueue_dma source(%dma_start3A_136 : memref<640x32xf32, #tpu.memory_space<vmem_shared>>) target(%arg10 : memref<640x32xf32, #tpu.memory_space<vmem>>) target_semaphore(%run_scoped3A : memref<!tpu.dma_semaphore, #tpu.memory_space<semaphore_mem>>)
      %dma_wait3A_137 = arith.constant 0 : i32
      %dma_wait3A_138 = tpu.memref_slice %arg19[%mul3A_2, %dma_wait3A_137] : memref<10240x32xf32, #tpu.memory_space<vmem_shared>> -> memref<640x32xf32, #tpu.memory_space<vmem_shared>>
      %dma_wait3A_139 = arith.constant 0 : i32
      %dma_wait3A_140 = tpu.memref_slice %arg19[%mul3A_2, %dma_wait3A_139] : memref<10240x32xf32, #tpu.memory_space<vmem_shared>> -> memref<640x32xf32, #tpu.memory_space<vmem_shared>>
      tpu.wait_dma2 semaphore(%run_scoped3A : memref<!tpu.dma_semaphore, #tpu.memory_space<semaphore_mem>>) src(%dma_wait3A_140 : memref<640x32xf32, #tpu.memory_space<vmem_shared>>) dst(%arg10 : memref<640x32xf32, #tpu.memory_space<vmem>>)
      tpu.yield
    }) : () -> ()
    "tpu.region"() ({
      %run_scoped3A = tpu.sem_alloc : memref<!tpu.dma_semaphore, #tpu.memory_space<semaphore_mem>>
      %dma_start3A_133 = arith.constant 0 : i32
      %dma_start3A_134 = tpu.memref_slice %arg6[%arg0, %mul3A_2, %dma_start3A_133] : memref<2x10240x32xf32, #tpu.memory_space<hbm>> -> memref<1x640x32xf32, #tpu.memory_space<hbm>>
      %dma_start3A_135 = tpu.memref_squeeze %dma_start3A_134 : memref<1x640x32xf32, #tpu.memory_space<hbm>> -> memref<640x32xf32, #tpu.memory_space<hbm>>
      %dma_start3A_136 = arith.constant 0 : i32
      %dma_start3A_137 = tpu.memref_slice %arg6[%arg0, %mul3A_2, %dma_start3A_136] : memref<2x10240x32xf32, #tpu.memory_space<hbm>> -> memref<1x640x32xf32, #tpu.memory_space<hbm>>
      %dma_start3A_138 = tpu.memref_squeeze %dma_start3A_137 : memref<1x640x32xf32, #tpu.memory_space<hbm>> -> memref<640x32xf32, #tpu.memory_space<hbm>>
      tpu.enqueue_dma source(%arg10 : memref<640x32xf32, #tpu.memory_space<vmem>>) target(%dma_start3A_138 : memref<640x32xf32, #tpu.memory_space<hbm>>) target_semaphore(%run_scoped3A : memref<!tpu.dma_semaphore, #tpu.memory_space<semaphore_mem>>)
      %dma_wait3A_139 = arith.constant 0 : i32
      %dma_wait3A_140 = tpu.memref_slice %arg6[%arg0, %mul3A_2, %dma_wait3A_139] : memref<2x10240x32xf32, #tpu.memory_space<hbm>> -> memref<1x640x32xf32, #tpu.memory_space<hbm>>
      %dma_wait3A_141 = tpu.memref_squeeze %dma_wait3A_140 : memref<1x640x32xf32, #tpu.memory_space<hbm>> -> memref<640x32xf32, #tpu.memory_space<hbm>>
      %dma_wait3A_142 = arith.constant 0 : i32
      %dma_wait3A_143 = tpu.memref_slice %arg6[%arg0, %mul3A_2, %dma_wait3A_142] : memref<2x10240x32xf32, #tpu.memory_space<hbm>> -> memref<1x640x32xf32, #tpu.memory_space<hbm>>
      %dma_wait3A_144 = tpu.memref_squeeze %dma_wait3A_143 : memref<1x640x32xf32, #tpu.memory_space<hbm>> -> memref<640x32xf32, #tpu.memory_space<hbm>>
      tpu.wait_dma2 semaphore(%run_scoped3A : memref<!tpu.dma_semaphore, #tpu.memory_space<semaphore_mem>>) src(%arg10 : memref<640x32xf32, #tpu.memory_space<vmem>>) dst(%dma_wait3A_144 : memref<640x32xf32, #tpu.memory_space<hbm>>)
      tpu.yield
    }) : () -> ()
    return
  }
}

module attributes {stable_mosaic.version = 14 : i64} {
  func.func @_tc1a_body(%arg0: i32, %arg1: memref<320x512xf32, #tpu.memory_space<vmem>>, %arg2: memref<512x128xf32, #tpu.memory_space<vmem>>, %arg3: memref<320x128xf32, #tpu.memory_space<vmem>>) attributes {dimension_semantics = [#tpu.dimension_semantics<arbitrary>], iteration_bounds = array<i64: 8>, scalar_prefetch = 0 : i64, scratch_operands = 0 : i64, tpu.core_type = #tpu.core_type<tc>, window_params = [{transform_indices = @transform_0, window_bounds = array<i64: 320, 512>}, {pipeline_mode = #tpu.pipeline_mode<synchronous>, transform_indices = @transform_1, window_bounds = array<i64: 512, 128>}, {transform_indices = @transform_2, window_bounds = array<i64: 320, 128>}]} {
    %get3A = arith.constant 0 : index
    %get3A_0 = arith.constant 0 : index
    %get3A_1 = vector.load %arg1[%get3A, %get3A_0] : memref<320x512xf32, #tpu.memory_space<vmem>>, vector<320x512xf32>
    %get3A_2 = arith.constant 0 : index
    %get3A_3 = arith.constant 0 : index
    %get3A_4 = vector.load %arg2[%get3A_2, %get3A_3] : memref<512x128xf32, #tpu.memory_space<vmem>>, vector<512x128xf32>
    %dot_general3A = arith.constant dense<0.000000e+00> : vector<320x128xf32>
    %dot_general3A_5 = tpu.matmul %get3A_1, %get3A_4, %dot_general3A {dimension_numbers = #tpu.dot_dimension_numbers<[1], [0], [0], [1], [0, 0, 1, 1], [], []>, transpose_lhs_hint = false} : vector<320x512xf32>, vector<512x128xf32>, vector<320x128xf32> -> vector<320x128xf32>
    %swap3A = arith.constant 0 : index
    %swap3A_6 = arith.constant 0 : index
    %swap3A_7 = vector.load %arg3[%swap3A, %swap3A_6] : memref<320x128xf32, #tpu.memory_space<vmem>>, vector<320x128xf32>
    tpu.vector_store %arg3[%swap3A, %swap3A_6], %dot_general3A_5 {strides = array<i32>} : memref<320x128xf32, #tpu.memory_space<vmem>>, vector<320x128xf32>,
    return
  }
  func.func @transform_0(%arg0: i32) -> (i32, i32) {
    %c0_i32 = arith.constant 0 : i32
    %c0_i32_0 = arith.constant 0 : i32
    return %arg0, %c0_i32 : i32, i32
  }
  func.func @transform_1(%arg0: i32) -> (i32, i32) {
    %c0_i32 = arith.constant 0 : i32
    %c0_i32_0 = arith.constant 0 : i32
    %c0_i32_1 = arith.constant 0 : i32
    return %c0_i32, %c0_i32_0 : i32, i32
  }
  func.func @transform_2(%arg0: i32) -> (i32, i32) {
    %c0_i32 = arith.constant 0 : i32
    %c0_i32_0 = arith.constant 0 : i32
    return %arg0, %c0_i32 : i32, i32
  }
}

module attributes {stable_mosaic.version = 14 : i64} {
  func.func @_tc1b_body(%arg0: i32, %arg1: memref<2x320x128xf32, #tpu.memory_space<vmem>>, %arg2: memref<320x128xf32, #tpu.memory_space<vmem>>, %arg3: memref<320x128xf32, #tpu.memory_space<vmem>>, %arg4: memref<320x128xf32, #tpu.memory_space<vmem>>) attributes {dimension_semantics = [#tpu.dimension_semantics<arbitrary>], iteration_bounds = array<i64: 8>, scalar_prefetch = 0 : i64, scratch_operands = 0 : i64, tpu.core_type = #tpu.core_type<tc>, window_params = [{transform_indices = @transform_0, window_bounds = array<i64: 2, 320, 128>}, {transform_indices = @transform_1, window_bounds = array<i64: 320, 128>}, {transform_indices = @transform_2, window_bounds = array<i64: 320, 128>}, {transform_indices = @transform_3, window_bounds = array<i64: 320, 128>}]} {
    %get3A = arith.constant 0 : index
    %get3A_0 = arith.constant 0 : index
    %get3A_1 = arith.constant 0 : index
    %get3A_2 = vector.load %arg1[%get3A, %get3A_0, %get3A_1] : memref<2x320x128xf32, #tpu.memory_space<vmem>>, vector<1x320x128xf32>
    %get3A_3 = vector.shape_cast %get3A_2 : vector<1x320x128xf32> to vector<320x128xf32>
    %get3A_4 = arith.constant 1 : index
    %get3A_5 = arith.constant 0 : index
    %get3A_6 = arith.constant 0 : index
    %get3A_7 = vector.load %arg1[%get3A_4, %get3A_5, %get3A_6] : memref<2x320x128xf32, #tpu.memory_space<vmem>>, vector<1x320x128xf32>
    %get3A_8 = vector.shape_cast %get3A_7 : vector<1x320x128xf32> to vector<320x128xf32>
    %add3A = arith.addf %get3A_3, %get3A_8 : vector<320x128xf32>
    %add3A_9 = arith.constant 1.000000e+00 : f32
    %add3A_10 = vector.broadcast %add3A_9 : f32 to vector<320x128xf32>
    %add3A_11 = arith.addf %add3A, %add3A_10 : vector<320x128xf32>
    %rsqrt3A = math.rsqrt %add3A_11 : vector<320x128xf32>
    %swap3A = arith.constant 0 : index
    %swap3A_12 = arith.constant 0 : index
    %swap3A_13 = vector.load %arg3[%swap3A, %swap3A_12] : memref<320x128xf32, #tpu.memory_space<vmem>>, vector<320x128xf32>
    tpu.vector_store %arg3[%swap3A, %swap3A_12], %rsqrt3A {strides = array<i32>} : memref<320x128xf32, #tpu.memory_space<vmem>>, vector<320x128xf32>,
    %get3A_14 = arith.constant 0 : index
    %get3A_15 = arith.constant 0 : index
    %get3A_16 = vector.load %arg2[%get3A_14, %get3A_15] : memref<320x128xf32, #tpu.memory_space<vmem>>, vector<320x128xf32>
    %mul3A = arith.mulf %get3A_16, %rsqrt3A : vector<320x128xf32>
    %swap3A_17 = arith.constant 0 : index
    %swap3A_18 = arith.constant 0 : index
    %swap3A_19 = vector.load %arg4[%swap3A_17, %swap3A_18] : memref<320x128xf32, #tpu.memory_space<vmem>>, vector<320x128xf32>
    tpu.vector_store %arg4[%swap3A_17, %swap3A_18], %mul3A {strides = array<i32>} : memref<320x128xf32, #tpu.memory_space<vmem>>, vector<320x128xf32>,
    return
  }
  func.func @transform_0(%arg0: i32) -> (i32, i32, i32) {
    %c0_i32 = arith.constant 0 : i32
    %c0_i32_0 = arith.constant 0 : i32
    %c0_i32_1 = arith.constant 0 : i32
    return %c0_i32, %arg0, %c0_i32_0 : i32, i32, i32
  }
  func.func @transform_1(%arg0: i32) -> (i32, i32) {
    %c0_i32 = arith.constant 0 : i32
    %c0_i32_0 = arith.constant 0 : i32
    return %arg0, %c0_i32 : i32, i32
  }
  func.func @transform_2(%arg0: i32) -> (i32, i32) {
    %c0_i32 = arith.constant 0 : i32
    %c0_i32_0 = arith.constant 0 : i32
    return %arg0, %c0_i32 : i32, i32
  }
  func.func @transform_3(%arg0: i32) -> (i32, i32) {
    %c0_i32 = arith.constant 0 : i32
    %c0_i32_0 = arith.constant 0 : i32
    return %arg0, %c0_i32 : i32, i32
  }
}

module attributes {stable_mosaic.version = 14 : i64} {
  func.func @_tc_mid_body(%arg0: i32, %arg1: memref<2x320x128xf32, #tpu.memory_space<vmem>>, %arg2: memref<320x128xf32, #tpu.memory_space<vmem>>, %arg3: memref<320x128xf32, #tpu.memory_space<vmem>>, %arg4: memref<1x128xf32, #tpu.memory_space<vmem>>, %arg5: memref<128x128xf32, #tpu.memory_space<vmem>>, %arg6: memref<320x128xf32, #tpu.memory_space<vmem>>) attributes {dimension_semantics = [#tpu.dimension_semantics<arbitrary>], iteration_bounds = array<i64: 8>, scalar_prefetch = 0 : i64, scratch_operands = 0 : i64, tpu.core_type = #tpu.core_type<tc>, window_params = [{transform_indices = @transform_0, window_bounds = array<i64: 2, 320, 128>}, {transform_indices = @transform_1, window_bounds = array<i64: 320, 128>}, {transform_indices = @transform_2, window_bounds = array<i64: 320, 128>}, {pipeline_mode = #tpu.pipeline_mode<synchronous>, transform_indices = @transform_3, window_bounds = array<i64: 1, 128>}, {pipeline_mode = #tpu.pipeline_mode<synchronous>, transform_indices = @transform_4, window_bounds = array<i64: 128, 128>}, {transform_indices = @transform_5, window_bounds = array<i64: 320, 128>}]} {
    %get3A = arith.constant 0 : index
    %get3A_0 = arith.constant 0 : index
    %get3A_1 = arith.constant 0 : index
    %get3A_2 = vector.load %arg1[%get3A, %get3A_0, %get3A_1] : memref<2x320x128xf32, #tpu.memory_space<vmem>>, vector<1x320x128xf32>
    %get3A_3 = vector.shape_cast %get3A_2 : vector<1x320x128xf32> to vector<320x128xf32>
    %get3A_4 = arith.constant 1 : index
    %get3A_5 = arith.constant 0 : index
    %get3A_6 = arith.constant 0 : index
    %get3A_7 = vector.load %arg1[%get3A_4, %get3A_5, %get3A_6] : memref<2x320x128xf32, #tpu.memory_space<vmem>>, vector<1x320x128xf32>
    %get3A_8 = vector.shape_cast %get3A_7 : vector<1x320x128xf32> to vector<320x128xf32>
    %add3A = arith.addf %get3A_3, %get3A_8 : vector<320x128xf32>
    %get3A_9 = arith.constant 0 : index
    %get3A_10 = arith.constant 0 : index
    %get3A_11 = vector.load %arg2[%get3A_9, %get3A_10] : memref<320x128xf32, #tpu.memory_space<vmem>>, vector<320x128xf32>
    %add3A_12 = arith.addf %add3A, %get3A_11 : vector<320x128xf32>
    %get3A_13 = arith.constant 0 : index
    %get3A_14 = arith.constant 0 : index
    %get3A_15 = vector.load %arg3[%get3A_13, %get3A_14] : memref<320x128xf32, #tpu.memory_space<vmem>>, vector<320x128xf32>
    %mul3A = arith.mulf %add3A_12, %get3A_15 : vector<320x128xf32>
    %get3A_16 = arith.constant 0 : index
    %get3A_17 = arith.constant 0 : index
    %get3A_18 = vector.load %arg4[%get3A_16, %get3A_17] : memref<1x128xf32, #tpu.memory_space<vmem>>, vector<1x128xf32>
    %add3A_19 = vector.broadcast %get3A_18 : vector<1x128xf32> to vector<320x128xf32>
    %add3A_20 = arith.addf %mul3A, %add3A_19 : vector<320x128xf32>
    %max3A = arith.constant 0.000000e+00 : f32
    %max3A_21 = vector.broadcast %max3A : f32 to vector<320x128xf32>
    %max3A_22 = arith.maximumf %add3A_20, %max3A_21 : vector<320x128xf32>
    %get3A_23 = arith.constant 0 : index
    %get3A_24 = arith.constant 0 : index
    %get3A_25 = vector.load %arg5[%get3A_23, %get3A_24] : memref<128x128xf32, #tpu.memory_space<vmem>>, vector<128x128xf32>
    %dot_general3A = arith.constant dense<0.000000e+00> : vector<320x128xf32>
    %dot_general3A_26 = tpu.matmul %max3A_22, %get3A_25, %dot_general3A {dimension_numbers = #tpu.dot_dimension_numbers<[1], [0], [0], [1], [0, 0, 1, 1], [], []>, transpose_lhs_hint = false} : vector<320x128xf32>, vector<128x128xf32>, vector<320x128xf32> -> vector<320x128xf32>
    %mul3A_27 = arith.mulf %dot_general3A_26, %get3A_15 : vector<320x128xf32>
    %swap3A = arith.constant 0 : index
    %swap3A_28 = arith.constant 0 : index
    %swap3A_29 = vector.load %arg6[%swap3A, %swap3A_28] : memref<320x128xf32, #tpu.memory_space<vmem>>, vector<320x128xf32>
    tpu.vector_store %arg6[%swap3A, %swap3A_28], %mul3A_27 {strides = array<i32>} : memref<320x128xf32, #tpu.memory_space<vmem>>, vector<320x128xf32>,
    return
  }
  func.func @transform_0(%arg0: i32) -> (i32, i32, i32) {
    %c0_i32 = arith.constant 0 : i32
    %c0_i32_0 = arith.constant 0 : i32
    %c0_i32_1 = arith.constant 0 : i32
    return %c0_i32, %arg0, %c0_i32_0 : i32, i32, i32
  }
  func.func @transform_1(%arg0: i32) -> (i32, i32) {
    %c0_i32 = arith.constant 0 : i32
    %c0_i32_0 = arith.constant 0 : i32
    return %arg0, %c0_i32 : i32, i32
  }
  func.func @transform_2(%arg0: i32) -> (i32, i32) {
    %c0_i32 = arith.constant 0 : i32
    %c0_i32_0 = arith.constant 0 : i32
    return %arg0, %c0_i32 : i32, i32
  }
  func.func @transform_3(%arg0: i32) -> (i32, i32) {
    %c0_i32 = arith.constant 0 : i32
    %c0_i32_0 = arith.constant 0 : i32
    %c0_i32_1 = arith.constant 0 : i32
    return %c0_i32, %c0_i32_0 : i32, i32
  }
  func.func @transform_4(%arg0: i32) -> (i32, i32) {
    %c0_i32 = arith.constant 0 : i32
    %c0_i32_0 = arith.constant 0 : i32
    %c0_i32_1 = arith.constant 0 : i32
    return %c0_i32, %c0_i32_0 : i32, i32
  }
  func.func @transform_5(%arg0: i32) -> (i32, i32) {
    %c0_i32 = arith.constant 0 : i32
    %c0_i32_0 = arith.constant 0 : i32
    return %arg0, %c0_i32 : i32, i32
  }
}

module attributes {stable_mosaic.version = 14 : i64} {
  func.func @_tc4_body(%arg0: i32, %arg1: memref<2x320x128xf32, #tpu.memory_space<vmem>>, %arg2: memref<320x128xf32, #tpu.memory_space<vmem>>, %arg3: memref<320x128xf32, #tpu.memory_space<vmem>>, %arg4: memref<1x128xf32, #tpu.memory_space<vmem>>, %arg5: memref<128x256xf32, #tpu.memory_space<vmem>>, %arg6: memref<1x256xf32, #tpu.memory_space<vmem>>, %arg7: memref<256x128xf32, #tpu.memory_space<vmem>>, %arg8: memref<1x128xf32, #tpu.memory_space<vmem>>, %arg9: memref<320x128xf32, #tpu.memory_space<vmem>>) attributes {dimension_semantics = [#tpu.dimension_semantics<arbitrary>], iteration_bounds = array<i64: 8>, scalar_prefetch = 0 : i64, scratch_operands = 0 : i64, tpu.core_type = #tpu.core_type<tc>, window_params = [{transform_indices = @transform_0, window_bounds = array<i64: 2, 320, 128>}, {transform_indices = @transform_1, window_bounds = array<i64: 320, 128>}, {transform_indices = @transform_2, window_bounds = array<i64: 320, 128>}, {pipeline_mode = #tpu.pipeline_mode<synchronous>, transform_indices = @transform_3, window_bounds = array<i64: 1, 128>}, {pipeline_mode = #tpu.pipeline_mode<synchronous>, transform_indices = @transform_4, window_bounds = array<i64: 128, 256>}, {pipeline_mode = #tpu.pipeline_mode<synchronous>, transform_indices = @transform_5, window_bounds = array<i64: 1, 256>}, {pipeline_mode = #tpu.pipeline_mode<synchronous>, transform_indices = @transform_6, window_bounds = array<i64: 256, 128>}, {pipeline_mode = #tpu.pipeline_mode<synchronous>, transform_indices = @transform_7, window_bounds = array<i64: 1, 128>}, {transform_indices = @transform_8, window_bounds = array<i64: 320, 128>}]} {
    %get3A = arith.constant 0 : index
    %get3A_0 = arith.constant 0 : index
    %get3A_1 = arith.constant 0 : index
    %get3A_2 = vector.load %arg1[%get3A, %get3A_0, %get3A_1] : memref<2x320x128xf32, #tpu.memory_space<vmem>>, vector<1x320x128xf32>
    %get3A_3 = vector.shape_cast %get3A_2 : vector<1x320x128xf32> to vector<320x128xf32>
    %get3A_4 = arith.constant 1 : index
    %get3A_5 = arith.constant 0 : index
    %get3A_6 = arith.constant 0 : index
    %get3A_7 = vector.load %arg1[%get3A_4, %get3A_5, %get3A_6] : memref<2x320x128xf32, #tpu.memory_space<vmem>>, vector<1x320x128xf32>
    %get3A_8 = vector.shape_cast %get3A_7 : vector<1x320x128xf32> to vector<320x128xf32>
    %add3A = arith.addf %get3A_3, %get3A_8 : vector<320x128xf32>
    %get3A_9 = arith.constant 0 : index
    %get3A_10 = arith.constant 0 : index
    %get3A_11 = vector.load %arg2[%get3A_9, %get3A_10] : memref<320x128xf32, #tpu.memory_space<vmem>>, vector<320x128xf32>
    %add3A_12 = arith.addf %add3A, %get3A_11 : vector<320x128xf32>
    %get3A_13 = arith.constant 0 : index
    %get3A_14 = arith.constant 0 : index
    %get3A_15 = vector.load %arg3[%get3A_13, %get3A_14] : memref<320x128xf32, #tpu.memory_space<vmem>>, vector<320x128xf32>
    %mul3A = arith.mulf %add3A_12, %get3A_15 : vector<320x128xf32>
    %get3A_16 = arith.constant 0 : index
    %get3A_17 = arith.constant 0 : index
    %get3A_18 = vector.load %arg4[%get3A_16, %get3A_17] : memref<1x128xf32, #tpu.memory_space<vmem>>, vector<1x128xf32>
    %add3A_19 = vector.broadcast %get3A_18 : vector<1x128xf32> to vector<320x128xf32>
    %add3A_20 = arith.addf %mul3A, %add3A_19 : vector<320x128xf32>
    %max3A = arith.constant 0.000000e+00 : f32
    %max3A_21 = vector.broadcast %max3A : f32 to vector<320x128xf32>
    %max3A_22 = arith.maximumf %add3A_20, %max3A_21 : vector<320x128xf32>
    %get3A_23 = arith.constant 0 : index
    %get3A_24 = arith.constant 0 : index
    %get3A_25 = vector.load %arg5[%get3A_23, %get3A_24] : memref<128x256xf32, #tpu.memory_space<vmem>>, vector<128x256xf32>
    %dot_general3A = arith.constant dense<0.000000e+00> : vector<320x256xf32>
    %dot_general3A_26 = tpu.matmul %max3A_22, %get3A_25, %dot_general3A {dimension_numbers = #tpu.dot_dimension_numbers<[1], [0], [0], [1], [0, 0, 1, 1], [], []>, transpose_lhs_hint = false} : vector<320x128xf32>, vector<128x256xf32>, vector<320x256xf32> -> vector<320x256xf32>
    %get3A_27 = arith.constant 0 : index
    %get3A_28 = arith.constant 0 : index
    %get3A_29 = vector.load %arg6[%get3A_27, %get3A_28] : memref<1x256xf32, #tpu.memory_space<vmem>>, vector<1x256xf32>
    %add3A_30 = vector.broadcast %get3A_29 : vector<1x256xf32> to vector<320x256xf32>
    %add3A_31 = arith.addf %dot_general3A_26, %add3A_30 : vector<320x256xf32>
    %max3A_32 = arith.constant 0.000000e+00 : f32
    %max3A_33 = vector.broadcast %max3A_32 : f32 to vector<320x256xf32>
    %max3A_34 = arith.maximumf %add3A_31, %max3A_33 : vector<320x256xf32>
    %get3A_35 = arith.constant 0 : index
    %get3A_36 = arith.constant 0 : index
    %get3A_37 = vector.load %arg7[%get3A_35, %get3A_36] : memref<256x128xf32, #tpu.memory_space<vmem>>, vector<256x128xf32>
    %dot_general3A_38 = arith.constant dense<0.000000e+00> : vector<320x128xf32>
    %dot_general3A_39 = tpu.matmul %max3A_34, %get3A_37, %dot_general3A_38 {dimension_numbers = #tpu.dot_dimension_numbers<[1], [0], [0], [1], [0, 0, 1, 1], [], []>, transpose_lhs_hint = false} : vector<320x256xf32>, vector<256x128xf32>, vector<320x128xf32> -> vector<320x128xf32>
    %get3A_40 = arith.constant 0 : index
    %get3A_41 = arith.constant 0 : index
    %get3A_42 = vector.load %arg8[%get3A_40, %get3A_41] : memref<1x128xf32, #tpu.memory_space<vmem>>, vector<1x128xf32>
    %add3A_43 = vector.broadcast %get3A_42 : vector<1x128xf32> to vector<320x128xf32>
    %add3A_44 = arith.addf %dot_general3A_39, %add3A_43 : vector<320x128xf32>
    %max3A_45 = arith.constant 0.000000e+00 : f32
    %max3A_46 = vector.broadcast %max3A_45 : f32 to vector<320x128xf32>
    %max3A_47 = arith.maximumf %add3A_44, %max3A_46 : vector<320x128xf32>
    %swap3A = arith.constant 0 : index
    %swap3A_48 = arith.constant 0 : index
    %swap3A_49 = vector.load %arg9[%swap3A, %swap3A_48] : memref<320x128xf32, #tpu.memory_space<vmem>>, vector<320x128xf32>
    tpu.vector_store %arg9[%swap3A, %swap3A_48], %max3A_47 {strides = array<i32>} : memref<320x128xf32, #tpu.memory_space<vmem>>, vector<320x128xf32>,
    return
  }
  func.func @transform_0(%arg0: i32) -> (i32, i32, i32) {
    %c0_i32 = arith.constant 0 : i32
    %c0_i32_0 = arith.constant 0 : i32
    %c0_i32_1 = arith.constant 0 : i32
    return %c0_i32, %arg0, %c0_i32_0 : i32, i32, i32
  }
  func.func @transform_1(%arg0: i32) -> (i32, i32) {
    %c0_i32 = arith.constant 0 : i32
    %c0_i32_0 = arith.constant 0 : i32
    return %arg0, %c0_i32 : i32, i32
  }
  func.func @transform_2(%arg0: i32) -> (i32, i32) {
    %c0_i32 = arith.constant 0 : i32
    %c0_i32_0 = arith.constant 0 : i32
    return %arg0, %c0_i32 : i32, i32
  }
  func.func @transform_3(%arg0: i32) -> (i32, i32) {
    %c0_i32 = arith.constant 0 : i32
    %c0_i32_0 = arith.constant 0 : i32
    %c0_i32_1 = arith.constant 0 : i32
    return %c0_i32, %c0_i32_0 : i32, i32
  }
  func.func @transform_4(%arg0: i32) -> (i32, i32) {
    %c0_i32 = arith.constant 0 : i32
    %c0_i32_0 = arith.constant 0 : i32
    %c0_i32_1 = arith.constant 0 : i32
    return %c0_i32, %c0_i32_0 : i32, i32
  }
  func.func @transform_5(%arg0: i32) -> (i32, i32) {
    %c0_i32 = arith.constant 0 : i32
    %c0_i32_0 = arith.constant 0 : i32
    %c0_i32_1 = arith.constant 0 : i32
    return %c0_i32, %c0_i32_0 : i32, i32
  }
  func.func @transform_6(%arg0: i32) -> (i32, i32) {
    %c0_i32 = arith.constant 0 : i32
    %c0_i32_0 = arith.constant 0 : i32
    %c0_i32_1 = arith.constant 0 : i32
    return %c0_i32, %c0_i32_0 : i32, i32
  }
  func.func @transform_7(%arg0: i32) -> (i32, i32) {
    %c0_i32 = arith.constant 0 : i32
    %c0_i32_0 = arith.constant 0 : i32
    %c0_i32_1 = arith.constant 0 : i32
    return %c0_i32, %c0_i32_0 : i32, i32
  }
  func.func @transform_8(%arg0: i32) -> (i32, i32) {
    %c0_i32 = arith.constant 0 : i32
    %c0_i32_0 = arith.constant 0 : i32
    return %arg0, %c0_i32 : i32, i32
  }
}

</mosaic_0001>

<sc_bundles>
// kernel: kernel.11.cloned.1.call-start
scs
__scs_entry_jumppad:
0x0: {  	(pc) =	sbr.rel $0x88, $3  }
0x1: {  	(tag) =	ssettag $0x0;
	lr =	simm.s32 $0x1  }
0x2: {  	[smem:$0x3F95] =	sst lr;
	_ =	strace $0xD0000000  }
0x3: {  	_ = 	snop  }
0x4: {  	_ = 	snop  }
0x5: {  	_ = 	snop  }
0x6: {  	_ = 	snop  }
0x7: {  	_ = 	snop  }
__scs_overlays_trampoline_lowered:
0x8: {  	[smem:$0x3FA4] =	sst s0  }
0x9: {  	[smem:$0x3FA5] =	sst s1  }
0xa: {  	[smem:$0x3FA6] =	sst s2  }
0xb: {  	[smem:$0x3FA7] =	sst s3  }
0xc: {  	[smem:$0x3FA8] =	sst s4  }
0xd: {  	[smem:$0x3FA9] =	sst s5  }
0xe: {  	[smem:$0x3FAA] =	sst s6  }
0xf: {  	[smem:$0x3FAB] =	sst s7  }
0x10: {  	[smem:$0x3FAC] =	sst s8  }
0x11: {  	[smem:$0x3FAD] =	sst s9;
	s0 =	simm.s32 @!p0 $0x0  }
0x12: {  	s1 =	sld [smem:$0x3F93];
	s0 =	simm.s32 @p0 $0x1  }
0x13: {  	[smem:$0x3FAE] =	sst s0;
	s0 =	simm.s32 @!p1 $0x0  }
0x14: {  	s2 =	sld [smem:$0x3F92];
	s0 =	simm.s32 @p1 $0x1  }
0x15: {  	[smem:$0x3FAF] =	sst s0;
	s0 =	simm.s32 @!p2 $0x0  }
0x16: {  	s3 =	sld [smem:$0x3FDB];
	s0 =	simm.s32 @p2 $0x1  }
0x17: {  	s4 =	simm.s32 $0x1BF5;
	[smem:$0x3FB1] =	sst s0  }
0x18: {  	s0 =	sld [smem:$0x3F94];
	_ =	swait.ge [sflag:s4], $0x0  }
0x19: {  	s7 =	sld [smem:$0x3F95]  }
0x1a: {  	s8 =	sadd.s32 $0xFFFFE003, lr  }
0x1b: {  	s9 =	sadd.s32 $0xFFFFFEF7, lr;
	s5 =	simm.s32 $0xFFFFFFFF;
	p2 =	slt.u32 s8, $0xFFFFF086  }
0x1c: {  	p1 =	slt.u32 s9, $0xF7A;
	s5 =	simm.s32 @!p2 $0x0  }
0x1d: {  	s5 =	simm.s32 @p1 $0x1;
	p0 =	seq.s32 s7, s2  }
0x1e: {  	s7 =	smul.u32 @!p0 $0xF7A, s2;
	p2 =	seq.s32 @!p0 s5, $0x0  }
0x1f: {  	s9 =	smul.u32 $0xF7A, s1;
	s8 =	simm.s32 @!p0 $0x1BF5;
	p2 =	por !p2, p0  }
0x20: {  	[sflag:s8] =	ssyncset.s32 @!p0 $0xFFFFF086;
	s6 =	sadd.s32 @!p0 s3, s7;
	s7 =	simm.s32 @!p0 $0x108  }
0x21: {  	s3 =	sadd.s32 s3, s9;
	s6 =	sadd.s32 @!p0 $0x88, s6;
	s7 =	simm.s32 @p2 $0x1082  }
0x22: {  	[simem:s7], [sflag:s8] =	dma.local @!p0 [hbm:s6], $0xF7A  }
0x23: {  	s9 =	sor.u32 $0xD0000000, s2;
	s6 =	simm.s32 $0x108;
	_ =	swait.ge @!p0 [sflag:s8], $0x0  }
0x24: {  	s3 =	sadd.s32 $0x88, s3;
	s6 =	simm.s32 @!p1 $0x1082;
	[sflag:s4] =	ssyncset.s32 $0xFFFFF086  }
0x25: {  	[simem:s6], [sflag:s4] =	dma.local [hbm:s3], $0xF7A  }
0x26: {  	[smem:$0x3F95] =	sst s1;
	(tag) =	ssettag s2;
	_ =	strace s9  }
0x27: {  	s1 =	sld [smem:$0x3FA5]  }
0x28: {  	s2 =	sld [smem:$0x3FA6]  }
0x29: {  	s4 =	sld [smem:$0x3FA8]  }
0x2a: {  	p0 =	seq.s32 s5, $0x0;
	s5 =	sld [smem:$0x3FA9]  }
0x2b: {  	s6 =	sld [smem:$0x3FAA]  }
0x2c: {  	s7 =	sld [smem:$0x3FAB]  }
0x2d: {  	s3 =	simm.s32 $0x108;
	s8 =	sld [smem:$0x3FAC]  }
0x2e: {  	s3 =	simm.s32 @!p0 $0x1082;
	s9 =	sld [smem:$0x3FAD]  }
0x2f: {  	lr =	sadd.s32 s0, s3;
	s0 =	sld [smem:$0x3FA4]  }
0x30: {  	s3 =	sld [smem:$0x3FA7]  }
0x31: {  	[smem:$0x3FB0] =	sst s10  }
0x32: {  	s10 =	sld [smem:$0x3FAE];
	_ =	sdelay $0x3  }
0x33: {  	p0 =	seq.s32 s10, $0x1;
	s10 =	sld [smem:$0x3FB0];
	_ =	sdelay $0x3  }
0x34: {  	[smem:$0x3FB0] =	sst s10  }
0x35: {  	s10 =	sld [smem:$0x3FAF];
	_ =	sdelay $0x3  }
0x36: {  	p1 =	seq.s32 s10, $0x1;
	s10 =	sld [smem:$0x3FB0];
	_ =	sdelay $0x3  }
0x37: {  	[smem:$0x3FB0] =	sst s10  }
0x38: {  	s10 =	sld [smem:$0x3FB1]  }
0x39: {  	_ = 	snop;
	(pc) =	sbr.ind lr, $3  }
0x3a: {  	_ = 	snop  }
0x3b: {  	_ = 	snop  }
0x3c: {  	p2 =	seq.s32 s10, $0x1;
	s10 =	sld [smem:$0x3FB0]  }
0x3d: {  	_ =	shalt  }
0x3e: {  	_ =	shalt  }
0x3f: {  	_ =	shalt  }
0x40: {  	_ =	shalt  }
0x41: {  	_ =	shalt  }
0x42: {  	_ =	shalt  }
0x43: {  	_ =	shalt  }
0x44: {  	_ =	shalt  }
0x45: {  	_ =	shalt  }
0x46: {  	_ =	shalt  }
0x47: {  	_ =	shalt  }
0x48: {  	_ =	shalt  }
0x49: {  	_ =	shalt  }
0x4a: {  	_ =	shalt  }
0x4b: {  	_ =	shalt  }
0x4c: {  	_ =	shalt  }
0x4d: {  	_ =	shalt  }
0x4e: {  	_ =	shalt  }
0x4f: {  	_ =	shalt  }
0x50: {  	_ =	shalt  }
0x51: {  	_ =	shalt  }
0x52: {  	_ =	shalt  }
0x53: {  	_ =	shalt  }
0x54: {  	_ =	shalt  }
0x55: {  	_ =	shalt  }
0x56: {  	_ =	shalt  }
0x57: {  	_ =	shalt  }
0x58: {  	_ =	shalt  }
0x59: {  	_ =	shalt  }
0x5a: {  	_ =	shalt  }
0x5b: {  	_ =	shalt  }
0x5c: {  	_ =	shalt  }
0x5d: {  	_ =	shalt  }
0x5e: {  	_ =	shalt  }
0x5f: {  	_ =	shalt  }
0x60: {  	_ =	shalt  }
0x61: {  	_ =	shalt  }
0x62: {  	_ =	shalt  }
0x63: {  	_ =	shalt  }
0x64: {  	_ =	shalt  }
0x65: {  	_ =	shalt  }
0x66: {  	_ =	shalt  }
0x67: {  	_ =	shalt  }
0x68: {  	_ =	shalt  }
0x69: {  	_ =	shalt  }
0x6a: {  	_ =	shalt  }
0x6b: {  	_ =	shalt  }
0x6c: {  	_ =	shalt  }
0x6d: {  	_ =	shalt  }
0x6e: {  	_ =	shalt  }
0x6f: {  	_ =	shalt  }
0x70: {  	_ =	shalt  }
0x71: {  	_ =	shalt  }
0x72: {  	_ =	shalt  }
0x73: {  	_ =	shalt  }
0x74: {  	_ =	shalt  }
0x75: {  	_ =	shalt  }
0x76: {  	_ =	shalt  }
0x77: {  	_ =	shalt  }
0x78: {  	_ =	shalt  }
0x79: {  	_ =	shalt  }
0x7a: {  	_ =	shalt  }
0x7b: {  	_ =	shalt  }
0x7c: {  	_ =	shalt  }
0x7d: {  	_ =	shalt  }
0x7e: {  	_ =	shalt  }
0x7f: {  	_ =	shalt  }
0x80: {  	_ =	shalt  }
0x81: {  	_ =	shalt  }
0x82: {  	_ =	shalt  }
0x83: {  	_ =	shalt  }
0x84: {  	_ =	shalt  }
0x85: {  	_ =	shalt  }
0x86: {  	_ =	shalt  }
0x87: {  	_ =	shalt  }
.Lfunc_end0:
.L_simem_size_0:
called_computation_lowered:
.L_overlay_start_0:
0x88: {  	s2 =	sld [smem:$0x3FD9]  }
0x89: {  	s3 =	sld [smem:$0x3FFE];
	_ =	sdelay $0x1  }
0x8a: {  	s1 =	srdreg.scid  }
0x8b: {  	s0 =	sand.u32 $0x1, s1  }
0x8c: {  	s17 =	sshll.u32 s0, $0xA;
	s2 =	sadd.s32 s3, s2  }
0x8d: {  	s2 =	sadd.s32 s2, s17  }
0x8e: {  	[smem:$0x3FBC] =	sst s2  }
0x8f: {  	_ = 	snop  }
0x90: {  	s2 =	sld [smem:$0x3FD0];
	(tm) =	ssettm $0x1  }
0x91: {  	s18 =	sld [smem:$0x3FFB];
	_ =	sdelay $0x3  }
0x92: {  	_ =	strace s18  }
0x93: {  	s3 =	sld [smem:$0x3FFC];
	_ =	sdelay $0x3  }
0x94: {  	_ =	strace s3  }
0x95: {  	s3 =	sld [smem:$0x3FFD];
	_ =	sdelay $0x3  }
0x96: {  	_ =	strace s3  }
0x97: {  	_ =	strace $0x8FFFFFFF  }
0x98: {  	s19 =	sld [smem:$0x3FDB];
	_ =	sdelay $0x1  }
0x99: {  	s4 =	simm.s32 $_scs_section_size  }
0x9a: {  	s5 =	simm.s32 $_size__tile_overlayer_lowered;
	s6 =	simm.s32 $_tile_overlayer_lowered  }
0x9b: {  	s22 =	simm.s32 $0x1BFF;
	s21 =	sshll.u32 s6, $0x1;
	s3 =	sadd.s32 s4, s19  }
0x9c: {  	s7 =	simm.s32 $0x0;
	s20 =	sshll.u32 s5, $0x1;
	s5 =	sadd.s32 s21, s3  }
0x9d: {  	[timem:s7], [sflag:s22] =	dma.local [hbm:s5], s20  }
0x9e: {  	_ =	swait.ge [sflag:s22], s20  }
0x9f: {  	s4 =	ssub.s32 $0x0, s20;
	[sflag:s22] =	ssyncset.done $0x0  }
0xa0: {  	[sflag:s22] =	ssyncadd.s32 s4;
	_ =	sdelay $0x1  }
0xa1: {  	s23 =	simm.s32 $0x1B8B  }
0xa2: {  	_ =	swait.ge [sflag:s23], $0x1  }
0xa3: {  	[sflag:s23] =	ssyncset.done $0x0  }
0xa4: {  	s25 =	simm.s32 $0x1B8E;
	s24 =	sld [smem:$0x3FFE];
	[sflag:s23] =	ssyncadd.s32 $0xFFFFFFFF  }
0xa5: {  	s26 =	simm.s32 $execute0_lowered;
	[smem:$0x3FD2] =	sst s25  }
0xa6: {  	s5 =	sshll.u32 s26, $0x1;
	_ =	strace $0x80000046;
	[dreg:$0x1] =	wrdreg $0xFFFFFFFF  }
0xa7: {  	s28 =	simm.s32 $_size_execute0_lowered;
	s3 =	sadd.s32 s3, s5;
	[dreg:$0x0] =	wrdreg $0x0  }
0xa8: {  	s5 =	sshll.u32 s28, $0x1;
	[dreg:$0x2] =	wrdreg s3  }
0xa9: {  	[dreg:$0x3] =	wrdreg s5  }
0xaa: {  	[dreg:$0x4] =	wrdreg $0xC0  }
0xab: {  	_ =	task [dreg:s7], $0x5FFFF  }
0xac: {  	[dreg:$0x1] =	wrdreg $0xFFFFFFFF  }
0xad: {  	[dreg:$0x0] =	wrdreg $0x60  }
0xae: {  	[dreg:$0x2] =	wrdreg s2  }
0xaf: {  	[dreg:$0x3] =	wrdreg s24  }
0xb0: {  	[dreg:$0x4] =	wrdreg $0x81100  }
0xb1: {  	[dreg:$0x5] =	wrdreg $0x9  }
0xb2: {  	_ =	task.clear_ibuf [dreg:s7], $0x6FFFF;
	_ =	strace $0x90000046  }
0xb3: {  	s29 =	simm.s32 $0x9;
	_ =	strace $0x80000048  }
0xb4: {  	_ =	swait.ge [sflag:s29], $0x1  }
0xb5: {  	[sflag:s29] =	ssyncadd.s32 $0xFFFFFFFF  }
0xb6: {  	_ =	strace $0x90000048  }
0xb7: {  	_ =	sfence  }
0xb8: {  	s30 =	sld [smem:$0x0];
	_ =	sdelay $0x2  }
0xb9: {  	s31 =	sshll.u32 s1, $0xD;
	s1 =	sshrl.u32 s1, $0x2  }
0xba: {  	s3 =	sand.u32 $0x4000, s31;
	s1 =	sadd.s32 s1, s30  }
0xbb: {  	s0 =	sor.u32 s3, s0;
	s1 =	sshll.u32 s1, $0x11  }
0xbc: {  	s0 =	sor.u32 s1, s0  }
0xbd: {  	s0 =	sadd.s32 $0x8F2B, s0  }
0xbe: {  	[sflag:s0] =	ssyncadd.remote.s32 $0x1  }
0xbf: {  	_ =	sfence.sel $0xFFFF  }
0xc0: {  	[dreg:$0x0] =	wrdreg $0xFFFFFFFF;
	(pc) =	sbr.abs _section_cstart, $3  }
0xc1: {  	[dreg:$0x1] =	wrdreg $0xFFFFFFFF  }
0xc2: {  	_ =	task.clear_ibuf [dreg:s7], $0x2FFFF;
	_ =	strace $0x9FFFFFFF  }
0xc3: {  	(tm) =	ssettm $0x7FFFFFFF  }
tec
execute0_lowered:
.L_overlay_start_1:
0x0: {  	(tag) =	ssettag $0x1  }
0x1: {  	s6 =	rddreg [dreg:$0x0]  }
0x2: {  	s7 =	rddreg [dreg:$0x1]  }
0x3: {  	s2 =	rddreg [dreg:$0x2]  }
0x4: {  	s0 =	rddreg [dreg:$0x3]  }
0x5: {  	s4 =	srdreg.scid;
	s1 =	stileid.u32  }
0x6: {  	s3 =	simm.s32 $0x0;
	s13 =	simm.s32 $0x1;
	s14 =	simm.s32 $0x2  }
0x7: {  	s15 =	simm.s32 $0x50;
	s16 =	simm.s32 $0x4;
	s17 =	simm.s32 $0x5  }
0x8: {  	s18 =	simm.s32 $0x0;
	s5 =	sand.u32 $0x1, s4;
	s8 =	smul.u32 $0x5000, s1  }
0x9: {  	[smem:$0x7FF] =	sst s3;
	s10 =	sshll.u32 s1, $0x1;
	s4 =	sadd.s32 $0x4200, s7  }
0xa: {  	s9 =	smul.u32 $0x50000, s5;
	s10 =	sor.u32 s5, s10;
	s11 =	ssub.s32 $0x2, s5  }
0xb: {  	_ =	strace $0x80000047;
	s10 =	smul.u32 $0x4E2, s10;
	s12 =	sshrl.u32 s11, $0x1  }
0xc: {  	s5 =	sadd.s32 $0x4400, s7;
	s9 =	sadd.s32 s8, s9;
	s11 =	ssub.s32 s11, s12  }
0xd: {  	s12 =	simm.s32 $0x3;
	s9 =	sshrl.u32 s9, $0x3;
	s6 =	sadd.s32 s6, s10  }
0xe: {  	s10 =	simm.s32 $0x2710;
	s9 =	sadd.s32 s9, s7;
	s7 =	sadd.s32 s8, s2  }
0xf: {  	s8 =	sadd.s32 $0x4E00, s9;
	s9 =	smax.u32 s11, $0x1;
	s11 =	simm.s32 $0x3110  }
.LBB2_1:
0x10: {  	[tilespmem:s3], [sflag:$0x1] =	stream.linear.gather [hbm4b:s6+s3], $0x2710, $0x38;
	[tilespmem:$0xD110] =	vst v63  }
0x11: {  	_ = 	snop  }
0x12: {  	[tilespmem:s10], [sflag:$0x2] =	stream.linear.gather [hbm4b:s4+s3], $0xA00, $0x38;
	[tilespmem:$0xD110] =	vst v63  }
0x13: {  	_ = 	snop  }
0x14: {  	[tilespmem:s11], [sflag:$0x3] =	stream.linear.gather [hbm4b:s5+s3], $0x5000, $0x38;
	[tilespmem:$0xD110] =	vst v63  }
0x15: {  	_ =	swait.ge [sflag:s12], $0x5000  }
0x16: {  	[sflag:s12] =	ssyncset.done $0x0  }
0x17: {  	[sflag:s12] =	ssyncadd.s32 $0xFFFFB000  }
0x18: {  	[spmem:s7] =	stream.linear.scatter [tilespmem:s11], [sflag:$0x3], $0x5000, $0x38;
	[tilespmem:$0xD110] =	vst v63  }
0x19: {  	_ =	swait.ge [sflag:s13], $0x2710  }
0x1a: {  	[sflag:s13] =	ssyncset.done $0x0  }
0x1b: {  	[sflag:s13] =	ssyncadd.s32 $0xFFFFD8F0  }
0x1c: {  	_ =	swait.ge [sflag:s14], $0xA00  }
0x1d: {  	[sflag:s14] =	ssyncset.done $0x0  }
0x1e: {  	[sflag:s14] =	ssyncadd.s32 $0xFFFFF600  }
0x1f: {  	_ =	swait.ge [sflag:s12], $0x5000  }
0x20: {  	[sflag:s12] =	ssyncset.done $0x0  }
0x21: {  	p0 =	por $0x1, $0x1;
	[sflag:s12] =	ssyncadd.s32 $0xFFFFB000  }
0x22: {  	s21 =	simm.s32 @!p0 $0x4;
	[bflag:$0x0] =	sbarrier.arrive $0xFFFF  }
0x23: {  	[spmem:s2] =	stream.indirect.scatter.add.f32 [tilespmem:s10], [sflag:$0x4], $0x20, s3, s15, $0xb8;
	[tilespmem:$0xD110] =	vst v63  }
0x24: {  	_ =	swait.ge @!p0 [sflag:s21], $0xA00  }
0x25: {  	s19 =	simm.s32 $0x1;
	s20 =	simm.s32 $0x0;
	[sflag:s21] =	ssyncset.done @!p0 $0x0  }
.LBB2_2:
0x26: {  	[sflag:s21] =	ssyncadd.s32 @!p0 $0xFFFFF600  }
0x27: {  	s20 =	sadd.s32 $0x50, s20;
	s21 =	smov.u32 s19;
	s19 =	sadd.s32 $0x1, s19  }
0x28: {  	p1 =	sne.s32 s19, $0x7D  }
0x29: {  	[spmem:s2] =	stream.indirect.scatter.add.f32 [tilespmem:s10], [sflag:$0x4], $0x20, s20, s15, $0xb8;
	[tilespmem:$0xD110] =	vst v63  }
.Ltmp0:
0x2a: {  	_ = 	snop;
	(pc) =	sbr.rel @p1 .LBB2_2-.Ltmp0, $4  }
0x2b: {  	p0 =	slt.u32 s21, $0x8  }
0x2c: {  	s21 =	simm.s32 @!p0 $0x4  }
0x2d: {  	_ =	swait.ge @!p0 [sflag:s21], $0xA00  }
0x2e: {  	[sflag:s21] =	ssyncset.done @!p0 $0x0  }
0x2f: {  	[sflag:s21] =	ssyncadd.s32 @!p0 $0xFFFFF600  }
0x30: {  	_ =	swait.ge [sflag:s16], $0xA00  }
0x31: {  	[sflag:s16] =	ssyncset.done $0x0  }
0x32: {  	[sflag:s16] =	ssyncadd.s32 $0xFFFFF600  }
0x33: {  	_ =	swait.ge [sflag:s16], $0xA00  }
0x34: {  	[sflag:s16] =	ssyncset.done $0x0  }
0x35: {  	[sflag:s16] =	ssyncadd.s32 $0xFFFFF600  }
0x36: {  	_ =	swait.ge [sflag:s16], $0xA00  }
0x37: {  	[sflag:s16] =	ssyncset.done $0x0  }
0x38: {  	[sflag:s16] =	ssyncadd.s32 $0xFFFFF600  }
0x39: {  	_ =	swait.ge [sflag:s16], $0xA00  }
0x3a: {  	[sflag:s16] =	ssyncset.done $0x0  }
0x3b: {  	[sflag:s16] =	ssyncadd.s32 $0xFFFFF600  }
0x3c: {  	_ =	swait.ge [sflag:s16], $0xA00  }
0x3d: {  	[sflag:s16] =	ssyncset.done $0x0  }
0x3e: {  	[sflag:s16] =	ssyncadd.s32 $0xFFFFF600  }
0x3f: {  	_ =	swait.ge [sflag:s16], $0xA00  }
0x40: {  	[sflag:s16] =	ssyncset.done $0x0  }
0x41: {  	[sflag:s16] =	ssyncadd.s32 $0xFFFFF600  }
0x42: {  	_ =	swait.ge [sflag:s16], $0xA00  }
0x43: {  	[sflag:s16] =	ssyncset.done $0x0  }
0x44: {  	[sflag:s16] =	ssyncadd.s32 $0xFFFFF600  }
0x45: {  	_ =	swait.ge [sflag:s16], $0xA00  }
0x46: {  	[sflag:s16] =	ssyncset.done $0x0  }
0x47: {  	[sflag:s16] =	ssyncadd.s32 $0xFFFFF600  }
0x48: {  	[bflag:$0x0] =	sbarrier.arrive $0xFFFF  }
0x49: {  	[tilespmem:s11], [sflag:$0x5] =	stream.linear.gather [spmem:s7], $0x5000, $0x38;
	[tilespmem:$0xD110] =	vst v63  }
0x4a: {  	s18 =	sadd.s32 $0x1, s18;
	_ =	swait.ge [sflag:s17], $0x5000  }
0x4b: {  	p0 =	sne.s32 s18, s9;
	[sflag:s17] =	ssyncset.done $0x0  }
.Ltmp1:
0x4c: {  	[sflag:s17] =	ssyncadd.s32 $0xFFFFB000;
	(pc) =	sbr.rel @p0 .LBB2_1-.Ltmp1, $4  }
0x4d: {  	[hbm4b:s8+s3] =	stream.linear.scatter [tilespmem:s11], [sflag:$0x5], $0x5000, $0x38;
	[tilespmem:$0xD110] =	vst v63  }
0x4e: {  	_ =	swait.ge [sflag:s17], $0x5000  }
0x4f: {  	[sflag:s17] =	ssyncset.done $0x0  }
0x50: {  	[sflag:s17] =	ssyncadd.s32 $0xFFFFB000  }
0x51: {  	_ =	sfence.sel $0x180000  }
0x52: {  	[bflag:$0x0] =	sbarrier.arrive $0xFFFF  }
0x53: {  	p0 =	sne.s32 s1, $0x0;
	_ =	strace $0x90000047  }
0x54: {  	s0 =	sadd.s32 @!p0 $0x100000, s0;
	[bflag:$0x2] =	sbarrier.arrive $0xFFFF  }
0x55: {  	[sflag:s0] =	ssyncadd.tile.s32 @!p0 $0x1;
	_ =	shalt  }
.Lfunc_end2:
_tile_overlayer_lowered:
.L_overlay_start_2:
0x56: {  	(tag) =	ssettag $0x2  }
0x57: {  	s0 =	rddreg [dreg:$0x0];
	s2 =	stileid.u32  }
0x58: {  	s1 =	rddreg [dreg:$0x1];
	p0 =	sne.s32 s2, $0x0  }
0x59: {  	s3 =	rddreg [dreg:$0x2];
	[bflag:$0x3] =	sbarrier.arrive $0xFFFF;
	s2 =	simm.s32 @!p0 $0x1C05  }
0x5a: {  	[timem:s3], [sflag:s2] =	dma.local @!p0 [hbm:s0], s1  }
0x5b: {  	s0 =	simm.s32 @!p0 $0x5  }
0x5c: {  	_ =	swait.ge @!p0 [sflag:s0], s1  }
0x5d: {  	s1 =	ssub.s32 @!p0 $0x0, s1;
	[sflag:s0] =	ssyncset.done @!p0 $0x0  }
0x5e: {  	[sflag:s0] =	ssyncadd.s32 @!p0 s1  }
0x5f: {  	[bflag:$0x3] =	sbarrier.arrive $0xFFFF  }
0x60: {  	_ =	shalt  }

// kernel: kernel.14.cloned.1.call-start
scs
__scs_entry_jumppad:
0x0: {  	(pc) =	sbr.rel $0x88, $3  }
0x1: {  	(tag) =	ssettag $0x0;
	lr =	simm.s32 $0x1  }
0x2: {  	[smem:$0x3F95] =	sst lr;
	_ =	strace $0xD0000000  }
0x3: {  	_ = 	snop  }
0x4: {  	_ = 	snop  }
0x5: {  	_ = 	snop  }
0x6: {  	_ = 	snop  }
0x7: {  	_ = 	snop  }
__scs_overlays_trampoline_lowered:
0x8: {  	[smem:$0x3FA4] =	sst s0  }
0x9: {  	[smem:$0x3FA5] =	sst s1  }
0xa: {  	[smem:$0x3FA6] =	sst s2  }
0xb: {  	[smem:$0x3FA7] =	sst s3  }
0xc: {  	[smem:$0x3FA8] =	sst s4  }
0xd: {  	[smem:$0x3FA9] =	sst s5  }
0xe: {  	[smem:$0x3FAA] =	sst s6  }
0xf: {  	[smem:$0x3FAB] =	sst s7  }
0x10: {  	[smem:$0x3FAC] =	sst s8  }
0x11: {  	[smem:$0x3FAD] =	sst s9;
	s0 =	simm.s32 @!p0 $0x0  }
0x12: {  	s1 =	sld [smem:$0x3F93];
	s0 =	simm.s32 @p0 $0x1  }
0x13: {  	[smem:$0x3FAE] =	sst s0;
	s0 =	simm.s32 @!p1 $0x0  }
0x14: {  	s2 =	sld [smem:$0x3F92];
	s0 =	simm.s32 @p1 $0x1  }
0x15: {  	[smem:$0x3FAF] =	sst s0;
	s0 =	simm.s32 @!p2 $0x0  }
0x16: {  	s3 =	sld [smem:$0x3FDB];
	s0 =	simm.s32 @p2 $0x1  }
0x17: {  	s4 =	simm.s32 $0x1BF5;
	[smem:$0x3FB1] =	sst s0  }
0x18: {  	s0 =	sld [smem:$0x3F94];
	_ =	swait.ge [sflag:s4], $0x0  }
0x19: {  	s7 =	sld [smem:$0x3F95]  }
0x1a: {  	s8 =	sadd.s32 $0xFFFFE003, lr  }
0x1b: {  	s9 =	sadd.s32 $0xFFFFFEF7, lr;
	s5 =	simm.s32 $0xFFFFFFFF;
	p2 =	slt.u32 s8, $0xFFFFF086  }
0x1c: {  	p1 =	slt.u32 s9, $0xF7A;
	s5 =	simm.s32 @!p2 $0x0  }
0x1d: {  	s5 =	simm.s32 @p1 $0x1;
	p0 =	seq.s32 s7, s2  }
0x1e: {  	s7 =	smul.u32 @!p0 $0xF7A, s2;
	p2 =	seq.s32 @!p0 s5, $0x0  }
0x1f: {  	s9 =	smul.u32 $0xF7A, s1;
	s8 =	simm.s32 @!p0 $0x1BF5;
	p2 =	por !p2, p0  }
0x20: {  	[sflag:s8] =	ssyncset.s32 @!p0 $0xFFFFF086;
	s6 =	sadd.s32 @!p0 s3, s7;
	s7 =	simm.s32 @!p0 $0x108  }
0x21: {  	s3 =	sadd.s32 s3, s9;
	s6 =	sadd.s32 @!p0 $0x88, s6;
	s7 =	simm.s32 @p2 $0x1082  }
0x22: {  	[simem:s7], [sflag:s8] =	dma.local @!p0 [hbm:s6], $0xF7A  }
0x23: {  	s9 =	sor.u32 $0xD0000000, s2;
	s6 =	simm.s32 $0x108;
	_ =	swait.ge @!p0 [sflag:s8], $0x0  }
0x24: {  	s3 =	sadd.s32 $0x88, s3;
	s6 =	simm.s32 @!p1 $0x1082;
	[sflag:s4] =	ssyncset.s32 $0xFFFFF086  }
0x25: {  	[simem:s6], [sflag:s4] =	dma.local [hbm:s3], $0xF7A  }
0x26: {  	[smem:$0x3F95] =	sst s1;
	(tag) =	ssettag s2;
	_ =	strace s9  }
0x27: {  	s1 =	sld [smem:$0x3FA5]  }
0x28: {  	s2 =	sld [smem:$0x3FA6]  }
0x29: {  	s4 =	sld [smem:$0x3FA8]  }
0x2a: {  	p0 =	seq.s32 s5, $0x0;
	s5 =	sld [smem:$0x3FA9]  }
0x2b: {  	s6 =	sld [smem:$0x3FAA]  }
0x2c: {  	s7 =	sld [smem:$0x3FAB]  }
0x2d: {  	s3 =	simm.s32 $0x108;
	s8 =	sld [smem:$0x3FAC]  }
0x2e: {  	s3 =	simm.s32 @!p0 $0x1082;
	s9 =	sld [smem:$0x3FAD]  }
0x2f: {  	lr =	sadd.s32 s0, s3;
	s0 =	sld [smem:$0x3FA4]  }
0x30: {  	s3 =	sld [smem:$0x3FA7]  }
0x31: {  	[smem:$0x3FB0] =	sst s10  }
0x32: {  	s10 =	sld [smem:$0x3FAE];
	_ =	sdelay $0x3  }
0x33: {  	p0 =	seq.s32 s10, $0x1;
	s10 =	sld [smem:$0x3FB0];
	_ =	sdelay $0x3  }
0x34: {  	[smem:$0x3FB0] =	sst s10  }
0x35: {  	s10 =	sld [smem:$0x3FAF];
	_ =	sdelay $0x3  }
0x36: {  	p1 =	seq.s32 s10, $0x1;
	s10 =	sld [smem:$0x3FB0];
	_ =	sdelay $0x3  }
0x37: {  	[smem:$0x3FB0] =	sst s10  }
0x38: {  	s10 =	sld [smem:$0x3FB1]  }
0x39: {  	_ = 	snop;
	(pc) =	sbr.ind lr, $3  }
0x3a: {  	_ = 	snop  }
0x3b: {  	_ = 	snop  }
0x3c: {  	p2 =	seq.s32 s10, $0x1;
	s10 =	sld [smem:$0x3FB0]  }
0x3d: {  	_ =	shalt  }
0x3e: {  	_ =	shalt  }
0x3f: {  	_ =	shalt  }
0x40: {  	_ =	shalt  }
0x41: {  	_ =	shalt  }
0x42: {  	_ =	shalt  }
0x43: {  	_ =	shalt  }
0x44: {  	_ =	shalt  }
0x45: {  	_ =	shalt  }
0x46: {  	_ =	shalt  }
0x47: {  	_ =	shalt  }
0x48: {  	_ =	shalt  }
0x49: {  	_ =	shalt  }
0x4a: {  	_ =	shalt  }
0x4b: {  	_ =	shalt  }
0x4c: {  	_ =	shalt  }
0x4d: {  	_ =	shalt  }
0x4e: {  	_ =	shalt  }
0x4f: {  	_ =	shalt  }
0x50: {  	_ =	shalt  }
0x51: {  	_ =	shalt  }
0x52: {  	_ =	shalt  }
0x53: {  	_ =	shalt  }
0x54: {  	_ =	shalt  }
0x55: {  	_ =	shalt  }
0x56: {  	_ =	shalt  }
0x57: {  	_ =	shalt  }
0x58: {  	_ =	shalt  }
0x59: {  	_ =	shalt  }
0x5a: {  	_ =	shalt  }
0x5b: {  	_ =	shalt  }
0x5c: {  	_ =	shalt  }
0x5d: {  	_ =	shalt  }
0x5e: {  	_ =	shalt  }
0x5f: {  	_ =	shalt  }
0x60: {  	_ =	shalt  }
0x61: {  	_ =	shalt  }
0x62: {  	_ =	shalt  }
0x63: {  	_ =	shalt  }
0x64: {  	_ =	shalt  }
0x65: {  	_ =	shalt  }
0x66: {  	_ =	shalt  }
0x67: {  	_ =	shalt  }
0x68: {  	_ =	shalt  }
0x69: {  	_ =	shalt  }
0x6a: {  	_ =	shalt  }
0x6b: {  	_ =	shalt  }
0x6c: {  	_ =	shalt  }
0x6d: {  	_ =	shalt  }
0x6e: {  	_ =	shalt  }
0x6f: {  	_ =	shalt  }
0x70: {  	_ =	shalt  }
0x71: {  	_ =	shalt  }
0x72: {  	_ =	shalt  }
0x73: {  	_ =	shalt  }
0x74: {  	_ =	shalt  }
0x75: {  	_ =	shalt  }
0x76: {  	_ =	shalt  }
0x77: {  	_ =	shalt  }
0x78: {  	_ =	shalt  }
0x79: {  	_ =	shalt  }
0x7a: {  	_ =	shalt  }
0x7b: {  	_ =	shalt  }
0x7c: {  	_ =	shalt  }
0x7d: {  	_ =	shalt  }
0x7e: {  	_ =	shalt  }
0x7f: {  	_ =	shalt  }
0x80: {  	_ =	shalt  }
0x81: {  	_ =	shalt  }
0x82: {  	_ =	shalt  }
0x83: {  	_ =	shalt  }
0x84: {  	_ =	shalt  }
0x85: {  	_ =	shalt  }
0x86: {  	_ =	shalt  }
0x87: {  	_ =	shalt  }
.Lfunc_end0:
.L_simem_size_0:
called_computation.1_lowered:
.L_overlay_start_0:
0x88: {  	s2 =	sld [smem:$0x3FD9]  }
0x89: {  	s3 =	sld [smem:$0x3FFE];
	_ =	sdelay $0x1  }
0x8a: {  	s1 =	srdreg.scid  }
0x8b: {  	s0 =	sand.u32 $0x1, s1  }
0x8c: {  	s17 =	sshll.u32 s0, $0xA;
	s2 =	sadd.s32 s3, s2  }
0x8d: {  	s2 =	sadd.s32 s2, s17  }
0x8e: {  	[smem:$0x3FBC] =	sst s2  }
0x8f: {  	_ = 	snop  }
0x90: {  	s2 =	sld [smem:$0x3FD0];
	(tm) =	ssettm $0x1  }
0x91: {  	s18 =	sld [smem:$0x3FFB];
	_ =	sdelay $0x3  }
0x92: {  	_ =	strace s18  }
0x93: {  	s3 =	sld [smem:$0x3FFC];
	_ =	sdelay $0x3  }
0x94: {  	_ =	strace s3  }
0x95: {  	s3 =	sld [smem:$0x3FFD];
	_ =	sdelay $0x3  }
0x96: {  	_ =	strace s3  }
0x97: {  	_ =	strace $0x8FFFFFFF  }
0x98: {  	s19 =	sld [smem:$0x3FDB];
	_ =	sdelay $0x1  }
0x99: {  	s4 =	simm.s32 $_scs_section_size  }
0x9a: {  	s5 =	simm.s32 $_size__tile_overlayer_lowered;
	s6 =	simm.s32 $_tile_overlayer_lowered  }
0x9b: {  	s22 =	simm.s32 $0x1BFF;
	s21 =	sshll.u32 s6, $0x1;
	s3 =	sadd.s32 s4, s19  }
0x9c: {  	s7 =	simm.s32 $0x0;
	s20 =	sshll.u32 s5, $0x1;
	s5 =	sadd.s32 s21, s3  }
0x9d: {  	[timem:s7], [sflag:s22] =	dma.local [hbm:s5], s20  }
0x9e: {  	_ =	swait.ge [sflag:s22], s20  }
0x9f: {  	s4 =	ssub.s32 $0x0, s20;
	[sflag:s22] =	ssyncset.done $0x0  }
0xa0: {  	[sflag:s22] =	ssyncadd.s32 s4;
	_ =	sdelay $0x1  }
0xa1: {  	s23 =	simm.s32 $0x1B8B  }
0xa2: {  	_ =	swait.ge [sflag:s23], $0x1  }
0xa3: {  	[sflag:s23] =	ssyncset.done $0x0  }
0xa4: {  	s25 =	simm.s32 $0x1B8E;
	s24 =	sld [smem:$0x3FFE];
	[sflag:s23] =	ssyncadd.s32 $0xFFFFFFFF  }
0xa5: {  	s26 =	simm.s32 $execute0_lowered;
	[smem:$0x3FD2] =	sst s25  }
0xa6: {  	s5 =	sshll.u32 s26, $0x1;
	_ =	strace $0x80000049;
	[dreg:$0x1] =	wrdreg $0xFFFFFFFF  }
0xa7: {  	s28 =	simm.s32 $_size_execute0_lowered;
	s3 =	sadd.s32 s3, s5;
	[dreg:$0x0] =	wrdreg $0x0  }
0xa8: {  	s5 =	sshll.u32 s28, $0x1;
	[dreg:$0x2] =	wrdreg s3  }
0xa9: {  	[dreg:$0x3] =	wrdreg s5  }
0xaa: {  	[dreg:$0x4] =	wrdreg $0xC0  }
0xab: {  	_ =	task [dreg:s7], $0x5FFFF  }
0xac: {  	[dreg:$0x1] =	wrdreg $0xFFFFFFFF  }
0xad: {  	[dreg:$0x0] =	wrdreg $0x60  }
0xae: {  	[dreg:$0x2] =	wrdreg s24  }
0xaf: {  	[dreg:$0x3] =	wrdreg s2  }
0xb0: {  	[dreg:$0x4] =	wrdreg $0x116200  }
0xb1: {  	[dreg:$0x5] =	wrdreg $0x166200  }
0xb2: {  	[dreg:$0x6] =	wrdreg $0x9  }
0xb3: {  	_ =	task.clear_ibuf [dreg:s7], $0x7FFFF;
	_ =	strace $0x90000049  }
0xb4: {  	s29 =	simm.s32 $0x9;
	_ =	strace $0x8000004B  }
0xb5: {  	_ =	swait.ge [sflag:s29], $0x1  }
0xb6: {  	[sflag:s29] =	ssyncadd.s32 $0xFFFFFFFF  }
0xb7: {  	_ =	strace $0x9000004B  }
0xb8: {  	_ =	sfence  }
0xb9: {  	s30 =	sld [smem:$0x0];
	_ =	sdelay $0x2  }
0xba: {  	s31 =	sshll.u32 s1, $0xD;
	s1 =	sshrl.u32 s1, $0x2  }
0xbb: {  	s3 =	sand.u32 $0x4000, s31;
	s1 =	sadd.s32 s1, s30  }
0xbc: {  	s0 =	sor.u32 s3, s0;
	s1 =	sshll.u32 s1, $0x11  }
0xbd: {  	s0 =	sor.u32 s1, s0  }
0xbe: {  	s0 =	sadd.s32 $0x8F2B, s0  }
0xbf: {  	[sflag:s0] =	ssyncadd.remote.s32 $0x1  }
0xc0: {  	_ =	sfence.sel $0xFFFF  }
0xc1: {  	[dreg:$0x0] =	wrdreg $0xFFFFFFFF;
	(pc) =	sbr.abs _section_cstart, $3  }
0xc2: {  	[dreg:$0x1] =	wrdreg $0xFFFFFFFF  }
0xc3: {  	_ =	task.clear_ibuf [dreg:s7], $0x2FFFF;
	_ =	strace $0x9FFFFFFF  }
0xc4: {  	(tm) =	ssettm $0x7FFFFFFF  }
0xc5: {  	_ =	shalt  }
tec
execute0_lowered:
.L_overlay_start_1:
0x0: {  	(tag) =	ssettag $0x1  }
0x1: {  	s0 =	rddreg [dreg:$0x0]  }
0x2: {  	s1 =	rddreg [dreg:$0x1]  }
0x3: {  	s2 =	rddreg [dreg:$0x2]  }
0x4: {  	s3 =	rddreg [dreg:$0x3];
	s4 =	simm.s32 $0x0  }
0x5: {  	s6 =	stileid.u32;
	s5 =	srdreg.scid;
	s13 =	simm.s32 $0x2710  }
0x6: {  	s14 =	simm.s32 $0x7620;
	s15 =	simm.s32 $0xC620;
	s16 =	simm.s32 $0x5  }
0x7: {  	s17 =	simm.s32 $0x6;
	s18 =	simm.s32 $0x3;
	s19 =	simm.s32 $0x50  }
0x8: {  	s20 =	simm.s32 $0x4E20;
	s24 =	simm.s32 $0x1;
	s28 =	simm.s32 $0x2  }
0x9: {  	s29 =	simm.s32 $0x7;
	s30 =	simm.s32 $0x0;
	s10 =	smul.u32 $0x5000, s6  }
0xa: {  	s5 =	sand.u32 $0x1, s5;
	s6 =	sshll.u32 s6, $0x1;
	[smem:$0x7FF] =	sst s4  }
0xb: {  	s6 =	sor.u32 s5, s6;
	s7 =	smul.u32 $0x50000, s5;
	_ =	strace $0x8000004A  }
0xc: {  	s31 =	ssub.s32 $0x2, s5;
	s8 =	sshrl.u32 s10, $0x3;
	s9 =	smul.u32 $0x4E2, s6  }
0xd: {  	s5 =	sadd.s32 $0x4400, s0;
	s12 =	sshrl.u32 s31, $0x1;
	s8 =	sadd.s32 s8, s0  }
0xe: {  	s26 =	sadd.s32 s10, s7;
	s12 =	ssub.s32 s31, s12;
	s11 =	sadd.s32 s9, s0  }
0xf: {  	s6 =	sshrl.u32 s26, $0x3;
	s7 =	sadd.s32 s1, s9;
	s8 =	sadd.s32 $0x4E00, s8  }
0x10: {  	s9 =	sadd.s32 s10, s2;
	s10 =	sadd.s32 s10, s3;
	s0 =	sadd.s32 s6, s0  }
0x11: {  	s12 =	smax.u32 s12, $0x1;
	s6 =	sadd.s32 $0x18E00, s11;
	s11 =	sadd.s32 $0x22C00, s0  }
.LBB2_1:
0x12: {  	[tilespmem:s4], [sflag:$0x3] =	stream.linear.gather [hbm4b:s6+s4], $0x2710, $0x38;
	[tilespmem:$0x1B620] =	vst v63  }
0x13: {  	_ = 	snop  }
0x14: {  	[tilespmem:s13], [sflag:$0x4] =	stream.linear.gather [hbm4b:s7+s4], $0x2710, $0x38;
	[tilespmem:$0x1B620] =	vst v63  }
0x15: {  	_ = 	snop  }
0x16: {  	[tilespmem:s14], [sflag:$0x5] =	stream.linear.gather [hbm4b:s8+s4], $0x5000, $0x38;
	[tilespmem:$0x1B620] =	vst v63  }
0x17: {  	_ = 	snop  }
0x18: {  	[tilespmem:s15], [sflag:$0x6] =	stream.linear.gather [hbm4b:s5+s4], $0x5000, $0x38;
	[tilespmem:$0x1B620] =	vst v63  }
0x19: {  	_ =	swait.ge [sflag:s16], $0x5000  }
0x1a: {  	[sflag:s16] =	ssyncset.done $0x0  }
0x1b: {  	[sflag:s16] =	ssyncadd.s32 $0xFFFFB000  }
0x1c: {  	[spmem:s9] =	stream.linear.scatter [tilespmem:s14], [sflag:$0x5], $0x5000, $0x38;
	[tilespmem:$0x1B620] =	vst v63  }
0x1d: {  	_ =	swait.ge [sflag:s17], $0x5000  }
0x1e: {  	[sflag:s17] =	ssyncset.done $0x0  }
0x1f: {  	[sflag:s17] =	ssyncadd.s32 $0xFFFFB000  }
0x20: {  	[spmem:s10] =	stream.linear.scatter [tilespmem:s15], [sflag:$0x6], $0x5000, $0x38;
	[tilespmem:$0x1B620] =	vst v63  }
0x21: {  	_ =	swait.ge [sflag:s18], $0x2710  }
0x22: {  	[sflag:s18] =	ssyncset.done $0x0  }
0x23: {  	s1 =	simm.s32 $0x4;
	[sflag:s18] =	ssyncadd.s32 $0xFFFFD8F0  }
0x24: {  	_ =	swait.ge [sflag:s1], $0x2710  }
0x25: {  	[sflag:s1] =	ssyncset.done $0x0  }
0x26: {  	[sflag:s1] =	ssyncadd.s32 $0xFFFFD8F0  }
0x27: {  	_ =	swait.ge [sflag:s16], $0x5000  }
0x28: {  	[sflag:s16] =	ssyncset.done $0x0  }
0x29: {  	[sflag:s16] =	ssyncadd.s32 $0xFFFFB000  }
0x2a: {  	_ =	swait.ge [sflag:s17], $0x5000  }
0x2b: {  	[sflag:s17] =	ssyncset.done $0x0  }
0x2c: {  	[sflag:s17] =	ssyncadd.s32 $0xFFFFB000  }
0x2d: {  	[bflag:$0x0] =	sbarrier.arrive $0xFFFF  }
0x2e: {  	[tilespmem:s20], [sflag:$0x1] =	stream.indirect.gather [spmem:s2], $0x20, s4, s19, $0xb8;
	[tilespmem:$0x1B620] =	vst v63  }
0x2f: {  	s0 =	simm.s32 $0x5820  }
0x30: {  	[tilespmem:s0], [sflag:$0x1] =	stream.indirect.gather [spmem:s2], $0x20, s19, s19, $0xb8;
	[tilespmem:$0x1B620] =	vst v63  }
0x31: {  	s26 =	simm.s32 $0xA0;
	s21 =	simm.s32 $0x6220  }
0x32: {  	[tilespmem:s21], [sflag:$0x1] =	stream.indirect.gather [spmem:s2], $0x20, s26, s19, $0xb8;
	[tilespmem:$0x1B620] =	vst v63  }
0x33: {  	s22 =	simm.s32 $0xF0;
	_ =	swait.ge [sflag:s24], $0xA00  }
0x34: {  	s23 =	simm.s32 $0x6C20;
	s25 =	simm.s32 $0x1;
	[sflag:s24] =	ssyncset.done $0x0  }
0x35: {  	p0 =	por $0x0, $0x0;
	s0 =	sand.u32 $0x3, s25;
	[sflag:s24] =	ssyncadd.s32 $0xFFFFF600  }
0x36: {  	[spmem:s3] =	stream.indirect.scatter.add.f32 [tilespmem:s20], [sflag:$0x2], $0x20, s13, s19, $0xb8;
	[tilespmem:$0x1B620] =	vst v63  }
0x37: {  	s31 =	simm.s32 $0x5;
	s1 =	sand.u32 @!p0 $0x3, s1;
	s26 =	smul.u32 $0x2800, s0  }
0x38: {  	[tilespmem:s23], [sflag:$0x1] =	stream.indirect.gather [spmem:s2], $0x20, s22, s19, $0xb8;
	[tilespmem:$0x1B620] =	vst v63  }
0x39: {  	s25 =	smul.u32 @!p0 $0x2800, s1;
	s21 =	sshrl.u32 s26, $0x2;
	_ =	swait.ge [sflag:s24], $0xA00  }
0x3a: {  	s1 =	simm.s32 $0x190;
	s21 =	sadd.s32 $0x4E20, s21;
	[sflag:s24] =	ssyncset.done $0x0  }
0x3b: {  	s23 =	simm.s32 $0x2760;
	s22 =	simm.s32 @!p0 $0x2;
	[sflag:s24] =	ssyncadd.s32 $0xFFFFF600  }
0x3c: {  	[spmem:s3] =	stream.indirect.scatter.add.f32 [tilespmem:s21], [sflag:$0x2], $0x20, s23, s19, $0xb8;
	[tilespmem:$0x1B620] =	vst v63  }
0x3d: {  	s0 =	simm.s32 $0x140;
	s25 =	sshrl.u32 @!p0 s25, $0x2;
	_ =	swait.ge @!p0 [sflag:s22], $0xA00  }
0x3e: {  	s23 =	simm.s32 @!p0 $0x50;
	s21 =	simm.s32 $0x27B0;
	[sflag:s22] =	ssyncset.done @!p0 $0x0  }
.LBB2_2:
0x3f: {  	s26 =	sadd.s32 $0xFFFFFFFD, s31;
	[sflag:s22] =	ssyncadd.s32 @!p0 $0xFFFFF600;
	s22 =	sadd.s32 @!p0 $0x4E20, s25  }
0x40: {  	[tilespmem:s22], [sflag:$0x1] =	stream.indirect.gather @!p0 [spmem:s2], $0x20, s0, s23, $0xb8;
	[tilespmem:$0x1B620] =	vst v63  }
0x41: {  	s0 =	sand.u32 $0x3, s26  }
0x42: {  	s22 =	smov.u32 s31;
	s31 =	sadd.s32 $0x1, s31;
	s23 =	smul.u32 $0x2800, s0  }
0x43: {  	p1 =	sne.s32 s31, $0x80;
	s0 =	smov.u32 s1  }
0x44: {  	_ =	swait.ge [sflag:s24], $0xA00;
	s23 =	sshrl.u32 s23, $0x2  }
0x45: {  	p0 =	sgt.u32 s26, $0x79;
	[sflag:s24] =	ssyncset.done $0x0;
	s25 =	sadd.s32 $0x4E20, s23  }
.Ltmp0:
0x46: {  	s23 =	sand.u32 @!p0 $0x3, s22;
	s22 =	simm.s32 @!p0 $0x2;
	(pc) =	sbr.rel @p1 .LBB2_2-.Ltmp0, $4  }
0x47: {  	s26 =	smul.u32 @!p0 $0x2800, s23;
	s23 =	simm.s32 @!p0 $0x50;
	[sflag:s24] =	ssyncadd.s32 $0xFFFFF600  }
0x48: {  	[spmem:s3] =	stream.indirect.scatter.add.f32 [tilespmem:s25], [sflag:$0x2], $0x20, s21, s19, $0xb8;
	[tilespmem:$0x1B620] =	vst v63  }
0x49: {  	s1 =	sadd.s32 $0x50, s1;
	_ =	swait.ge @!p0 [sflag:s22], $0xA00  }
0x4a: {  	s25 =	sshrl.u32 @!p0 s26, $0x2;
	s21 =	sadd.s32 $0x50, s21;
	[sflag:s22] =	ssyncset.done @!p0 $0x0  }
0x4b: {  	[sflag:s22] =	ssyncadd.s32 @!p0 $0xFFFFF600;
	s1 =	sadd.s32 @!p0 $0x4E20, s25  }
0x4c: {  	[tilespmem:s1], [sflag:$0x1] =	stream.indirect.gather @!p0 [spmem:s2], $0x20, s0, s23, $0xb8;
	[tilespmem:$0x1B620] =	vst v63  }
0x4d: {  	_ =	swait.ge [sflag:s28], $0xA00  }
0x4e: {  	[sflag:s28] =	ssyncset.done $0x0  }
0x4f: {  	[sflag:s28] =	ssyncadd.s32 $0xFFFFF600  }
0x50: {  	_ =	swait.ge [sflag:s28], $0xA00  }
0x51: {  	[sflag:s28] =	ssyncset.done $0x0  }
0x52: {  	[sflag:s28] =	ssyncadd.s32 $0xFFFFF600  }
0x53: {  	_ =	swait.ge [sflag:s28], $0xA00  }
0x54: {  	[sflag:s28] =	ssyncset.done $0x0  }
0x55: {  	[sflag:s28] =	ssyncadd.s32 $0xFFFFF600  }
0x56: {  	_ =	swait.ge [sflag:s28], $0xA00  }
0x57: {  	[sflag:s28] =	ssyncset.done $0x0  }
0x58: {  	[sflag:s28] =	ssyncadd.s32 $0xFFFFF600  }
0x59: {  	[bflag:$0x0] =	sbarrier.arrive $0xFFFF  }
0x5a: {  	[tilespmem:s14], [sflag:$0x7] =	stream.linear.gather [spmem:s10], $0x5000, $0x38;
	[tilespmem:$0x1B620] =	vst v63  }
0x5b: {  	s30 =	sadd.s32 $0x1, s30;
	_ =	swait.ge [sflag:s29], $0x5000  }
0x5c: {  	p0 =	sne.s32 s30, s12;
	[sflag:s29] =	ssyncset.done $0x0  }
.Ltmp1:
0x5d: {  	[sflag:s29] =	ssyncadd.s32 $0xFFFFB000;
	(pc) =	sbr.rel @p0 .LBB2_1-.Ltmp1, $4  }
0x5e: {  	[hbm4b:s11+s4] =	stream.linear.scatter [tilespmem:s14], [sflag:$0x7], $0x5000, $0x38;
	[tilespmem:$0x1B620] =	vst v63  }
0x5f: {  	_ =	swait.ge [sflag:s29], $0x5000  }
0x60: {  	[sflag:s29] =	ssyncset.done $0x0  }
0x61: {  	[sflag:s29] =	ssyncadd.s32 $0xFFFFB000  }
0x62: {  	_ =	sfence.sel $0x180000  }
0x63: {  	[bflag:$0x0] =	sbarrier.arrive $0xFFFF  }
0x64: {  	_ =	strace $0x9000004A  }
0x65: {  	s0 =	stileid.u32;
	[bflag:$0x2] =	sbarrier.arrive $0xFFFF  }
0x66: {  	p0 =	sne.s32 s0, $0x0;
	s0 =	rddreg [dreg:$0x4]  }
0x67: {  	s0 =	sadd.s32 @!p0 $0x100000, s0  }
0x68: {  	[sflag:s0] =	ssyncadd.tile.s32 @!p0 $0x1;
	_ =	shalt  }
.Lfunc_end2:
_tile_overlayer_lowered:
.L_overlay_start_2:
0x69: {  	(tag) =	ssettag $0x2  }
0x6a: {  	s0 =	rddreg [dreg:$0x0];
	s2 =	stileid.u32  }
0x6b: {  	s1 =	rddreg [dreg:$0x1];
	p0 =	sne.s32 s2, $0x0  }
0x6c: {  	s3 =	rddreg [dreg:$0x2];
	[bflag:$0x3] =	sbarrier.arrive $0xFFFF;
	s2 =	simm.s32 @!p0 $0x1C07  }
0x6d: {  	[timem:s3], [sflag:s2] =	dma.local @!p0 [hbm:s0], s1  }
0x6e: {  	s0 =	simm.s32 @!p0 $0x7  }
0x6f: {  	_ =	swait.ge @!p0 [sflag:s0], s1  }
0x70: {  	s1 =	ssub.s32 @!p0 $0x0, s1;
	[sflag:s0] =	ssyncset.done @!p0 $0x0  }
0x71: {  	[sflag:s0] =	ssyncadd.s32 @!p0 s1  }
0x72: {  	[bflag:$0x3] =	sbarrier.arrive $0xFFFF  }
0x73: {  	_ =	shalt  }

// kernel: kernel.17.cloned.1.call-start
scs
__scs_entry_jumppad:
0x0: {  	(pc) =	sbr.rel $0x88, $3  }
0x1: {  	(tag) =	ssettag $0x0;
	lr =	simm.s32 $0x1  }
0x2: {  	[smem:$0x3F95] =	sst lr;
	_ =	strace $0xD0000000  }
0x3: {  	_ = 	snop  }
0x4: {  	_ = 	snop  }
0x5: {  	_ = 	snop  }
0x6: {  	_ = 	snop  }
0x7: {  	_ = 	snop  }
__scs_overlays_trampoline_lowered:
0x8: {  	[smem:$0x3FA4] =	sst s0  }
0x9: {  	[smem:$0x3FA5] =	sst s1  }
0xa: {  	[smem:$0x3FA6] =	sst s2  }
0xb: {  	[smem:$0x3FA7] =	sst s3  }
0xc: {  	[smem:$0x3FA8] =	sst s4  }
0xd: {  	[smem:$0x3FA9] =	sst s5  }
0xe: {  	[smem:$0x3FAA] =	sst s6  }
0xf: {  	[smem:$0x3FAB] =	sst s7  }
0x10: {  	[smem:$0x3FAC] =	sst s8  }
0x11: {  	[smem:$0x3FAD] =	sst s9;
	s0 =	simm.s32 @!p0 $0x0  }
0x12: {  	s1 =	sld [smem:$0x3F93];
	s0 =	simm.s32 @p0 $0x1  }
0x13: {  	[smem:$0x3FAE] =	sst s0;
	s0 =	simm.s32 @!p1 $0x0  }
0x14: {  	s2 =	sld [smem:$0x3F92];
	s0 =	simm.s32 @p1 $0x1  }
0x15: {  	[smem:$0x3FAF] =	sst s0;
	s0 =	simm.s32 @!p2 $0x0  }
0x16: {  	s3 =	sld [smem:$0x3FDB];
	s0 =	simm.s32 @p2 $0x1  }
0x17: {  	s4 =	simm.s32 $0x1BF5;
	[smem:$0x3FB1] =	sst s0  }
0x18: {  	s0 =	sld [smem:$0x3F94];
	_ =	swait.ge [sflag:s4], $0x0  }
0x19: {  	s7 =	sld [smem:$0x3F95]  }
0x1a: {  	s8 =	sadd.s32 $0xFFFFE003, lr  }
0x1b: {  	s9 =	sadd.s32 $0xFFFFFEF7, lr;
	s5 =	simm.s32 $0xFFFFFFFF;
	p2 =	slt.u32 s8, $0xFFFFF086  }
0x1c: {  	p1 =	slt.u32 s9, $0xF7A;
	s5 =	simm.s32 @!p2 $0x0  }
0x1d: {  	s5 =	simm.s32 @p1 $0x1;
	p0 =	seq.s32 s7, s2  }
0x1e: {  	s7 =	smul.u32 @!p0 $0xF7A, s2;
	p2 =	seq.s32 @!p0 s5, $0x0  }
0x1f: {  	s9 =	smul.u32 $0xF7A, s1;
	s8 =	simm.s32 @!p0 $0x1BF5;
	p2 =	por !p2, p0  }
0x20: {  	[sflag:s8] =	ssyncset.s32 @!p0 $0xFFFFF086;
	s6 =	sadd.s32 @!p0 s3, s7;
	s7 =	simm.s32 @!p0 $0x108  }
0x21: {  	s3 =	sadd.s32 s3, s9;
	s6 =	sadd.s32 @!p0 $0x88, s6;
	s7 =	simm.s32 @p2 $0x1082  }
0x22: {  	[simem:s7], [sflag:s8] =	dma.local @!p0 [hbm:s6], $0xF7A  }
0x23: {  	s9 =	sor.u32 $0xD0000000, s2;
	s6 =	simm.s32 $0x108;
	_ =	swait.ge @!p0 [sflag:s8], $0x0  }
0x24: {  	s3 =	sadd.s32 $0x88, s3;
	s6 =	simm.s32 @!p1 $0x1082;
	[sflag:s4] =	ssyncset.s32 $0xFFFFF086  }
0x25: {  	[simem:s6], [sflag:s4] =	dma.local [hbm:s3], $0xF7A  }
0x26: {  	[smem:$0x3F95] =	sst s1;
	(tag) =	ssettag s2;
	_ =	strace s9  }
0x27: {  	s1 =	sld [smem:$0x3FA5]  }
0x28: {  	s2 =	sld [smem:$0x3FA6]  }
0x29: {  	s4 =	sld [smem:$0x3FA8]  }
0x2a: {  	p0 =	seq.s32 s5, $0x0;
	s5 =	sld [smem:$0x3FA9]  }
0x2b: {  	s6 =	sld [smem:$0x3FAA]  }
0x2c: {  	s7 =	sld [smem:$0x3FAB]  }
0x2d: {  	s3 =	simm.s32 $0x108;
	s8 =	sld [smem:$0x3FAC]  }
0x2e: {  	s3 =	simm.s32 @!p0 $0x1082;
	s9 =	sld [smem:$0x3FAD]  }
0x2f: {  	lr =	sadd.s32 s0, s3;
	s0 =	sld [smem:$0x3FA4]  }
0x30: {  	s3 =	sld [smem:$0x3FA7]  }
0x31: {  	[smem:$0x3FB0] =	sst s10  }
0x32: {  	s10 =	sld [smem:$0x3FAE];
	_ =	sdelay $0x3  }
0x33: {  	p0 =	seq.s32 s10, $0x1;
	s10 =	sld [smem:$0x3FB0];
	_ =	sdelay $0x3  }
0x34: {  	[smem:$0x3FB0] =	sst s10  }
0x35: {  	s10 =	sld [smem:$0x3FAF];
	_ =	sdelay $0x3  }
0x36: {  	p1 =	seq.s32 s10, $0x1;
	s10 =	sld [smem:$0x3FB0];
	_ =	sdelay $0x3  }
0x37: {  	[smem:$0x3FB0] =	sst s10  }
0x38: {  	s10 =	sld [smem:$0x3FB1]  }
0x39: {  	_ = 	snop;
	(pc) =	sbr.ind lr, $3  }
0x3a: {  	_ = 	snop  }
0x3b: {  	_ = 	snop  }
0x3c: {  	p2 =	seq.s32 s10, $0x1;
	s10 =	sld [smem:$0x3FB0]  }
0x3d: {  	_ =	shalt  }
0x3e: {  	_ =	shalt  }
0x3f: {  	_ =	shalt  }
0x40: {  	_ =	shalt  }
0x41: {  	_ =	shalt  }
0x42: {  	_ =	shalt  }
0x43: {  	_ =	shalt  }
0x44: {  	_ =	shalt  }
0x45: {  	_ =	shalt  }
0x46: {  	_ =	shalt  }
0x47: {  	_ =	shalt  }
0x48: {  	_ =	shalt  }
0x49: {  	_ =	shalt  }
0x4a: {  	_ =	shalt  }
0x4b: {  	_ =	shalt  }
0x4c: {  	_ =	shalt  }
0x4d: {  	_ =	shalt  }
0x4e: {  	_ =	shalt  }
0x4f: {  	_ =	shalt  }
0x50: {  	_ =	shalt  }
0x51: {  	_ =	shalt  }
0x52: {  	_ =	shalt  }
0x53: {  	_ =	shalt  }
0x54: {  	_ =	shalt  }
0x55: {  	_ =	shalt  }
0x56: {  	_ =	shalt  }
0x57: {  	_ =	shalt  }
0x58: {  	_ =	shalt  }
0x59: {  	_ =	shalt  }
0x5a: {  	_ =	shalt  }
0x5b: {  	_ =	shalt  }
0x5c: {  	_ =	shalt  }
0x5d: {  	_ =	shalt  }
0x5e: {  	_ =	shalt  }
0x5f: {  	_ =	shalt  }
0x60: {  	_ =	shalt  }
0x61: {  	_ =	shalt  }
0x62: {  	_ =	shalt  }
0x63: {  	_ =	shalt  }
0x64: {  	_ =	shalt  }
0x65: {  	_ =	shalt  }
0x66: {  	_ =	shalt  }
0x67: {  	_ =	shalt  }
0x68: {  	_ =	shalt  }
0x69: {  	_ =	shalt  }
0x6a: {  	_ =	shalt  }
0x6b: {  	_ =	shalt  }
0x6c: {  	_ =	shalt  }
0x6d: {  	_ =	shalt  }
0x6e: {  	_ =	shalt  }
0x6f: {  	_ =	shalt  }
0x70: {  	_ =	shalt  }
0x71: {  	_ =	shalt  }
0x72: {  	_ =	shalt  }
0x73: {  	_ =	shalt  }
0x74: {  	_ =	shalt  }
0x75: {  	_ =	shalt  }
0x76: {  	_ =	shalt  }
0x77: {  	_ =	shalt  }
0x78: {  	_ =	shalt  }
0x79: {  	_ =	shalt  }
0x7a: {  	_ =	shalt  }
0x7b: {  	_ =	shalt  }
0x7c: {  	_ =	shalt  }
0x7d: {  	_ =	shalt  }
0x7e: {  	_ =	shalt  }
0x7f: {  	_ =	shalt  }
0x80: {  	_ =	shalt  }
0x81: {  	_ =	shalt  }
0x82: {  	_ =	shalt  }
0x83: {  	_ =	shalt  }
0x84: {  	_ =	shalt  }
0x85: {  	_ =	shalt  }
0x86: {  	_ =	shalt  }
0x87: {  	_ =	shalt  }
.Lfunc_end0:
.L_simem_size_0:
called_computation.2_lowered:
.L_overlay_start_0:
0x88: {  	s2 =	sld [smem:$0x3FD9]  }
0x89: {  	s3 =	sld [smem:$0x3FFE];
	_ =	sdelay $0x1  }
0x8a: {  	s1 =	srdreg.scid  }
0x8b: {  	s0 =	sand.u32 $0x1, s1  }
0x8c: {  	s17 =	sshll.u32 s0, $0xA;
	s2 =	sadd.s32 s3, s2  }
0x8d: {  	s2 =	sadd.s32 s2, s17  }
0x8e: {  	[smem:$0x3FBC] =	sst s2  }
0x8f: {  	_ = 	snop  }
0x90: {  	s2 =	sld [smem:$0x3FD0];
	(tm) =	ssettm $0x1  }
0x91: {  	s18 =	sld [smem:$0x3FFB];
	_ =	sdelay $0x3  }
0x92: {  	_ =	strace s18  }
0x93: {  	s3 =	sld [smem:$0x3FFC];
	_ =	sdelay $0x3  }
0x94: {  	_ =	strace s3  }
0x95: {  	s3 =	sld [smem:$0x3FFD];
	_ =	sdelay $0x3  }
0x96: {  	_ =	strace s3  }
0x97: {  	_ =	strace $0x8FFFFFFF  }
0x98: {  	s19 =	sld [smem:$0x3FDB];
	_ =	sdelay $0x1  }
0x99: {  	s4 =	simm.s32 $_scs_section_size  }
0x9a: {  	s5 =	simm.s32 $_size__tile_overlayer_lowered;
	s6 =	simm.s32 $_tile_overlayer_lowered  }
0x9b: {  	s22 =	simm.s32 $0x1BFF;
	s21 =	sshll.u32 s6, $0x1;
	s3 =	sadd.s32 s4, s19  }
0x9c: {  	s7 =	simm.s32 $0x0;
	s20 =	sshll.u32 s5, $0x1;
	s5 =	sadd.s32 s21, s3  }
0x9d: {  	[timem:s7], [sflag:s22] =	dma.local [hbm:s5], s20  }
0x9e: {  	_ =	swait.ge [sflag:s22], s20  }
0x9f: {  	s4 =	ssub.s32 $0x0, s20;
	[sflag:s22] =	ssyncset.done $0x0  }
0xa0: {  	[sflag:s22] =	ssyncadd.s32 s4;
	_ =	sdelay $0x1  }
0xa1: {  	s23 =	simm.s32 $0x1B8B  }
0xa2: {  	_ =	swait.ge [sflag:s23], $0x1  }
0xa3: {  	[sflag:s23] =	ssyncset.done $0x0  }
0xa4: {  	s25 =	simm.s32 $0x1B8E;
	s24 =	sld [smem:$0x3FFE];
	[sflag:s23] =	ssyncadd.s32 $0xFFFFFFFF  }
0xa5: {  	s26 =	simm.s32 $execute0_lowered;
	[smem:$0x3FD2] =	sst s25  }
0xa6: {  	s5 =	sshll.u32 s26, $0x1;
	_ =	strace $0x8000004C;
	[dreg:$0x1] =	wrdreg $0xFFFFFFFF  }
0xa7: {  	s28 =	simm.s32 $_size_execute0_lowered;
	s3 =	sadd.s32 s3, s5;
	[dreg:$0x0] =	wrdreg $0x0  }
0xa8: {  	s5 =	sshll.u32 s28, $0x1;
	[dreg:$0x2] =	wrdreg s3  }
0xa9: {  	[dreg:$0x3] =	wrdreg s5  }
0xaa: {  	[dreg:$0x4] =	wrdreg $0xC0  }
0xab: {  	_ =	task [dreg:s7], $0x5FFFF  }
0xac: {  	[dreg:$0x1] =	wrdreg $0xFFFFFFFF  }
0xad: {  	[dreg:$0x0] =	wrdreg $0x60  }
0xae: {  	[dreg:$0x2] =	wrdreg s24  }
0xaf: {  	[dreg:$0x3] =	wrdreg s2  }
0xb0: {  	[dreg:$0x4] =	wrdreg $0x116200  }
0xb1: {  	[dreg:$0x5] =	wrdreg $0x166200  }
0xb2: {  	[dreg:$0x6] =	wrdreg $0x9  }
0xb3: {  	_ =	task.clear_ibuf [dreg:s7], $0x7FFFF;
	_ =	strace $0x9000004C  }
0xb4: {  	s29 =	simm.s32 $0x9;
	_ =	strace $0x8000004E  }
0xb5: {  	_ =	swait.ge [sflag:s29], $0x1  }
0xb6: {  	[sflag:s29] =	ssyncadd.s32 $0xFFFFFFFF  }
0xb7: {  	_ =	strace $0x9000004E  }
0xb8: {  	_ =	sfence  }
0xb9: {  	s30 =	sld [smem:$0x0];
	_ =	sdelay $0x2  }
0xba: {  	s31 =	sshll.u32 s1, $0xD;
	s1 =	sshrl.u32 s1, $0x2  }
0xbb: {  	s3 =	sand.u32 $0x4000, s31;
	s1 =	sadd.s32 s1, s30  }
0xbc: {  	s0 =	sor.u32 s3, s0;
	s1 =	sshll.u32 s1, $0x11  }
0xbd: {  	s0 =	sor.u32 s1, s0  }
0xbe: {  	s0 =	sadd.s32 $0x8F2B, s0  }
0xbf: {  	[sflag:s0] =	ssyncadd.remote.s32 $0x1  }
0xc0: {  	_ =	sfence.sel $0xFFFF  }
0xc1: {  	[dreg:$0x0] =	wrdreg $0xFFFFFFFF;
	(pc) =	sbr.abs _section_cstart, $3  }
0xc2: {  	[dreg:$0x1] =	wrdreg $0xFFFFFFFF  }
0xc3: {  	_ =	task.clear_ibuf [dreg:s7], $0x2FFFF;
	_ =	strace $0x9FFFFFFF  }
0xc4: {  	(tm) =	ssettm $0x7FFFFFFF  }
0xc5: {  	_ =	shalt  }
tec
execute0_lowered:
.L_overlay_start_1:
0x0: {  	(tag) =	ssettag $0x1  }
0x1: {  	s0 =	rddreg [dreg:$0x0]  }
0x2: {  	s1 =	rddreg [dreg:$0x1]  }
0x3: {  	s2 =	rddreg [dreg:$0x2]  }
0x4: {  	s3 =	rddreg [dreg:$0x3];
	s4 =	simm.s32 $0x0  }
0x5: {  	s6 =	stileid.u32;
	s5 =	srdreg.scid;
	s13 =	simm.s32 $0x2710  }
0x6: {  	s14 =	simm.s32 $0x7620;
	s15 =	simm.s32 $0xC620;
	s16 =	simm.s32 $0x5  }
0x7: {  	s17 =	simm.s32 $0x6;
	s18 =	simm.s32 $0x3;
	s19 =	simm.s32 $0x50  }
0x8: {  	s20 =	simm.s32 $0x4E20;
	s24 =	simm.s32 $0x1;
	s28 =	simm.s32 $0x2  }
0x9: {  	s29 =	simm.s32 $0x7;
	s30 =	simm.s32 $0x0;
	s10 =	smul.u32 $0x5000, s6  }
0xa: {  	s5 =	sand.u32 $0x1, s5;
	s6 =	sshll.u32 s6, $0x1;
	[smem:$0x7FF] =	sst s4  }
0xb: {  	s6 =	sor.u32 s5, s6;
	s7 =	smul.u32 $0x50000, s5;
	_ =	strace $0x8000004D  }
0xc: {  	s31 =	ssub.s32 $0x2, s5;
	s8 =	sshrl.u32 s10, $0x3;
	s9 =	smul.u32 $0x4E2, s6  }
0xd: {  	s5 =	sadd.s32 $0x4400, s0;
	s12 =	sshrl.u32 s31, $0x1;
	s8 =	sadd.s32 s8, s0  }
0xe: {  	s26 =	sadd.s32 s10, s7;
	s12 =	ssub.s32 s31, s12;
	s11 =	sadd.s32 s9, s0  }
0xf: {  	s6 =	sshrl.u32 s26, $0x3;
	s7 =	sadd.s32 s1, s9;
	s8 =	sadd.s32 $0x4E00, s8  }
0x10: {  	s9 =	sadd.s32 s10, s2;
	s10 =	sadd.s32 s10, s3;
	s0 =	sadd.s32 s6, s0  }
0x11: {  	s12 =	smax.u32 s12, $0x1;
	s6 =	sadd.s32 $0x18E00, s11;
	s11 =	sadd.s32 $0x22C00, s0  }
.LBB2_1:
0x12: {  	[tilespmem:s4], [sflag:$0x3] =	stream.linear.gather [hbm4b:s6+s4], $0x2710, $0x38;
	[tilespmem:$0x1B620] =	vst v63  }
0x13: {  	_ = 	snop  }
0x14: {  	[tilespmem:s13], [sflag:$0x4] =	stream.linear.gather [hbm4b:s7+s4], $0x2710, $0x38;
	[tilespmem:$0x1B620] =	vst v63  }
0x15: {  	_ = 	snop  }
0x16: {  	[tilespmem:s14], [sflag:$0x5] =	stream.linear.gather [hbm4b:s8+s4], $0x5000, $0x38;
	[tilespmem:$0x1B620] =	vst v63  }
0x17: {  	_ = 	snop  }
0x18: {  	[tilespmem:s15], [sflag:$0x6] =	stream.linear.gather [hbm4b:s5+s4], $0x5000, $0x38;
	[tilespmem:$0x1B620] =	vst v63  }
0x19: {  	_ =	swait.ge [sflag:s16], $0x5000  }
0x1a: {  	[sflag:s16] =	ssyncset.done $0x0  }
0x1b: {  	[sflag:s16] =	ssyncadd.s32 $0xFFFFB000  }
0x1c: {  	[spmem:s9] =	stream.linear.scatter [tilespmem:s14], [sflag:$0x5], $0x5000, $0x38;
	[tilespmem:$0x1B620] =	vst v63  }
0x1d: {  	_ =	swait.ge [sflag:s17], $0x5000  }
0x1e: {  	[sflag:s17] =	ssyncset.done $0x0  }
0x1f: {  	[sflag:s17] =	ssyncadd.s32 $0xFFFFB000  }
0x20: {  	[spmem:s10] =	stream.linear.scatter [tilespmem:s15], [sflag:$0x6], $0x5000, $0x38;
	[tilespmem:$0x1B620] =	vst v63  }
0x21: {  	_ =	swait.ge [sflag:s18], $0x2710  }
0x22: {  	[sflag:s18] =	ssyncset.done $0x0  }
0x23: {  	s1 =	simm.s32 $0x4;
	[sflag:s18] =	ssyncadd.s32 $0xFFFFD8F0  }
0x24: {  	_ =	swait.ge [sflag:s1], $0x2710  }
0x25: {  	[sflag:s1] =	ssyncset.done $0x0  }
0x26: {  	[sflag:s1] =	ssyncadd.s32 $0xFFFFD8F0  }
0x27: {  	_ =	swait.ge [sflag:s16], $0x5000  }
0x28: {  	[sflag:s16] =	ssyncset.done $0x0  }
0x29: {  	[sflag:s16] =	ssyncadd.s32 $0xFFFFB000  }
0x2a: {  	_ =	swait.ge [sflag:s17], $0x5000  }
0x2b: {  	[sflag:s17] =	ssyncset.done $0x0  }
0x2c: {  	[sflag:s17] =	ssyncadd.s32 $0xFFFFB000  }
0x2d: {  	[bflag:$0x0] =	sbarrier.arrive $0xFFFF  }
0x2e: {  	[tilespmem:s20], [sflag:$0x1] =	stream.indirect.gather [spmem:s2], $0x20, s4, s19, $0xb8;
	[tilespmem:$0x1B620] =	vst v63  }
0x2f: {  	s0 =	simm.s32 $0x5820  }
0x30: {  	[tilespmem:s0], [sflag:$0x1] =	stream.indirect.gather [spmem:s2], $0x20, s19, s19, $0xb8;
	[tilespmem:$0x1B620] =	vst v63  }
0x31: {  	s26 =	simm.s32 $0xA0;
	s21 =	simm.s32 $0x6220  }
0x32: {  	[tilespmem:s21], [sflag:$0x1] =	stream.indirect.gather [spmem:s2], $0x20, s26, s19, $0xb8;
	[tilespmem:$0x1B620] =	vst v63  }
0x33: {  	s22 =	simm.s32 $0xF0;
	_ =	swait.ge [sflag:s24], $0xA00  }
0x34: {  	s23 =	simm.s32 $0x6C20;
	s25 =	simm.s32 $0x1;
	[sflag:s24] =	ssyncset.done $0x0  }
0x35: {  	p0 =	por $0x0, $0x0;
	s0 =	sand.u32 $0x3, s25;
	[sflag:s24] =	ssyncadd.s32 $0xFFFFF600  }
0x36: {  	[spmem:s3] =	stream.indirect.scatter.add.f32 [tilespmem:s20], [sflag:$0x2], $0x20, s13, s19, $0xb8;
	[tilespmem:$0x1B620] =	vst v63  }
0x37: {  	s31 =	simm.s32 $0x5;
	s1 =	sand.u32 @!p0 $0x3, s1;
	s26 =	smul.u32 $0x2800, s0  }
0x38: {  	[tilespmem:s23], [sflag:$0x1] =	stream.indirect.gather [spmem:s2], $0x20, s22, s19, $0xb8;
	[tilespmem:$0x1B620] =	vst v63  }
0x39: {  	s25 =	smul.u32 @!p0 $0x2800, s1;
	s21 =	sshrl.u32 s26, $0x2;
	_ =	swait.ge [sflag:s24], $0xA00  }
0x3a: {  	s1 =	simm.s32 $0x190;
	s21 =	sadd.s32 $0x4E20, s21;
	[sflag:s24] =	ssyncset.done $0x0  }
0x3b: {  	s23 =	simm.s32 $0x2760;
	s22 =	simm.s32 @!p0 $0x2;
	[sflag:s24] =	ssyncadd.s32 $0xFFFFF600  }
0x3c: {  	[spmem:s3] =	stream.indirect.scatter.add.f32 [tilespmem:s21], [sflag:$0x2], $0x20, s23, s19, $0xb8;
	[tilespmem:$0x1B620] =	vst v63  }
0x3d: {  	s0 =	simm.s32 $0x140;
	s25 =	sshrl.u32 @!p0 s25, $0x2;
	_ =	swait.ge @!p0 [sflag:s22], $0xA00  }
0x3e: {  	s23 =	simm.s32 @!p0 $0x50;
	s21 =	simm.s32 $0x27B0;
	[sflag:s22] =	ssyncset.done @!p0 $0x0  }
.LBB2_2:
0x3f: {  	s26 =	sadd.s32 $0xFFFFFFFD, s31;
	[sflag:s22] =	ssyncadd.s32 @!p0 $0xFFFFF600;
	s22 =	sadd.s32 @!p0 $0x4E20, s25  }
0x40: {  	[tilespmem:s22], [sflag:$0x1] =	stream.indirect.gather @!p0 [spmem:s2], $0x20, s0, s23, $0xb8;
	[tilespmem:$0x1B620] =	vst v63  }
0x41: {  	s0 =	sand.u32 $0x3, s26  }
0x42: {  	s22 =	smov.u32 s31;
	s31 =	sadd.s32 $0x1, s31;
	s23 =	smul.u32 $0x2800, s0  }
0x43: {  	p1 =	sne.s32 s31, $0x80;
	s0 =	smov.u32 s1  }
0x44: {  	_ =	swait.ge [sflag:s24], $0xA00;
	s23 =	sshrl.u32 s23, $0x2  }
0x45: {  	p0 =	sgt.u32 s26, $0x79;
	[sflag:s24] =	ssyncset.done $0x0;
	s25 =	sadd.s32 $0x4E20, s23  }
.Ltmp0:
0x46: {  	s23 =	sand.u32 @!p0 $0x3, s22;
	s22 =	simm.s32 @!p0 $0x2;
	(pc) =	sbr.rel @p1 .LBB2_2-.Ltmp0, $4  }
0x47: {  	s26 =	smul.u32 @!p0 $0x2800, s23;
	s23 =	simm.s32 @!p0 $0x50;
	[sflag:s24] =	ssyncadd.s32 $0xFFFFF600  }
0x48: {  	[spmem:s3] =	stream.indirect.scatter.add.f32 [tilespmem:s25], [sflag:$0x2], $0x20, s21, s19, $0xb8;
	[tilespmem:$0x1B620] =	vst v63  }
0x49: {  	s1 =	sadd.s32 $0x50, s1;
	_ =	swait.ge @!p0 [sflag:s22], $0xA00  }
0x4a: {  	s25 =	sshrl.u32 @!p0 s26, $0x2;
	s21 =	sadd.s32 $0x50, s21;
	[sflag:s22] =	ssyncset.done @!p0 $0x0  }
0x4b: {  	[sflag:s22] =	ssyncadd.s32 @!p0 $0xFFFFF600;
	s1 =	sadd.s32 @!p0 $0x4E20, s25  }
0x4c: {  	[tilespmem:s1], [sflag:$0x1] =	stream.indirect.gather @!p0 [spmem:s2], $0x20, s0, s23, $0xb8;
	[tilespmem:$0x1B620] =	vst v63  }
0x4d: {  	_ =	swait.ge [sflag:s28], $0xA00  }
0x4e: {  	[sflag:s28] =	ssyncset.done $0x0  }
0x4f: {  	[sflag:s28] =	ssyncadd.s32 $0xFFFFF600  }
0x50: {  	_ =	swait.ge [sflag:s28], $0xA00  }
0x51: {  	[sflag:s28] =	ssyncset.done $0x0  }
0x52: {  	[sflag:s28] =	ssyncadd.s32 $0xFFFFF600  }
0x53: {  	_ =	swait.ge [sflag:s28], $0xA00  }
0x54: {  	[sflag:s28] =	ssyncset.done $0x0  }
0x55: {  	[sflag:s28] =	ssyncadd.s32 $0xFFFFF600  }
0x56: {  	_ =	swait.ge [sflag:s28], $0xA00  }
0x57: {  	[sflag:s28] =	ssyncset.done $0x0  }
0x58: {  	[sflag:s28] =	ssyncadd.s32 $0xFFFFF600  }
0x59: {  	[bflag:$0x0] =	sbarrier.arrive $0xFFFF  }
0x5a: {  	[tilespmem:s14], [sflag:$0x7] =	stream.linear.gather [spmem:s10], $0x5000, $0x38;
	[tilespmem:$0x1B620] =	vst v63  }
0x5b: {  	s30 =	sadd.s32 $0x1, s30;
	_ =	swait.ge [sflag:s29], $0x5000  }
0x5c: {  	p0 =	sne.s32 s30, s12;
	[sflag:s29] =	ssyncset.done $0x0  }
.Ltmp1:
0x5d: {  	[sflag:s29] =	ssyncadd.s32 $0xFFFFB000;
	(pc) =	sbr.rel @p0 .LBB2_1-.Ltmp1, $4  }
0x5e: {  	[hbm4b:s11+s4] =	stream.linear.scatter [tilespmem:s14], [sflag:$0x7], $0x5000, $0x38;
	[tilespmem:$0x1B620] =	vst v63  }
0x5f: {  	_ =	swait.ge [sflag:s29], $0x5000  }
0x60: {  	[sflag:s29] =	ssyncset.done $0x0  }
0x61: {  	[sflag:s29] =	ssyncadd.s32 $0xFFFFB000  }
0x62: {  	_ =	sfence.sel $0x180000  }
0x63: {  	[bflag:$0x0] =	sbarrier.arrive $0xFFFF  }
0x64: {  	_ =	strace $0x9000004D  }
0x65: {  	s0 =	stileid.u32;
	[bflag:$0x2] =	sbarrier.arrive $0xFFFF  }
0x66: {  	p0 =	sne.s32 s0, $0x0;
	s0 =	rddreg [dreg:$0x4]  }
0x67: {  	s0 =	sadd.s32 @!p0 $0x100000, s0  }
0x68: {  	[sflag:s0] =	ssyncadd.tile.s32 @!p0 $0x1;
	_ =	shalt  }
.Lfunc_end2:
_tile_overlayer_lowered:
.L_overlay_start_2:
0x69: {  	(tag) =	ssettag $0x2  }
0x6a: {  	s0 =	rddreg [dreg:$0x0];
	s2 =	stileid.u32  }
0x6b: {  	s1 =	rddreg [dreg:$0x1];
	p0 =	sne.s32 s2, $0x0  }
0x6c: {  	s3 =	rddreg [dreg:$0x2];
	[bflag:$0x3] =	sbarrier.arrive $0xFFFF;
	s2 =	simm.s32 @!p0 $0x1C07  }
0x6d: {  	[timem:s3], [sflag:s2] =	dma.local @!p0 [hbm:s0], s1  }
0x6e: {  	s0 =	simm.s32 @!p0 $0x7  }
0x6f: {  	_ =	swait.ge @!p0 [sflag:s0], s1  }
0x70: {  	s1 =	ssub.s32 @!p0 $0x0, s1;
	[sflag:s0] =	ssyncset.done @!p0 $0x0  }
0x71: {  	[sflag:s0] =	ssyncadd.s32 @!p0 s1  }
0x72: {  	[bflag:$0x3] =	sbarrier.arrive $0xFFFF  }
0x73: {  	_ =	shalt  }

// kernel: kernel.20.cloned.1.call-start
scs
__scs_entry_jumppad:
0x0: {  	(pc) =	sbr.rel $0x88, $3  }
0x1: {  	(tag) =	ssettag $0x0;
	lr =	simm.s32 $0x1  }
0x2: {  	[smem:$0x3F95] =	sst lr;
	_ =	strace $0xD0000000  }
0x3: {  	_ = 	snop  }
0x4: {  	_ = 	snop  }
0x5: {  	_ = 	snop  }
0x6: {  	_ = 	snop  }
0x7: {  	_ = 	snop  }
__scs_overlays_trampoline_lowered:
0x8: {  	[smem:$0x3FA4] =	sst s0  }
0x9: {  	[smem:$0x3FA5] =	sst s1  }
0xa: {  	[smem:$0x3FA6] =	sst s2  }
0xb: {  	[smem:$0x3FA7] =	sst s3  }
0xc: {  	[smem:$0x3FA8] =	sst s4  }
0xd: {  	[smem:$0x3FA9] =	sst s5  }
0xe: {  	[smem:$0x3FAA] =	sst s6  }
0xf: {  	[smem:$0x3FAB] =	sst s7  }
0x10: {  	[smem:$0x3FAC] =	sst s8  }
0x11: {  	[smem:$0x3FAD] =	sst s9;
	s0 =	simm.s32 @!p0 $0x0  }
0x12: {  	s1 =	sld [smem:$0x3F93];
	s0 =	simm.s32 @p0 $0x1  }
0x13: {  	[smem:$0x3FAE] =	sst s0;
	s0 =	simm.s32 @!p1 $0x0  }
0x14: {  	s2 =	sld [smem:$0x3F92];
	s0 =	simm.s32 @p1 $0x1  }
0x15: {  	[smem:$0x3FAF] =	sst s0;
	s0 =	simm.s32 @!p2 $0x0  }
0x16: {  	s3 =	sld [smem:$0x3FDB];
	s0 =	simm.s32 @p2 $0x1  }
0x17: {  	s4 =	simm.s32 $0x1BF5;
	[smem:$0x3FB1] =	sst s0  }
0x18: {  	s0 =	sld [smem:$0x3F94];
	_ =	swait.ge [sflag:s4], $0x0  }
0x19: {  	s7 =	sld [smem:$0x3F95]  }
0x1a: {  	s8 =	sadd.s32 $0xFFFFE003, lr  }
0x1b: {  	s9 =	sadd.s32 $0xFFFFFEF7, lr;
	s5 =	simm.s32 $0xFFFFFFFF;
	p2 =	slt.u32 s8, $0xFFFFF086  }
0x1c: {  	p1 =	slt.u32 s9, $0xF7A;
	s5 =	simm.s32 @!p2 $0x0  }
0x1d: {  	s5 =	simm.s32 @p1 $0x1;
	p0 =	seq.s32 s7, s2  }
0x1e: {  	s7 =	smul.u32 @!p0 $0xF7A, s2;
	p2 =	seq.s32 @!p0 s5, $0x0  }
0x1f: {  	s9 =	smul.u32 $0xF7A, s1;
	s8 =	simm.s32 @!p0 $0x1BF5;
	p2 =	por !p2, p0  }
0x20: {  	[sflag:s8] =	ssyncset.s32 @!p0 $0xFFFFF086;
	s6 =	sadd.s32 @!p0 s3, s7;
	s7 =	simm.s32 @!p0 $0x108  }
0x21: {  	s3 =	sadd.s32 s3, s9;
	s6 =	sadd.s32 @!p0 $0x88, s6;
	s7 =	simm.s32 @p2 $0x1082  }
0x22: {  	[simem:s7], [sflag:s8] =	dma.local @!p0 [hbm:s6], $0xF7A  }
0x23: {  	s9 =	sor.u32 $0xD0000000, s2;
	s6 =	simm.s32 $0x108;
	_ =	swait.ge @!p0 [sflag:s8], $0x0  }
0x24: {  	s3 =	sadd.s32 $0x88, s3;
	s6 =	simm.s32 @!p1 $0x1082;
	[sflag:s4] =	ssyncset.s32 $0xFFFFF086  }
0x25: {  	[simem:s6], [sflag:s4] =	dma.local [hbm:s3], $0xF7A  }
0x26: {  	[smem:$0x3F95] =	sst s1;
	(tag) =	ssettag s2;
	_ =	strace s9  }
0x27: {  	s1 =	sld [smem:$0x3FA5]  }
0x28: {  	s2 =	sld [smem:$0x3FA6]  }
0x29: {  	s4 =	sld [smem:$0x3FA8]  }
0x2a: {  	p0 =	seq.s32 s5, $0x0;
	s5 =	sld [smem:$0x3FA9]  }
0x2b: {  	s6 =	sld [smem:$0x3FAA]  }
0x2c: {  	s7 =	sld [smem:$0x3FAB]  }
0x2d: {  	s3 =	simm.s32 $0x108;
	s8 =	sld [smem:$0x3FAC]  }
0x2e: {  	s3 =	simm.s32 @!p0 $0x1082;
	s9 =	sld [smem:$0x3FAD]  }
0x2f: {  	lr =	sadd.s32 s0, s3;
	s0 =	sld [smem:$0x3FA4]  }
0x30: {  	s3 =	sld [smem:$0x3FA7]  }
0x31: {  	[smem:$0x3FB0] =	sst s10  }
0x32: {  	s10 =	sld [smem:$0x3FAE];
	_ =	sdelay $0x3  }
0x33: {  	p0 =	seq.s32 s10, $0x1;
	s10 =	sld [smem:$0x3FB0];
	_ =	sdelay $0x3  }
0x34: {  	[smem:$0x3FB0] =	sst s10  }
0x35: {  	s10 =	sld [smem:$0x3FAF];
	_ =	sdelay $0x3  }
0x36: {  	p1 =	seq.s32 s10, $0x1;
	s10 =	sld [smem:$0x3FB0];
	_ =	sdelay $0x3  }
0x37: {  	[smem:$0x3FB0] =	sst s10  }
0x38: {  	s10 =	sld [smem:$0x3FB1]  }
0x39: {  	_ = 	snop;
	(pc) =	sbr.ind lr, $3  }
0x3a: {  	_ = 	snop  }
0x3b: {  	_ = 	snop  }
0x3c: {  	p2 =	seq.s32 s10, $0x1;
	s10 =	sld [smem:$0x3FB0]  }
0x3d: {  	_ =	shalt  }
0x3e: {  	_ =	shalt  }
0x3f: {  	_ =	shalt  }
0x40: {  	_ =	shalt  }
0x41: {  	_ =	shalt  }
0x42: {  	_ =	shalt  }
0x43: {  	_ =	shalt  }
0x44: {  	_ =	shalt  }
0x45: {  	_ =	shalt  }
0x46: {  	_ =	shalt  }
0x47: {  	_ =	shalt  }
0x48: {  	_ =	shalt  }
0x49: {  	_ =	shalt  }
0x4a: {  	_ =	shalt  }
0x4b: {  	_ =	shalt  }
0x4c: {  	_ =	shalt  }
0x4d: {  	_ =	shalt  }
0x4e: {  	_ =	shalt  }
0x4f: {  	_ =	shalt  }
0x50: {  	_ =	shalt  }
0x51: {  	_ =	shalt  }
0x52: {  	_ =	shalt  }
0x53: {  	_ =	shalt  }
0x54: {  	_ =	shalt  }
0x55: {  	_ =	shalt  }
0x56: {  	_ =	shalt  }
0x57: {  	_ =	shalt  }
0x58: {  	_ =	shalt  }
0x59: {  	_ =	shalt  }
0x5a: {  	_ =	shalt  }
0x5b: {  	_ =	shalt  }
0x5c: {  	_ =	shalt  }
0x5d: {  	_ =	shalt  }
0x5e: {  	_ =	shalt  }
0x5f: {  	_ =	shalt  }
0x60: {  	_ =	shalt  }
0x61: {  	_ =	shalt  }
0x62: {  	_ =	shalt  }
0x63: {  	_ =	shalt  }
0x64: {  	_ =	shalt  }
0x65: {  	_ =	shalt  }
0x66: {  	_ =	shalt  }
0x67: {  	_ =	shalt  }
0x68: {  	_ =	shalt  }
0x69: {  	_ =	shalt  }
0x6a: {  	_ =	shalt  }
0x6b: {  	_ =	shalt  }
0x6c: {  	_ =	shalt  }
0x6d: {  	_ =	shalt  }
0x6e: {  	_ =	shalt  }
0x6f: {  	_ =	shalt  }
0x70: {  	_ =	shalt  }
0x71: {  	_ =	shalt  }
0x72: {  	_ =	shalt  }
0x73: {  	_ =	shalt  }
0x74: {  	_ =	shalt  }
0x75: {  	_ =	shalt  }
0x76: {  	_ =	shalt  }
0x77: {  	_ =	shalt  }
0x78: {  	_ =	shalt  }
0x79: {  	_ =	shalt  }
0x7a: {  	_ =	shalt  }
0x7b: {  	_ =	shalt  }
0x7c: {  	_ =	shalt  }
0x7d: {  	_ =	shalt  }
0x7e: {  	_ =	shalt  }
0x7f: {  	_ =	shalt  }
0x80: {  	_ =	shalt  }
0x81: {  	_ =	shalt  }
0x82: {  	_ =	shalt  }
0x83: {  	_ =	shalt  }
0x84: {  	_ =	shalt  }
0x85: {  	_ =	shalt  }
0x86: {  	_ =	shalt  }
0x87: {  	_ =	shalt  }
.Lfunc_end0:
.L_simem_size_0:
called_computation.3_lowered:
.L_overlay_start_0:
0x88: {  	s2 =	sld [smem:$0x3FD9]  }
0x89: {  	s3 =	sld [smem:$0x3FFE];
	_ =	sdelay $0x1  }
0x8a: {  	s1 =	srdreg.scid  }
0x8b: {  	s0 =	sand.u32 $0x1, s1  }
0x8c: {  	s17 =	sshll.u32 s0, $0xA;
	s2 =	sadd.s32 s3, s2  }
0x8d: {  	s2 =	sadd.s32 s2, s17  }
0x8e: {  	[smem:$0x3FBC] =	sst s2  }
0x8f: {  	_ = 	snop  }
0x90: {  	s2 =	sld [smem:$0x3FD0];
	(tm) =	ssettm $0x1  }
0x91: {  	s18 =	sld [smem:$0x3FFB];
	_ =	sdelay $0x3  }
0x92: {  	_ =	strace s18  }
0x93: {  	s3 =	sld [smem:$0x3FFC];
	_ =	sdelay $0x3  }
0x94: {  	_ =	strace s3  }
0x95: {  	s3 =	sld [smem:$0x3FFD];
	_ =	sdelay $0x3  }
0x96: {  	_ =	strace s3  }
0x97: {  	_ =	strace $0x8FFFFFFF  }
0x98: {  	s19 =	sld [smem:$0x3FDB];
	_ =	sdelay $0x1  }
0x99: {  	s4 =	simm.s32 $_scs_section_size  }
0x9a: {  	s5 =	simm.s32 $_size__tile_overlayer_lowered;
	s6 =	simm.s32 $_tile_overlayer_lowered  }
0x9b: {  	s22 =	simm.s32 $0x1BFF;
	s21 =	sshll.u32 s6, $0x1;
	s3 =	sadd.s32 s4, s19  }
0x9c: {  	s7 =	simm.s32 $0x0;
	s20 =	sshll.u32 s5, $0x1;
	s5 =	sadd.s32 s21, s3  }
0x9d: {  	[timem:s7], [sflag:s22] =	dma.local [hbm:s5], s20  }
0x9e: {  	_ =	swait.ge [sflag:s22], s20  }
0x9f: {  	s4 =	ssub.s32 $0x0, s20;
	[sflag:s22] =	ssyncset.done $0x0  }
0xa0: {  	[sflag:s22] =	ssyncadd.s32 s4;
	_ =	sdelay $0x1  }
0xa1: {  	s23 =	simm.s32 $0x1B8B  }
0xa2: {  	_ =	swait.ge [sflag:s23], $0x1  }
0xa3: {  	[sflag:s23] =	ssyncset.done $0x0  }
0xa4: {  	s25 =	simm.s32 $0x1B8E;
	s24 =	sld [smem:$0x3FFE];
	[sflag:s23] =	ssyncadd.s32 $0xFFFFFFFF  }
0xa5: {  	s26 =	simm.s32 $execute0_lowered;
	[smem:$0x3FD2] =	sst s25  }
0xa6: {  	s5 =	sshll.u32 s26, $0x1;
	_ =	strace $0x8000004F;
	[dreg:$0x1] =	wrdreg $0xFFFFFFFF  }
0xa7: {  	s28 =	simm.s32 $_size_execute0_lowered;
	s3 =	sadd.s32 s3, s5;
	[dreg:$0x0] =	wrdreg $0x0  }
0xa8: {  	s5 =	sshll.u32 s28, $0x1;
	[dreg:$0x2] =	wrdreg s3  }
0xa9: {  	[dreg:$0x3] =	wrdreg s5  }
0xaa: {  	[dreg:$0x4] =	wrdreg $0xC0  }
0xab: {  	_ =	task [dreg:s7], $0x5FFFF  }
0xac: {  	[dreg:$0x1] =	wrdreg $0xFFFFFFFF  }
0xad: {  	[dreg:$0x0] =	wrdreg $0x60  }
0xae: {  	[dreg:$0x2] =	wrdreg s24  }
0xaf: {  	[dreg:$0x3] =	wrdreg s2  }
0xb0: {  	[dreg:$0x4] =	wrdreg $0x116200  }
0xb1: {  	[dreg:$0x5] =	wrdreg $0x166200  }
0xb2: {  	[dreg:$0x6] =	wrdreg $0x9  }
0xb3: {  	_ =	task.clear_ibuf [dreg:s7], $0x7FFFF;
	_ =	strace $0x9000004F  }
0xb4: {  	s29 =	simm.s32 $0x9;
	_ =	strace $0x80000051  }
0xb5: {  	_ =	swait.ge [sflag:s29], $0x1  }
0xb6: {  	[sflag:s29] =	ssyncadd.s32 $0xFFFFFFFF  }
0xb7: {  	_ =	strace $0x90000051  }
0xb8: {  	_ =	sfence  }
0xb9: {  	s30 =	sld [smem:$0x0];
	_ =	sdelay $0x2  }
0xba: {  	s31 =	sshll.u32 s1, $0xD;
	s1 =	sshrl.u32 s1, $0x2  }
0xbb: {  	s3 =	sand.u32 $0x4000, s31;
	s1 =	sadd.s32 s1, s30  }
0xbc: {  	s0 =	sor.u32 s3, s0;
	s1 =	sshll.u32 s1, $0x11  }
0xbd: {  	s0 =	sor.u32 s1, s0  }
0xbe: {  	s0 =	sadd.s32 $0x8F2B, s0  }
0xbf: {  	[sflag:s0] =	ssyncadd.remote.s32 $0x1  }
0xc0: {  	_ =	sfence.sel $0xFFFF  }
0xc1: {  	[dreg:$0x0] =	wrdreg $0xFFFFFFFF;
	(pc) =	sbr.abs _section_cstart, $3  }
0xc2: {  	[dreg:$0x1] =	wrdreg $0xFFFFFFFF  }
0xc3: {  	_ =	task.clear_ibuf [dreg:s7], $0x2FFFF;
	_ =	strace $0x9FFFFFFF  }
0xc4: {  	(tm) =	ssettm $0x7FFFFFFF  }
0xc5: {  	_ =	shalt  }
tec
execute0_lowered:
.L_overlay_start_1:
0x0: {  	(tag) =	ssettag $0x1  }
0x1: {  	s0 =	rddreg [dreg:$0x0]  }
0x2: {  	s1 =	rddreg [dreg:$0x1]  }
0x3: {  	s2 =	rddreg [dreg:$0x2]  }
0x4: {  	s3 =	rddreg [dreg:$0x3];
	s4 =	simm.s32 $0x0  }
0x5: {  	s6 =	stileid.u32;
	s5 =	srdreg.scid;
	s13 =	simm.s32 $0x2710  }
0x6: {  	s14 =	simm.s32 $0x7620;
	s15 =	simm.s32 $0xC620;
	s16 =	simm.s32 $0x5  }
0x7: {  	s17 =	simm.s32 $0x6;
	s18 =	simm.s32 $0x3;
	s19 =	simm.s32 $0x50  }
0x8: {  	s20 =	simm.s32 $0x4E20;
	s24 =	simm.s32 $0x1;
	s28 =	simm.s32 $0x2  }
0x9: {  	s29 =	simm.s32 $0x7;
	s30 =	simm.s32 $0x0;
	s10 =	smul.u32 $0x5000, s6  }
0xa: {  	s5 =	sand.u32 $0x1, s5;
	s6 =	sshll.u32 s6, $0x1;
	[smem:$0x7FF] =	sst s4  }
0xb: {  	s6 =	sor.u32 s5, s6;
	s7 =	smul.u32 $0x50000, s5;
	_ =	strace $0x80000050  }
0xc: {  	s31 =	ssub.s32 $0x2, s5;
	s8 =	sshrl.u32 s10, $0x3;
	s9 =	smul.u32 $0x4E2, s6  }
0xd: {  	s5 =	sadd.s32 $0x4400, s0;
	s12 =	sshrl.u32 s31, $0x1;
	s8 =	sadd.s32 s8, s0  }
0xe: {  	s26 =	sadd.s32 s10, s7;
	s12 =	ssub.s32 s31, s12;
	s11 =	sadd.s32 s9, s0  }
0xf: {  	s6 =	sshrl.u32 s26, $0x3;
	s7 =	sadd.s32 s1, s9;
	s8 =	sadd.s32 $0x4E00, s8  }
0x10: {  	s9 =	sadd.s32 s10, s2;
	s10 =	sadd.s32 s10, s3;
	s0 =	sadd.s32 s6, s0  }
0x11: {  	s12 =	smax.u32 s12, $0x1;
	s6 =	sadd.s32 $0x18E00, s11;
	s11 =	sadd.s32 $0x22C00, s0  }
.LBB2_1:
0x12: {  	[tilespmem:s4], [sflag:$0x3] =	stream.linear.gather [hbm4b:s6+s4], $0x2710, $0x38;
	[tilespmem:$0x1B620] =	vst v63  }
0x13: {  	_ = 	snop  }
0x14: {  	[tilespmem:s13], [sflag:$0x4] =	stream.linear.gather [hbm4b:s7+s4], $0x2710, $0x38;
	[tilespmem:$0x1B620] =	vst v63  }
0x15: {  	_ = 	snop  }
0x16: {  	[tilespmem:s14], [sflag:$0x5] =	stream.linear.gather [hbm4b:s8+s4], $0x5000, $0x38;
	[tilespmem:$0x1B620] =	vst v63  }
0x17: {  	_ = 	snop  }
0x18: {  	[tilespmem:s15], [sflag:$0x6] =	stream.linear.gather [hbm4b:s5+s4], $0x5000, $0x38;
	[tilespmem:$0x1B620] =	vst v63  }
0x19: {  	_ =	swait.ge [sflag:s16], $0x5000  }
0x1a: {  	[sflag:s16] =	ssyncset.done $0x0  }
0x1b: {  	[sflag:s16] =	ssyncadd.s32 $0xFFFFB000  }
0x1c: {  	[spmem:s9] =	stream.linear.scatter [tilespmem:s14], [sflag:$0x5], $0x5000, $0x38;
	[tilespmem:$0x1B620] =	vst v63  }
0x1d: {  	_ =	swait.ge [sflag:s17], $0x5000  }
0x1e: {  	[sflag:s17] =	ssyncset.done $0x0  }
0x1f: {  	[sflag:s17] =	ssyncadd.s32 $0xFFFFB000  }
0x20: {  	[spmem:s10] =	stream.linear.scatter [tilespmem:s15], [sflag:$0x6], $0x5000, $0x38;
	[tilespmem:$0x1B620] =	vst v63  }
0x21: {  	_ =	swait.ge [sflag:s18], $0x2710  }
0x22: {  	[sflag:s18] =	ssyncset.done $0x0  }
0x23: {  	s1 =	simm.s32 $0x4;
	[sflag:s18] =	ssyncadd.s32 $0xFFFFD8F0  }
0x24: {  	_ =	swait.ge [sflag:s1], $0x2710  }
0x25: {  	[sflag:s1] =	ssyncset.done $0x0  }
0x26: {  	[sflag:s1] =	ssyncadd.s32 $0xFFFFD8F0  }
0x27: {  	_ =	swait.ge [sflag:s16], $0x5000  }
0x28: {  	[sflag:s16] =	ssyncset.done $0x0  }
0x29: {  	[sflag:s16] =	ssyncadd.s32 $0xFFFFB000  }
0x2a: {  	_ =	swait.ge [sflag:s17], $0x5000  }
0x2b: {  	[sflag:s17] =	ssyncset.done $0x0  }
0x2c: {  	[sflag:s17] =	ssyncadd.s32 $0xFFFFB000  }
0x2d: {  	[bflag:$0x0] =	sbarrier.arrive $0xFFFF  }
0x2e: {  	[tilespmem:s20], [sflag:$0x1] =	stream.indirect.gather [spmem:s2], $0x20, s4, s19, $0xb8;
	[tilespmem:$0x1B620] =	vst v63  }
0x2f: {  	s0 =	simm.s32 $0x5820  }
0x30: {  	[tilespmem:s0], [sflag:$0x1] =	stream.indirect.gather [spmem:s2], $0x20, s19, s19, $0xb8;
	[tilespmem:$0x1B620] =	vst v63  }
0x31: {  	s26 =	simm.s32 $0xA0;
	s21 =	simm.s32 $0x6220  }
0x32: {  	[tilespmem:s21], [sflag:$0x1] =	stream.indirect.gather [spmem:s2], $0x20, s26, s19, $0xb8;
	[tilespmem:$0x1B620] =	vst v63  }
0x33: {  	s22 =	simm.s32 $0xF0;
	_ =	swait.ge [sflag:s24], $0xA00  }
0x34: {  	s23 =	simm.s32 $0x6C20;
	s25 =	simm.s32 $0x1;
	[sflag:s24] =	ssyncset.done $0x0  }
0x35: {  	p0 =	por $0x0, $0x0;
	s0 =	sand.u32 $0x3, s25;
	[sflag:s24] =	ssyncadd.s32 $0xFFFFF600  }
0x36: {  	[spmem:s3] =	stream.indirect.scatter.add.f32 [tilespmem:s20], [sflag:$0x2], $0x20, s13, s19, $0xb8;
	[tilespmem:$0x1B620] =	vst v63  }
0x37: {  	s31 =	simm.s32 $0x5;
	s1 =	sand.u32 @!p0 $0x3, s1;
	s26 =	smul.u32 $0x2800, s0  }
0x38: {  	[tilespmem:s23], [sflag:$0x1] =	stream.indirect.gather [spmem:s2], $0x20, s22, s19, $0xb8;
	[tilespmem:$0x1B620] =	vst v63  }
0x39: {  	s25 =	smul.u32 @!p0 $0x2800, s1;
	s21 =	sshrl.u32 s26, $0x2;
	_ =	swait.ge [sflag:s24], $0xA00  }
0x3a: {  	s1 =	simm.s32 $0x190;
	s21 =	sadd.s32 $0x4E20, s21;
	[sflag:s24] =	ssyncset.done $0x0  }
0x3b: {  	s23 =	simm.s32 $0x2760;
	s22 =	simm.s32 @!p0 $0x2;
	[sflag:s24] =	ssyncadd.s32 $0xFFFFF600  }
0x3c: {  	[spmem:s3] =	stream.indirect.scatter.add.f32 [tilespmem:s21], [sflag:$0x2], $0x20, s23, s19, $0xb8;
	[tilespmem:$0x1B620] =	vst v63  }
0x3d: {  	s0 =	simm.s32 $0x140;
	s25 =	sshrl.u32 @!p0 s25, $0x2;
	_ =	swait.ge @!p0 [sflag:s22], $0xA00  }
0x3e: {  	s23 =	simm.s32 @!p0 $0x50;
	s21 =	simm.s32 $0x27B0;
	[sflag:s22] =	ssyncset.done @!p0 $0x0  }
.LBB2_2:
0x3f: {  	s26 =	sadd.s32 $0xFFFFFFFD, s31;
	[sflag:s22] =	ssyncadd.s32 @!p0 $0xFFFFF600;
	s22 =	sadd.s32 @!p0 $0x4E20, s25  }
0x40: {  	[tilespmem:s22], [sflag:$0x1] =	stream.indirect.gather @!p0 [spmem:s2], $0x20, s0, s23, $0xb8;
	[tilespmem:$0x1B620] =	vst v63  }
0x41: {  	s0 =	sand.u32 $0x3, s26  }
0x42: {  	s22 =	smov.u32 s31;
	s31 =	sadd.s32 $0x1, s31;
	s23 =	smul.u32 $0x2800, s0  }
0x43: {  	p1 =	sne.s32 s31, $0x80;
	s0 =	smov.u32 s1  }
0x44: {  	_ =	swait.ge [sflag:s24], $0xA00;
	s23 =	sshrl.u32 s23, $0x2  }
0x45: {  	p0 =	sgt.u32 s26, $0x79;
	[sflag:s24] =	ssyncset.done $0x0;
	s25 =	sadd.s32 $0x4E20, s23  }
.Ltmp0:
0x46: {  	s23 =	sand.u32 @!p0 $0x3, s22;
	s22 =	simm.s32 @!p0 $0x2;
	(pc) =	sbr.rel @p1 .LBB2_2-.Ltmp0, $4  }
0x47: {  	s26 =	smul.u32 @!p0 $0x2800, s23;
	s23 =	simm.s32 @!p0 $0x50;
	[sflag:s24] =	ssyncadd.s32 $0xFFFFF600  }
0x48: {  	[spmem:s3] =	stream.indirect.scatter.add.f32 [tilespmem:s25], [sflag:$0x2], $0x20, s21, s19, $0xb8;
	[tilespmem:$0x1B620] =	vst v63  }
0x49: {  	s1 =	sadd.s32 $0x50, s1;
	_ =	swait.ge @!p0 [sflag:s22], $0xA00  }
0x4a: {  	s25 =	sshrl.u32 @!p0 s26, $0x2;
	s21 =	sadd.s32 $0x50, s21;
	[sflag:s22] =	ssyncset.done @!p0 $0x0  }
0x4b: {  	[sflag:s22] =	ssyncadd.s32 @!p0 $0xFFFFF600;
	s1 =	sadd.s32 @!p0 $0x4E20, s25  }
0x4c: {  	[tilespmem:s1], [sflag:$0x1] =	stream.indirect.gather @!p0 [spmem:s2], $0x20, s0, s23, $0xb8;
	[tilespmem:$0x1B620] =	vst v63  }
0x4d: {  	_ =	swait.ge [sflag:s28], $0xA00  }
0x4e: {  	[sflag:s28] =	ssyncset.done $0x0  }
0x4f: {  	[sflag:s28] =	ssyncadd.s32 $0xFFFFF600  }
0x50: {  	_ =	swait.ge [sflag:s28], $0xA00  }
0x51: {  	[sflag:s28] =	ssyncset.done $0x0  }
0x52: {  	[sflag:s28] =	ssyncadd.s32 $0xFFFFF600  }
0x53: {  	_ =	swait.ge [sflag:s28], $0xA00  }
0x54: {  	[sflag:s28] =	ssyncset.done $0x0  }
0x55: {  	[sflag:s28] =	ssyncadd.s32 $0xFFFFF600  }
0x56: {  	_ =	swait.ge [sflag:s28], $0xA00  }
0x57: {  	[sflag:s28] =	ssyncset.done $0x0  }
0x58: {  	[sflag:s28] =	ssyncadd.s32 $0xFFFFF600  }
0x59: {  	[bflag:$0x0] =	sbarrier.arrive $0xFFFF  }
0x5a: {  	[tilespmem:s14], [sflag:$0x7] =	stream.linear.gather [spmem:s10], $0x5000, $0x38;
	[tilespmem:$0x1B620] =	vst v63  }
0x5b: {  	s30 =	sadd.s32 $0x1, s30;
	_ =	swait.ge [sflag:s29], $0x5000  }
0x5c: {  	p0 =	sne.s32 s30, s12;
	[sflag:s29] =	ssyncset.done $0x0  }
.Ltmp1:
0x5d: {  	[sflag:s29] =	ssyncadd.s32 $0xFFFFB000;
	(pc) =	sbr.rel @p0 .LBB2_1-.Ltmp1, $4  }
0x5e: {  	[hbm4b:s11+s4] =	stream.linear.scatter [tilespmem:s14], [sflag:$0x7], $0x5000, $0x38;
	[tilespmem:$0x1B620] =	vst v63  }
0x5f: {  	_ =	swait.ge [sflag:s29], $0x5000  }
0x60: {  	[sflag:s29] =	ssyncset.done $0x0  }
0x61: {  	[sflag:s29] =	ssyncadd.s32 $0xFFFFB000  }
0x62: {  	_ =	sfence.sel $0x180000  }
0x63: {  	[bflag:$0x0] =	sbarrier.arrive $0xFFFF  }
0x64: {  	_ =	strace $0x90000050  }
0x65: {  	s0 =	stileid.u32;
	[bflag:$0x2] =	sbarrier.arrive $0xFFFF  }
0x66: {  	p0 =	sne.s32 s0, $0x0;
	s0 =	rddreg [dreg:$0x4]  }
0x67: {  	s0 =	sadd.s32 @!p0 $0x100000, s0  }
0x68: {  	[sflag:s0] =	ssyncadd.tile.s32 @!p0 $0x1;
	_ =	shalt  }
.Lfunc_end2:
_tile_overlayer_lowered:
.L_overlay_start_2:
0x69: {  	(tag) =	ssettag $0x2  }
0x6a: {  	s0 =	rddreg [dreg:$0x0];
	s2 =	stileid.u32  }
0x6b: {  	s1 =	rddreg [dreg:$0x1];
	p0 =	sne.s32 s2, $0x0  }
0x6c: {  	s3 =	rddreg [dreg:$0x2];
	[bflag:$0x3] =	sbarrier.arrive $0xFFFF;
	s2 =	simm.s32 @!p0 $0x1C07  }
0x6d: {  	[timem:s3], [sflag:s2] =	dma.local @!p0 [hbm:s0], s1  }
0x6e: {  	s0 =	simm.s32 @!p0 $0x7  }
0x6f: {  	_ =	swait.ge @!p0 [sflag:s0], s1  }
0x70: {  	s1 =	ssub.s32 @!p0 $0x0, s1;
	[sflag:s0] =	ssyncset.done @!p0 $0x0  }
0x71: {  	[sflag:s0] =	ssyncadd.s32 @!p0 s1  }
0x72: {  	[bflag:$0x3] =	sbarrier.arrive $0xFFFF  }
0x73: {  	_ =	shalt  }

</sc_bundles>
